<compile_context>
chip_gen: v7x
topology: tpu7x:2x2x1
jax: 0.10.2.dev20260603
libtpu: 0.0.44.dev20260713+nightly
codegen_flags: <defaults>
</compile_context>

<pallas_src>
import functools

import jax
import jax.numpy as jnp
from jax import lax
from jax.experimental import pallas as pl
from jax.experimental.pallas import tpu as pltpu
from jax.experimental.pallas import tpu_sc as plsc

H, W = 512, 512
B, P, C = 4, 12000, 64
HW = H * W
NC, NS, L = 2, 16, 16
SENT = P
PPAD = 12016
CELLS_SC = HW // NC
CELLS_A = CELLS_SC // NS
NVREG_P = P // L
CPW = 4
CHUNK = 2048
NCHUNK = CELLS_SC // CHUNK

_MESH = plsc.VectorSubcoreMesh(
    core_axis_name="c", subcore_axis_name="s", num_cores=NC, num_subcores=NS
)


@functools.partial(
    pl.kernel,
    out_type=jax.ShapeDtypeStruct((B * C * HW,), jnp.float32),
    mesh=_MESH,
    scratch_types=[
        pltpu.VMEM((P,), jnp.int32),
        pltpu.VMEM((P,), jnp.int32),
        pltpu.VMEM((CELLS_A,), jnp.int32),
        pltpu.VMEM((PPAD,), jnp.uint32),
        pltpu.VMEM((CPW * PPAD,), jnp.float32),
        pltpu.VMEM((2 * CHUNK,), jnp.int32),
        pltpu.VMEM((2 * CPW * CHUNK,), jnp.float32),
        pltpu.VMEM_SHARED((2 * CELLS_SC,), jnp.int32),
        pltpu.SemaphoreType.DMA((2,)),
        pltpu.SemaphoreType.DMA((2,)),
        pltpu.SemaphoreType.DMA,
        pltpu.SemaphoreType.DMA,
    ],
    compiler_params=pltpu.CompilerParams(needs_layout_passes=False),
)
def _scatter_image(y_hbm, x_hbm, featT_hbm, out_hbm,
                   y_v, x_v, img_v, pk_v, tab_v, idx_v, ob_v, sp,
                   isem, osem, tsem, ysem):
    cid = lax.axis_index("c")
    sid = lax.axis_index("s")
    base = cid * CELLS_SC + sid * CELLS_A
    c0 = sid * CPW
    cellbase = cid * CELLS_SC
    lane = lax.iota(jnp.int32, L)
    nxt = jnp.minimum(lane + 1, L - 1)
    sentv = jnp.full((L,), SENT, jnp.int32)

    pltpu.sync_copy(y_hbm.at[pl.ds(0, P)], y_v)
    pltpu.sync_copy(x_hbm.at[pl.ds(0, P)], x_v)

    for b in range(B):
        if b > 0:
            pltpu.make_async_copy(y_hbm.at[pl.ds(b * P, P)], y_v, ysem).wait()
            pltpu.make_async_copy(x_hbm.at[pl.ds(b * P, P)], x_v, ysem).wait()
        pltpu.async_copy(
            featT_hbm.at[pl.ds((b * C + c0) * PPAD, CPW * PPAD)], tab_v, tsem
        )

        @plsc.parallel_loop(0, CELLS_A // L)
        def _(i):
            img_v[pl.ds(i * L, L)] = sentv

        def p1(i, off):
            yv = y_v[pl.ds(i * L, L)]
            xv = x_v[pl.ds(i * L, L)]
            ok = (xv >= 0) & (xv < W) & (yv >= 0) & (yv < H)
            linv = jnp.where(ok, yv * W + xv, -1)
            hit = (linv >= base) & (linv < base + CELLS_A)
            packed = (linv * 16384 + (lane + i * L)).astype(jnp.uint32)
            plsc.store_compressed(pk_v.at[pl.ds(off, L)], packed, mask=hit)
            return off + jnp.sum(hit.astype(jnp.int32))

        nhit = lax.fori_loop(0, NVREG_P, p1, jnp.int32(0))

        def p2(j, carry):
            pk = pk_v[pl.ds(j * L, L)]
            valid = (j * L + lane) < nhit
            sk, sv, sm = plsc.sort_key_val(pk, pk, mask=valid)
            lin_s = jnp.where(
                sm, lax.shift_right_logical(sk, jnp.uint32(14)).astype(jnp.int32), -7
            )
            lin_n = lin_s.at[nxt].get(mode="promise_in_bounds")
            win = (lin_s != lin_n) | (lane == L - 1)
            pval = (sv & jnp.uint32(16383)).astype(jnp.int32)
            plsc.store_scatter(img_v, [lin_s - base], pval, mask=win & sm)
            return carry

        lax.fori_loop(0, (nhit + L - 1) >> 4, p2, 0)

        pltpu.sync_copy(
            img_v,
            sp.at[pl.ds((b & 1) * CELLS_SC + sid * CELLS_A, CELLS_A)],
        )
        plsc.subcore_barrier()

        if b + 1 < B:
            pltpu.async_copy(y_hbm.at[pl.ds((b + 1) * P, P)], y_v, ysem)
            pltpu.async_copy(x_hbm.at[pl.ds((b + 1) * P, P)], x_v, ysem)
        pltpu.make_async_copy(
            featT_hbm.at[pl.ds(0, CPW * PPAD)], tab_v, tsem
        ).wait()

        spbase = (b & 1) * CELLS_SC
        pltpu.async_copy(
            sp.at[pl.ds(spbase, CHUNK)], idx_v.at[pl.ds(0, CHUNK)], isem.at[0]
        )

        def step(t, carry):
            slot = t & 1

            @pl.when(t < NCHUNK - 1)
            def _():
                ns = (t + 1) & 1
                pltpu.async_copy(
                    sp.at[pl.ds(spbase + (t + 1) * CHUNK, CHUNK)],
                    idx_v.at[pl.ds(ns * CHUNK, CHUNK)],
                    isem.at[ns],
                )

            pltpu.make_async_copy(
                sp.at[pl.ds(spbase, CHUNK)],
                idx_v.at[pl.ds(slot * CHUNK, CHUNK)],
                isem.at[slot],
            ).wait()

            @pl.when(t >= 2)
            def _():
                pltpu.make_async_copy(
                    out_hbm.at[pl.ds(0, CPW * CHUNK)],
                    ob_v.at[pl.ds(slot * CPW * CHUNK, CPW * CHUNK)],
                    osem.at[slot],
                ).wait()

            @plsc.parallel_loop(0, CHUNK // L, unroll=4)
            def _(i):
                vidx = idx_v[pl.ds(slot * CHUNK + i * L, L)]
                for c in range(CPW):
                    ob_v[pl.ds(slot * CPW * CHUNK + c * CHUNK + i * L, L)] = (
                        plsc.load_gather(tab_v, [vidx + c * PPAD])
                    )

            for c in range(CPW):
                pltpu.async_copy(
                    ob_v.at[pl.ds(slot * CPW * CHUNK + c * CHUNK, CHUNK)],
                    out_hbm.at[
                        pl.ds((b * C + c0 + c) * HW + cellbase + t * CHUNK,
                              CHUNK)
                    ],
                    osem.at[slot],
                )
            return carry

        lax.fori_loop(0, NCHUNK, step, 0)

        for slot in range(2):
            pltpu.make_async_copy(
                out_hbm.at[pl.ds(0, CPW * CHUNK)],
                ob_v.at[pl.ds(slot * CPW * CHUNK, CPW * CHUNK)],
                osem.at[slot],
            ).wait()


def kernel(pillar_features, coords):
    y = coords[:, :, 1].astype(jnp.int32).reshape(B * P)
    x = coords[:, :, 2].astype(jnp.int32).reshape(B * P)
    featT = (
        jnp.zeros((B, C, PPAD), jnp.float32)
        .at[:, :, :P]
        .set(pillar_features.transpose(0, 2, 1))
        .reshape(B * C * PPAD)
    )
    out = _scatter_image(y, x, featT)
    return out.reshape(B, C, H, W)

# --- scband reference (transcript-rebuilt; emitter-appended) ---
"""Pipeline reference for scband-pseudo-image-scatter-4243427688683 (READ-ONLY COPY).

The authoritative reference and input builder live on the scoring server;
editing this copy changes nothing except your own understanding.
"""

import jax, jax.numpy as jnp
import numpy as np

H, W = 512, 512
NUM_FEATURES = 64


def setup_inputs(seed: int = 0) -> dict:
    key = jax.random.key(seed)
    k1, k2 = jax.random.split(key)
    B, P, C = 4, 12000, 64
    pillar_features = jax.random.normal(k1, (B, P, C), dtype=jnp.float32)
    coords = jax.random.randint(k2, (B, P, 4), 0, 512)
    return {"pillar_features": pillar_features, "coords": coords}


def reference(pillar_features, coords):
    # Faithful jax translation of PseudoImageScatter.forward.
    # pillar_features: [B, P, C], coords: [B, P, 4] (batch_idx, y_idx, x_idx, z_idx per original indexing)
    B, P, C = pillar_features.shape
    y_idx = coords[:, :, 1].astype(jnp.int32)  # [B, P]
    x_idx = coords[:, :, 2].astype(jnp.int32)  # [B, P]
    valid = (x_idx >= 0) & (x_idx < W) & (y_idx >= 0) & (y_idx < H)
    # linear spatial index; invalid pillars mapped out-of-range and dropped by scatter
    lin = jnp.where(valid, y_idx * W + x_idx, H * W)  # [B, P]
    img = jnp.zeros((B, H * W, NUM_FEATURES), dtype=pillar_features.dtype)
    b_idx = jnp.arange(B)[:, None]  # [B, 1]
    # scatter-overwrite: last/one writer wins per cell (matches torch loop overwrite semantics)
    img = img.at[b_idx, lin].set(pillar_features, mode='drop')
    pseudo_image = img.reshape(B, H, W, NUM_FEATURES).transpose(0, 3, 1, 2)  # [B, C, H, W]
    return pseudo_image

if __name__ == "__main__":
    import jax
    _d = setup_inputs()
    print(jax.jit(kernel)(*tuple(_d.values())))

</pallas_src>

<mosaic_0001>
#map = affine_map<(d0, d1) -> (0)>
module attributes {stable_mosaic.version = 14 : i64} {
  func.func @_scatter_image(%arg0: i32, %arg1: i32, %arg2: memref<48000xi32, #tpu.memory_space<hbm>>, %arg3: memref<48000xi32, #tpu.memory_space<hbm>>, %arg4: memref<3076096xf32, #tpu.memory_space<hbm>>, %arg5: memref<67108864xf32, #tpu.memory_space<hbm>>, %arg6: memref<12000xi32, #tpu.memory_space<vmem>>, %arg7: memref<12000xi32, #tpu.memory_space<vmem>>, %arg8: memref<8192xi32, #tpu.memory_space<vmem>>, %arg9: memref<12016xi32, #tpu.memory_space<vmem>>, %arg10: memref<48064xf32, #tpu.memory_space<vmem>>, %arg11: memref<4096xi32, #tpu.memory_space<vmem>>, %arg12: memref<16384xf32, #tpu.memory_space<vmem>>, %arg13: memref<262144xi32, #tpu.memory_space<vmem_shared>>, %arg14: memref<2x!tpu.dma_semaphore, #tpu.memory_space<semaphore_mem>>, %arg15: memref<2x!tpu.dma_semaphore, #tpu.memory_space<semaphore_mem>>, %arg16: memref<!tpu.dma_semaphore, #tpu.memory_space<semaphore_mem>>, %arg17: memref<!tpu.dma_semaphore, #tpu.memory_space<semaphore_mem>>) attributes {dimension_semantics = [#tpu.dimension_semantics<core_parallel>, #tpu.dimension_semantics<subcore_parallel>], iteration_bounds = array<i64: 2, 16>, scalar_prefetch = 0 : i64, scratch_operands = 12 : i64, tpu.core_type = #tpu.core_type<sc_vector_subcore>, window_params = [{transform_indices = #map}, {transform_indices = #map}, {transform_indices = #map}, {transform_indices = #map}]} {
    %mul3A = arith.constant 131072 : i32
    %mul3A_0 = arith.muli %arg0, %mul3A : i32
    %mul3A_1 = arith.constant 8192 : i32
    %mul3A_2 = arith.muli %arg1, %mul3A_1 : i32
    %add3A = arith.addi %mul3A_0, %mul3A_2 : i32
    %mul3A_3 = arith.constant 4 : i32
    %mul3A_4 = arith.muli %arg1, %mul3A_3 : i32
    %mul3A_5 = arith.constant 131072 : i32
    %mul3A_6 = arith.muli %arg0, %mul3A_5 : i32
    %iota3A = tpu.iota {dimensions = array<i32: 0>} : vector<16xi32>
    %add3A_7 = arith.constant 1 : i32
    %add3A_8 = vector.broadcast %add3A_7 : i32 to vector<16xi32>
    %add3A_9 = arith.addi %iota3A, %add3A_8 : vector<16xi32>
    %min3A = arith.constant 15 : i32
    %min3A_10 = vector.broadcast %min3A : i32 to vector<16xi32>
    %min3A_11 = arith.minsi %add3A_9, %min3A_10 : vector<16xi32>
    %broadcast_in_dim3A = arith.constant 12000 : i32
    %broadcast_in_dim3A_12 = vector.broadcast %broadcast_in_dim3A : i32 to vector<16xi32>
    "tpu.region"() ({
      %run_scoped3A = tpu.sem_alloc : memref<!tpu.dma_semaphore, #tpu.memory_space<semaphore_mem>>
      %dma_start3A_373 = arith.constant 0 : i32
      %dma_start3A_374 = tpu.memref_slice %arg2[%dma_start3A_373] : memref<48000xi32, #tpu.memory_space<hbm>> -> memref<12000xi32, #tpu.memory_space<hbm>>
      %dma_start3A_375 = arith.constant 0 : i32
      %dma_start3A_376 = tpu.memref_slice %arg2[%dma_start3A_375] : memref<48000xi32, #tpu.memory_space<hbm>> -> memref<12000xi32, #tpu.memory_space<hbm>>
      tpu.enqueue_dma source(%dma_start3A_376 : memref<12000xi32, #tpu.memory_space<hbm>>) target(%arg6 : memref<12000xi32, #tpu.memory_space<vmem>>) target_semaphore(%run_scoped3A : memref<!tpu.dma_semaphore, #tpu.memory_space<semaphore_mem>>)
      %dma_wait3A_377 = arith.constant 0 : i32
      %dma_wait3A_378 = tpu.memref_slice %arg2[%dma_wait3A_377] : memref<48000xi32, #tpu.memory_space<hbm>> -> memref<12000xi32, #tpu.memory_space<hbm>>
      %dma_wait3A_379 = arith.constant 0 : i32
      %dma_wait3A_380 = tpu.memref_slice %arg2[%dma_wait3A_379] : memref<48000xi32, #tpu.memory_space<hbm>> -> memref<12000xi32, #tpu.memory_space<hbm>>
      tpu.wait_dma2 semaphore(%run_scoped3A : memref<!tpu.dma_semaphore, #tpu.memory_space<semaphore_mem>>) src(%dma_wait3A_380 : memref<12000xi32, #tpu.memory_space<hbm>>) dst(%arg6 : memref<12000xi32, #tpu.memory_space<vmem>>)
      tpu.yield
    }) : () -> ()
    "tpu.region"() ({
      %run_scoped3A = tpu.sem_alloc : memref<!tpu.dma_semaphore, #tpu.memory_space<semaphore_mem>>
      %dma_start3A_373 = arith.constant 0 : i32
      %dma_start3A_374 = tpu.memref_slice %arg3[%dma_start3A_373] : memref<48000xi32, #tpu.memory_space<hbm>> -> memref<12000xi32, #tpu.memory_space<hbm>>
      %dma_start3A_375 = arith.constant 0 : i32
      %dma_start3A_376 = tpu.memref_slice %arg3[%dma_start3A_375] : memref<48000xi32, #tpu.memory_space<hbm>> -> memref<12000xi32, #tpu.memory_space<hbm>>
      tpu.enqueue_dma source(%dma_start3A_376 : memref<12000xi32, #tpu.memory_space<hbm>>) target(%arg7 : memref<12000xi32, #tpu.memory_space<vmem>>) target_semaphore(%run_scoped3A : memref<!tpu.dma_semaphore, #tpu.memory_space<semaphore_mem>>)
      %dma_wait3A_377 = arith.constant 0 : i32
      %dma_wait3A_378 = tpu.memref_slice %arg3[%dma_wait3A_377] : memref<48000xi32, #tpu.memory_space<hbm>> -> memref<12000xi32, #tpu.memory_space<hbm>>
      %dma_wait3A_379 = arith.constant 0 : i32
      %dma_wait3A_380 = tpu.memref_slice %arg3[%dma_wait3A_379] : memref<48000xi32, #tpu.memory_space<hbm>> -> memref<12000xi32, #tpu.memory_space<hbm>>
      tpu.wait_dma2 semaphore(%run_scoped3A : memref<!tpu.dma_semaphore, #tpu.memory_space<semaphore_mem>>) src(%dma_wait3A_380 : memref<12000xi32, #tpu.memory_space<hbm>>) dst(%arg7 : memref<12000xi32, #tpu.memory_space<vmem>>)
      tpu.yield
    }) : () -> ()
    %add3A_13 = arith.constant 0 : i32
    %add3A_14 = arith.addi %add3A_13, %mul3A_4 : i32
    %mul3A_15 = arith.constant 12016 : i32
    %mul3A_16 = arith.muli %add3A_14, %mul3A_15 : i32
    %dma_start3A = tpu.memref_slice %arg4[%mul3A_16] : memref<3076096xf32, #tpu.memory_space<hbm>> -> memref<48064xf32, #tpu.memory_space<hbm>>
    %dma_start3A_17 = tpu.memref_slice %arg4[%mul3A_16] : memref<3076096xf32, #tpu.memory_space<hbm>> -> memref<48064xf32, #tpu.memory_space<hbm>>
    tpu.enqueue_dma source(%dma_start3A_17 : memref<48064xf32, #tpu.memory_space<hbm>>) target(%arg10 : memref<48064xf32, #tpu.memory_space<vmem>>) target_semaphore(%arg16 : memref<!tpu.dma_semaphore, #tpu.memory_space<semaphore_mem>>)
    %parallel_loop3A = arith.constant 0 : i32
    %parallel_loop3A_18 = arith.constant 512 : i32
    %parallel_loop3A_19 = arith.constant 1 : i32
    scf.for %parallel_loop3A_373 = %parallel_loop3A to %parallel_loop3A_18 step %parallel_loop3A_19  : i32 {
      %parallel_loop3A_374 = arith.constant 16 : i32
      %parallel_loop3A_375 = arith.muli %parallel_loop3A_373, %parallel_loop3A_374 : i32
      %parallel_loop3A_376 = arith.index_cast %parallel_loop3A_375 : i32 to index
      %parallel_loop3A_377 = tpu.vector_load %arg8[%parallel_loop3A_376] {strides = array<i32>} : memref<8192xi32, #tpu.memory_space<vmem>>, vector<16xi32>,
      tpu.vector_store %arg8[%parallel_loop3A_376], %broadcast_in_dim3A_12 {strides = array<i32>} : memref<8192xi32, #tpu.memory_space<vmem>>, vector<16xi32>,
    } {sc.loop_unroll_factor = 1 : i64, sc.parallel_access}
    %scan3A = arith.constant 0 : i32
    %scan3A_20 = arith.constant 0 : i32
    %scan3A_21 = arith.constant 750 : i32
    %scan3A_22 = arith.addi %scan3A_20, %scan3A_21 : i32
    %scan3A_23 = arith.constant 1 : i32
    %scan3A_24 = scf.for %scan3A_373 = %scan3A_20 to %scan3A_22 step %scan3A_23 iter_args(%scan3A_374 = %scan3A) -> (i32)  : i32 {
      %mul3A_375 = arith.constant 16 : i32
      %mul3A_376 = arith.muli %scan3A_373, %mul3A_375 : i32
      %get3A = arith.index_cast %mul3A_376 : i32 to index
      %get3A_377 = tpu.vector_load %arg6[%get3A] {strides = array<i32>} : memref<12000xi32, #tpu.memory_space<vmem>>, vector<16xi32>,
      %mul3A_378 = arith.constant 16 : i32
      %mul3A_379 = arith.muli %scan3A_373, %mul3A_378 : i32
      %get3A_380 = arith.index_cast %mul3A_379 : i32 to index
      %get3A_381 = tpu.vector_load %arg7[%get3A_380] {strides = array<i32>} : memref<12000xi32, #tpu.memory_space<vmem>>, vector<16xi32>,
      %ge3A = arith.constant 0 : i32
      %ge3A_382 = vector.broadcast %ge3A : i32 to vector<16xi32>
      %ge3A_383 = arith.cmpi sge, %get3A_381, %ge3A_382 : vector<16xi32>
      %lt3A = arith.constant 512 : i32
      %lt3A_384 = vector.broadcast %lt3A : i32 to vector<16xi32>
      %lt3A_385 = arith.cmpi slt, %get3A_381, %lt3A_384 : vector<16xi32>
      %and3A = arith.andi %ge3A_383, %lt3A_385 : vector<16xi1>
      %ge3A_386 = arith.constant 0 : i32
      %ge3A_387 = vector.broadcast %ge3A_386 : i32 to vector<16xi32>
      %ge3A_388 = arith.cmpi sge, %get3A_377, %ge3A_387 : vector<16xi32>
      %and3A_389 = arith.andi %and3A, %ge3A_388 : vector<16xi1>
      %lt3A_390 = arith.constant 512 : i32
      %lt3A_391 = vector.broadcast %lt3A_390 : i32 to vector<16xi32>
      %lt3A_392 = arith.cmpi slt, %get3A_377, %lt3A_391 : vector<16xi32>
      %and3A_393 = arith.andi %and3A_389, %lt3A_392 : vector<16xi1>
      %mul3A_394 = arith.constant 512 : i32
      %mul3A_395 = vector.broadcast %mul3A_394 : i32 to vector<16xi32>
      %mul3A_396 = arith.muli %get3A_377, %mul3A_395 : vector<16xi32>
      %add3A_397 = arith.addi %mul3A_396, %get3A_381 : vector<16xi32>
      %jit3A = arith.constant -1 : i32
      %broadcast_in_dim3A_398 = vector.broadcast %jit3A : i32 to vector<16xi32>
      %select_n3A = arith.select %and3A_393, %add3A_397, %broadcast_in_dim3A_398 : vector<16xi1>, vector<16xi32>
      %ge3A_399 = vector.broadcast %add3A : i32 to vector<16xi32>
      %ge3A_400 = arith.cmpi sge, %select_n3A, %ge3A_399 : vector<16xi32>
      %add3A_401 = arith.constant 8192 : i32
      %add3A_402 = arith.addi %add3A, %add3A_401 : i32
      %lt3A_403 = vector.broadcast %add3A_402 : i32 to vector<16xi32>
      %lt3A_404 = arith.cmpi slt, %select_n3A, %lt3A_403 : vector<16xi32>
      %and3A_405 = arith.andi %ge3A_400, %lt3A_404 : vector<16xi1>
      %mul3A_406 = arith.constant 16384 : i32
      %mul3A_407 = vector.broadcast %mul3A_406 : i32 to vector<16xi32>
      %mul3A_408 = arith.muli %select_n3A, %mul3A_407 : vector<16xi32>
      %mul3A_409 = arith.constant 16 : i32
      %mul3A_410 = arith.muli %scan3A_373, %mul3A_409 : i32
      %add3A_411 = vector.broadcast %mul3A_410 : i32 to vector<16xi32>
      %add3A_412 = arith.addi %iota3A, %add3A_411 : vector<16xi32>
      %add3A_413 = arith.addi %mul3A_408, %add3A_412 : vector<16xi32>
      %swap3A = arith.index_cast %scan3A_374 : i32 to index
      %swap3A_414 = tpu.vector_load %arg9[%swap3A] masked %and3A_405 {strides = array<i32>} : memref<12016xi32, #tpu.memory_space<vmem>>, vector<16xi32>, vector<16xi1>
      tpu.vector_store %arg9[%swap3A], %add3A_413 masked %and3A_405 {strides = array<i32>} : memref<12016xi32, #tpu.memory_space<vmem>>, vector<16xi32>, vector<16xi1>
      %convert_element_type3A = arith.extui %and3A_405 : vector<16xi1> to vector<16xi32>
      %reduce_sum3A = arith.constant true
      %reduce_sum3A_415 = vector.broadcast %reduce_sum3A : i1 to vector<16xi1>
      %reduce_sum3A_416 = tpu.scan <sum>, %convert_element_type3A masked %reduce_sum3A_415 : vector<16xi32>, vector<16xi1> -> vector<16xi32>
      %reduce_sum3A_417 = vector.extract %reduce_sum3A_416[15] : i32 from vector<16xi32>
      %add3A_418 = arith.addi %scan3A_374, %reduce_sum3A_417 : i32
      scf.yield %add3A_418 : i32
    }
    %scan3A_25 = arith.constant 750 : i32
    %add3A_26 = arith.constant 16 : i32
    %add3A_27 = arith.addi %scan3A_24, %add3A_26 : i32
    %sub3A = arith.constant 1 : i32
    %sub3A_28 = arith.subi %add3A_27, %sub3A : i32
    %shift_right_arithmetic3A = arith.constant 4 : i32
    %shift_right_arithmetic3A_29 = arith.shrsi %sub3A_28, %shift_right_arithmetic3A : i32
    %while3A = arith.constant 0 : i32
    %while3A_30 = arith.constant 0 : i32
    %while3A_31 = arith.subi %shift_right_arithmetic3A_29, %while3A_30 : i32
    %while3A_32 = arith.addi %while3A_30, %while3A_31 : i32
    %while3A_33 = arith.constant 1 : i32
    %while3A_34 = arith.divsi %while3A_31, %while3A_33 : i32
    %while3A_35 = arith.muli %while3A_34, %while3A_33 : i32
    %while3A_36 = arith.addi %while3A_30, %while3A_35 : i32
    %while3A_37 = arith.constant 1 : i32
    scf.for %while3A_373 = %while3A_30 to %while3A_36 step %while3A_37  : i32 {
      %mul3A_374 = arith.constant 16 : i32
      %mul3A_375 = arith.muli %while3A_373, %mul3A_374 : i32
      %get3A = arith.index_cast %mul3A_375 : i32 to index
      %get3A_376 = tpu.vector_load %arg9[%get3A] {strides = array<i32>} : memref<12016xi32, #tpu.memory_space<vmem>>, vector<16xi32>,
      %mul3A_377 = arith.constant 16 : i32
      %mul3A_378 = arith.muli %while3A_373, %mul3A_377 : i32
      %add3A_379 = vector.broadcast %mul3A_378 : i32 to vector<16xi32>
      %add3A_380 = arith.addi %add3A_379, %iota3A : vector<16xi32>
      %lt3A = vector.broadcast %scan3A_24 : i32 to vector<16xi32>
      %lt3A_381 = arith.cmpi slt, %add3A_380, %lt3A : vector<16xi32>
      %masked_sort3A, %masked_sort3A_382, %masked_sort3A_383 = tpu.sort %get3A_376, %get3A_376 masked %lt3A_381 : (vector<16xi32>, vector<16xi32>, vector<16xi1>) -> (vector<16xi1>, vector<16xi32>, vector<16xi32>)
      %shift_right_logical3A = arith.constant 14 : i32
      %shift_right_logical3A_384 = vector.broadcast %shift_right_logical3A : i32 to vector<16xi32>
      %shift_right_logical3A_385 = arith.shrui %masked_sort3A_382, %shift_right_logical3A_384 : vector<16xi32>
      %jit3A = arith.constant -7 : i32
      %broadcast_in_dim3A_386 = vector.broadcast %jit3A : i32 to vector<16xi32>
      %select_n3A = arith.select %masked_sort3A, %shift_right_logical3A_385, %broadcast_in_dim3A_386 : vector<16xi1>, vector<16xi32>
      %lt3A_387 = arith.constant 0 : i32
      %lt3A_388 = vector.broadcast %lt3A_387 : i32 to vector<16xi32>
      %lt3A_389 = arith.cmpi slt, %min3A_11, %lt3A_388 : vector<16xi32>
      %add3A_390 = arith.constant 16 : i32
      %add3A_391 = vector.broadcast %add3A_390 : i32 to vector<16xi32>
      %add3A_392 = arith.addi %min3A_11, %add3A_391 : vector<16xi32>
      %select_n3A_393 = arith.select %lt3A_389, %add3A_392, %min3A_11 : vector<16xi1>, vector<16xi32>
      %broadcast_in_dim3A_394 = vector.shape_cast %select_n3A_393 : vector<16xi32> to vector<16x1xi32>
      %gather3A = vector.shape_cast %broadcast_in_dim3A_394 : vector<16x1xi32> to vector<16xi32>
      %gather3A_395 = tpu.dynamic_gather %select_n3A[%gather3A] in [0] : vector<16xi32>, vector<16xi32> -> vector<16xi32>
      %ne3A = arith.cmpi ne, %select_n3A, %gather3A_395 : vector<16xi32>
      %eq3A = arith.constant 15 : i32
      %eq3A_396 = vector.broadcast %eq3A : i32 to vector<16xi32>
      %eq3A_397 = arith.cmpi eq, %iota3A, %eq3A_396 : vector<16xi32>
      %or3A = arith.ori %ne3A, %eq3A_397 : vector<16xi1>
      %and3A = arith.constant 16383 : i32
      %and3A_398 = vector.broadcast %and3A : i32 to vector<16xi32>
      %and3A_399 = arith.andi %masked_sort3A_383, %and3A_398 : vector<16xi32>
      %sub3A_400 = vector.broadcast %add3A : i32 to vector<16xi32>
      %sub3A_401 = arith.subi %select_n3A, %sub3A_400 : vector<16xi32>
      %and3A_402 = arith.andi %or3A, %masked_sort3A : vector<16xi1>
      tpu.vector_store_idx %arg8[%sub3A_401], %and3A_399 masked %and3A_402 : memref<8192xi32, #tpu.memory_space<vmem>>[vector<16xi32>], vector<16xi32>, vector<16xi1>
    }
    %while3A_38 = arith.constant 1 : i32
    scf.for %while3A_373 = %while3A_36 to %while3A_32 step %while3A_38  : i32 {
      %mul3A_374 = arith.constant 16 : i32
      %mul3A_375 = arith.muli %while3A_373, %mul3A_374 : i32
      %get3A = arith.index_cast %mul3A_375 : i32 to index
      %get3A_376 = tpu.vector_load %arg9[%get3A] {strides = array<i32>} : memref<12016xi32, #tpu.memory_space<vmem>>, vector<16xi32>,
      %mul3A_377 = arith.constant 16 : i32
      %mul3A_378 = arith.muli %while3A_373, %mul3A_377 : i32
      %add3A_379 = vector.broadcast %mul3A_378 : i32 to vector<16xi32>
      %add3A_380 = arith.addi %add3A_379, %iota3A : vector<16xi32>
      %lt3A = vector.broadcast %scan3A_24 : i32 to vector<16xi32>
      %lt3A_381 = arith.cmpi slt, %add3A_380, %lt3A : vector<16xi32>
      %masked_sort3A, %masked_sort3A_382, %masked_sort3A_383 = tpu.sort %get3A_376, %get3A_376 masked %lt3A_381 : (vector<16xi32>, vector<16xi32>, vector<16xi1>) -> (vector<16xi1>, vector<16xi32>, vector<16xi32>)
      %shift_right_logical3A = arith.constant 14 : i32
      %shift_right_logical3A_384 = vector.broadcast %shift_right_logical3A : i32 to vector<16xi32>
      %shift_right_logical3A_385 = arith.shrui %masked_sort3A_382, %shift_right_logical3A_384 : vector<16xi32>
      %jit3A = arith.constant -7 : i32
      %broadcast_in_dim3A_386 = vector.broadcast %jit3A : i32 to vector<16xi32>
      %select_n3A = arith.select %masked_sort3A, %shift_right_logical3A_385, %broadcast_in_dim3A_386 : vector<16xi1>, vector<16xi32>
      %lt3A_387 = arith.constant 0 : i32
      %lt3A_388 = vector.broadcast %lt3A_387 : i32 to vector<16xi32>
      %lt3A_389 = arith.cmpi slt, %min3A_11, %lt3A_388 : vector<16xi32>
      %add3A_390 = arith.constant 16 : i32
      %add3A_391 = vector.broadcast %add3A_390 : i32 to vector<16xi32>
      %add3A_392 = arith.addi %min3A_11, %add3A_391 : vector<16xi32>
      %select_n3A_393 = arith.select %lt3A_389, %add3A_392, %min3A_11 : vector<16xi1>, vector<16xi32>
      %broadcast_in_dim3A_394 = vector.shape_cast %select_n3A_393 : vector<16xi32> to vector<16x1xi32>
      %gather3A = vector.shape_cast %broadcast_in_dim3A_394 : vector<16x1xi32> to vector<16xi32>
      %gather3A_395 = tpu.dynamic_gather %select_n3A[%gather3A] in [0] : vector<16xi32>, vector<16xi32> -> vector<16xi32>
      %ne3A = arith.cmpi ne, %select_n3A, %gather3A_395 : vector<16xi32>
      %eq3A = arith.constant 15 : i32
      %eq3A_396 = vector.broadcast %eq3A : i32 to vector<16xi32>
      %eq3A_397 = arith.cmpi eq, %iota3A, %eq3A_396 : vector<16xi32>
      %or3A = arith.ori %ne3A, %eq3A_397 : vector<16xi1>
      %and3A = arith.constant 16383 : i32
      %and3A_398 = vector.broadcast %and3A : i32 to vector<16xi32>
      %and3A_399 = arith.andi %masked_sort3A_383, %and3A_398 : vector<16xi32>
      %sub3A_400 = vector.broadcast %add3A : i32 to vector<16xi32>
      %sub3A_401 = arith.subi %select_n3A, %sub3A_400 : vector<16xi32>
      %and3A_402 = arith.andi %or3A, %masked_sort3A : vector<16xi1>
      tpu.vector_store_idx %arg8[%sub3A_401], %and3A_399 masked %and3A_402 : memref<8192xi32, #tpu.memory_space<vmem>>[vector<16xi32>], vector<16xi32>, vector<16xi1>
    }
    %mul3A_39 = arith.constant 8192 : i32
    %mul3A_40 = arith.muli %arg1, %mul3A_39 : i32
    %add3A_41 = arith.constant 0 : i32
    %add3A_42 = arith.addi %add3A_41, %mul3A_40 : i32
    "tpu.region"() ({
      %run_scoped3A = tpu.sem_alloc : memref<!tpu.dma_semaphore, #tpu.memory_space<semaphore_mem>>
      %dma_start3A_373 = tpu.memref_slice %arg13[%add3A_42] : memref<262144xi32, #tpu.memory_space<vmem_shared>> -> memref<8192xi32, #tpu.memory_space<vmem_shared>>
      %dma_start3A_374 = tpu.memref_slice %arg13[%add3A_42] : memref<262144xi32, #tpu.memory_space<vmem_shared>> -> memref<8192xi32, #tpu.memory_space<vmem_shared>>
      tpu.enqueue_dma source(%arg8 : memref<8192xi32, #tpu.memory_space<vmem>>) target(%dma_start3A_374 : memref<8192xi32, #tpu.memory_space<vmem_shared>>) target_semaphore(%run_scoped3A : memref<!tpu.dma_semaphore, #tpu.memory_space<semaphore_mem>>)
      %dma_wait3A_375 = tpu.memref_slice %arg13[%add3A_42] : memref<262144xi32, #tpu.memory_space<vmem_shared>> -> memref<8192xi32, #tpu.memory_space<vmem_shared>>
      %dma_wait3A_376 = tpu.memref_slice %arg13[%add3A_42] : memref<262144xi32, #tpu.memory_space<vmem_shared>> -> memref<8192xi32, #tpu.memory_space<vmem_shared>>
      tpu.wait_dma2 semaphore(%run_scoped3A : memref<!tpu.dma_semaphore, #tpu.memory_space<semaphore_mem>>) src(%arg8 : memref<8192xi32, #tpu.memory_space<vmem>>) dst(%dma_wait3A_376 : memref<8192xi32, #tpu.memory_space<vmem_shared>>)
      tpu.yield
    }) : () -> ()
    %barrier3A = arith.constant 0 : index
    tpu.barrier barrier_id(%barrier3A)
    %dma_start3A_43 = arith.constant 12000 : i32
    %dma_start3A_44 = tpu.memref_slice %arg2[%dma_start3A_43] : memref<48000xi32, #tpu.memory_space<hbm>> -> memref<12000xi32, #tpu.memory_space<hbm>>
    %dma_start3A_45 = arith.constant 12000 : i32
    %dma_start3A_46 = tpu.memref_slice %arg2[%dma_start3A_45] : memref<48000xi32, #tpu.memory_space<hbm>> -> memref<12000xi32, #tpu.memory_space<hbm>>
    tpu.enqueue_dma source(%dma_start3A_46 : memref<12000xi32, #tpu.memory_space<hbm>>) target(%arg6 : memref<12000xi32, #tpu.memory_space<vmem>>) target_semaphore(%arg17 : memref<!tpu.dma_semaphore, #tpu.memory_space<semaphore_mem>>)
    %dma_start3A_47 = arith.constant 12000 : i32
    %dma_start3A_48 = tpu.memref_slice %arg3[%dma_start3A_47] : memref<48000xi32, #tpu.memory_space<hbm>> -> memref<12000xi32, #tpu.memory_space<hbm>>
    %dma_start3A_49 = arith.constant 12000 : i32
    %dma_start3A_50 = tpu.memref_slice %arg3[%dma_start3A_49] : memref<48000xi32, #tpu.memory_space<hbm>> -> memref<12000xi32, #tpu.memory_space<hbm>>
    tpu.enqueue_dma source(%dma_start3A_50 : memref<12000xi32, #tpu.memory_space<hbm>>) target(%arg7 : memref<12000xi32, #tpu.memory_space<vmem>>) target_semaphore(%arg17 : memref<!tpu.dma_semaphore, #tpu.memory_space<semaphore_mem>>)
    %dma_wait3A = arith.constant 0 : i32
    %dma_wait3A_51 = tpu.memref_slice %arg4[%dma_wait3A] : memref<3076096xf32, #tpu.memory_space<hbm>> -> memref<48064xf32, #tpu.memory_space<hbm>>
    %dma_wait3A_52 = arith.constant 0 : i32
    %dma_wait3A_53 = tpu.memref_slice %arg4[%dma_wait3A_52] : memref<3076096xf32, #tpu.memory_space<hbm>> -> memref<48064xf32, #tpu.memory_space<hbm>>
    tpu.wait_dma2 semaphore(%arg16 : memref<!tpu.dma_semaphore, #tpu.memory_space<semaphore_mem>>) src(%dma_wait3A_53 : memref<48064xf32, #tpu.memory_space<hbm>>) dst(%arg10 : memref<48064xf32, #tpu.memory_space<vmem>>)
    %dma_start3A_54 = arith.constant 0 : i32
    %dma_start3A_55 = arith.constant 0 : i32
    %dma_start3A_56 = tpu.memref_slice %arg11[%dma_start3A_55] : memref<4096xi32, #tpu.memory_space<vmem>> -> memref<2048xi32, #tpu.memory_space<vmem>>
    %dma_start3A_57 = arith.constant 0 : i32
    %dma_start3A_58 = tpu.memref_slice %arg13[%dma_start3A_57] : memref<262144xi32, #tpu.memory_space<vmem_shared>> -> memref<2048xi32, #tpu.memory_space<vmem_shared>>
    %dma_start3A_59 = tpu.memref_slice %arg14[%dma_start3A_54] : memref<2x!tpu.dma_semaphore, #tpu.memory_space<semaphore_mem>> -> memref<1x!tpu.dma_semaphore, #tpu.memory_space<semaphore_mem>>
    %dma_start3A_60 = tpu.memref_squeeze %dma_start3A_59 : memref<1x!tpu.dma_semaphore, #tpu.memory_space<semaphore_mem>> -> memref<!tpu.dma_semaphore, #tpu.memory_space<semaphore_mem>>
    %dma_start3A_61 = arith.constant 0 : i32
    %dma_start3A_62 = tpu.memref_slice %arg11[%dma_start3A_61] : memref<4096xi32, #tpu.memory_space<vmem>> -> memref<2048xi32, #tpu.memory_space<vmem>>
    %dma_start3A_63 = arith.constant 0 : i32
    %dma_start3A_64 = tpu.memref_slice %arg13[%dma_start3A_63] : memref<262144xi32, #tpu.memory_space<vmem_shared>> -> memref<2048xi32, #tpu.memory_space<vmem_shared>>
    tpu.enqueue_dma source(%dma_start3A_64 : memref<2048xi32, #tpu.memory_space<vmem_shared>>) target(%dma_start3A_62 : memref<2048xi32, #tpu.memory_space<vmem>>) target_semaphore(%dma_start3A_60 : memref<!tpu.dma_semaphore, #tpu.memory_space<semaphore_mem>>)
    %scan3A_65 = arith.constant 0 : i32
    %scan3A_66 = arith.constant 0 : i32
    %scan3A_67 = arith.constant 64 : i32
    %scan3A_68 = arith.addi %scan3A_66, %scan3A_67 : i32
    %scan3A_69 = arith.constant 1 : i32
    scf.for %scan3A_373 = %scan3A_66 to %scan3A_68 step %scan3A_69  : i32 {
      %and3A = arith.constant 1 : i32
      %and3A_374 = arith.andi %scan3A_373, %and3A : i32
      %lt3A = arith.constant 63 : i32
      %lt3A_375 = arith.cmpi slt, %scan3A_373, %lt3A : i32
      %convert_element_type3A = arith.extui %lt3A_375 : i1 to i32
      %cond3A = arith.constant 0 : i32
      %cond3A_376 = arith.cmpi ne, %convert_element_type3A, %cond3A : i32
      scf.if %cond3A_376 {
        %add3A_482 = arith.constant 1 : i32
        %add3A_483 = arith.addi %scan3A_373, %add3A_482 : i32
        %and3A_484 = arith.constant 1 : i32
        %and3A_485 = arith.andi %add3A_483, %and3A_484 : i32
        %add3A_486 = arith.constant 1 : i32
        %add3A_487 = arith.addi %scan3A_373, %add3A_486 : i32
        %mul3A_488 = arith.constant 2048 : i32
        %mul3A_489 = arith.muli %add3A_487, %mul3A_488 : i32
        %add3A_490 = arith.constant 0 : i32
        %add3A_491 = arith.addi %add3A_490, %mul3A_489 : i32
        %mul3A_492 = arith.constant 2048 : i32
        %mul3A_493 = arith.muli %and3A_485, %mul3A_492 : i32
        %dma_start3A_494 = tpu.memref_slice %arg11[%mul3A_493] : memref<4096xi32, #tpu.memory_space<vmem>> -> memref<2048xi32, #tpu.memory_space<vmem>>
        %dma_start3A_495 = tpu.memref_slice %arg13[%add3A_491] : memref<262144xi32, #tpu.memory_space<vmem_shared>> -> memref<2048xi32, #tpu.memory_space<vmem_shared>>
        %dma_start3A_496 = tpu.memref_slice %arg14[%and3A_485] : memref<2x!tpu.dma_semaphore, #tpu.memory_space<semaphore_mem>> -> memref<1x!tpu.dma_semaphore, #tpu.memory_space<semaphore_mem>>
        %dma_start3A_497 = tpu.memref_squeeze %dma_start3A_496 : memref<1x!tpu.dma_semaphore, #tpu.memory_space<semaphore_mem>> -> memref<!tpu.dma_semaphore, #tpu.memory_space<semaphore_mem>>
        %dma_start3A_498 = tpu.memref_slice %arg11[%mul3A_493] : memref<4096xi32, #tpu.memory_space<vmem>> -> memref<2048xi32, #tpu.memory_space<vmem>>
        %dma_start3A_499 = tpu.memref_slice %arg13[%add3A_491] : memref<262144xi32, #tpu.memory_space<vmem_shared>> -> memref<2048xi32, #tpu.memory_space<vmem_shared>>
        tpu.enqueue_dma source(%dma_start3A_499 : memref<2048xi32, #tpu.memory_space<vmem_shared>>) target(%dma_start3A_498 : memref<2048xi32, #tpu.memory_space<vmem>>) target_semaphore(%dma_start3A_497 : memref<!tpu.dma_semaphore, #tpu.memory_space<semaphore_mem>>)
      } else {
      }
      %mul3A_377 = arith.constant 2048 : i32
      %mul3A_378 = arith.muli %and3A_374, %mul3A_377 : i32
      %dma_wait3A_379 = tpu.memref_slice %arg11[%mul3A_378] : memref<4096xi32, #tpu.memory_space<vmem>> -> memref<2048xi32, #tpu.memory_space<vmem>>
      %dma_wait3A_380 = arith.constant 0 : i32
      %dma_wait3A_381 = tpu.memref_slice %arg13[%dma_wait3A_380] : memref<262144xi32, #tpu.memory_space<vmem_shared>> -> memref<2048xi32, #tpu.memory_space<vmem_shared>>
      %dma_wait3A_382 = tpu.memref_slice %arg14[%and3A_374] : memref<2x!tpu.dma_semaphore, #tpu.memory_space<semaphore_mem>> -> memref<1x!tpu.dma_semaphore, #tpu.memory_space<semaphore_mem>>
      %dma_wait3A_383 = tpu.memref_squeeze %dma_wait3A_382 : memref<1x!tpu.dma_semaphore, #tpu.memory_space<semaphore_mem>> -> memref<!tpu.dma_semaphore, #tpu.memory_space<semaphore_mem>>
      %dma_wait3A_384 = tpu.memref_slice %arg11[%mul3A_378] : memref<4096xi32, #tpu.memory_space<vmem>> -> memref<2048xi32, #tpu.memory_space<vmem>>
      %dma_wait3A_385 = arith.constant 0 : i32
      %dma_wait3A_386 = tpu.memref_slice %arg13[%dma_wait3A_385] : memref<262144xi32, #tpu.memory_space<vmem_shared>> -> memref<2048xi32, #tpu.memory_space<vmem_shared>>
      tpu.wait_dma2 semaphore(%dma_wait3A_383 : memref<!tpu.dma_semaphore, #tpu.memory_space<semaphore_mem>>) src(%dma_wait3A_386 : memref<2048xi32, #tpu.memory_space<vmem_shared>>) dst(%dma_wait3A_384 : memref<2048xi32, #tpu.memory_space<vmem>>)
      %ge3A = arith.constant 2 : i32
      %ge3A_387 = arith.cmpi sge, %scan3A_373, %ge3A : i32
      %convert_element_type3A_388 = arith.extui %ge3A_387 : i1 to i32
      %cond3A_389 = arith.constant 0 : i32
      %cond3A_390 = arith.cmpi ne, %convert_element_type3A_388, %cond3A_389 : i32
      scf.if %cond3A_390 {
        %mul3A_482 = arith.constant 4 : i32
        %mul3A_483 = arith.muli %and3A_374, %mul3A_482 : i32
        %mul3A_484 = arith.constant 2048 : i32
        %mul3A_485 = arith.muli %mul3A_483, %mul3A_484 : i32
        %dma_wait3A_486 = tpu.memref_slice %arg12[%mul3A_485] : memref<16384xf32, #tpu.memory_space<vmem>> -> memref<8192xf32, #tpu.memory_space<vmem>>
        %dma_wait3A_487 = arith.constant 0 : i32
        %dma_wait3A_488 = tpu.memref_slice %arg5[%dma_wait3A_487] : memref<67108864xf32, #tpu.memory_space<hbm>> -> memref<8192xf32, #tpu.memory_space<hbm>>
        %dma_wait3A_489 = tpu.memref_slice %arg15[%and3A_374] : memref<2x!tpu.dma_semaphore, #tpu.memory_space<semaphore_mem>> -> memref<1x!tpu.dma_semaphore, #tpu.memory_space<semaphore_mem>>
        %dma_wait3A_490 = tpu.memref_squeeze %dma_wait3A_489 : memref<1x!tpu.dma_semaphore, #tpu.memory_space<semaphore_mem>> -> memref<!tpu.dma_semaphore, #tpu.memory_space<semaphore_mem>>
        %dma_wait3A_491 = tpu.memref_slice %arg12[%mul3A_485] : memref<16384xf32, #tpu.memory_space<vmem>> -> memref<8192xf32, #tpu.memory_space<vmem>>
        %dma_wait3A_492 = arith.constant 0 : i32
        %dma_wait3A_493 = tpu.memref_slice %arg5[%dma_wait3A_492] : memref<67108864xf32, #tpu.memory_space<hbm>> -> memref<8192xf32, #tpu.memory_space<hbm>>
        tpu.wait_dma2 semaphore(%dma_wait3A_490 : memref<!tpu.dma_semaphore, #tpu.memory_space<semaphore_mem>>) src(%dma_wait3A_493 : memref<8192xf32, #tpu.memory_space<hbm>>) dst(%dma_wait3A_491 : memref<8192xf32, #tpu.memory_space<vmem>>)
      } else {
      }
      %parallel_loop3A_391 = arith.constant 0 : i32
      %parallel_loop3A_392 = arith.constant 128 : i32
      %parallel_loop3A_393 = arith.constant 1 : i32
      scf.for %parallel_loop3A_482 = %parallel_loop3A_391 to %parallel_loop3A_392 step %parallel_loop3A_393  : i32 {
        %parallel_loop3A_483 = arith.constant 2048 : i32
        %parallel_loop3A_484 = arith.muli %and3A_374, %parallel_loop3A_483 : i32
        %parallel_loop3A_485 = arith.constant 16 : i32
        %parallel_loop3A_486 = arith.muli %parallel_loop3A_482, %parallel_loop3A_485 : i32
        %parallel_loop3A_487 = arith.addi %parallel_loop3A_484, %parallel_loop3A_486 : i32
        %parallel_loop3A_488 = arith.index_cast %parallel_loop3A_487 : i32 to index
        %parallel_loop3A_489 = tpu.vector_load %arg11[%parallel_loop3A_488] {strides = array<i32>} : memref<4096xi32, #tpu.memory_space<vmem>>, vector<16xi32>,
        %parallel_loop3A_490 = arith.constant 0 : i32
        %parallel_loop3A_491 = vector.broadcast %parallel_loop3A_490 : i32 to vector<16xi32>
        %parallel_loop3A_492 = arith.addi %parallel_loop3A_489, %parallel_loop3A_491 : vector<16xi32>
        %parallel_loop3A_493 = tpu.vector_load_idx %arg10[%parallel_loop3A_492] : memref<48064xf32, #tpu.memory_space<vmem>>[vector<16xi32>], vector<16xf32>,
        %parallel_loop3A_494 = arith.constant 4 : i32
        %parallel_loop3A_495 = arith.muli %and3A_374, %parallel_loop3A_494 : i32
        %parallel_loop3A_496 = arith.constant 2048 : i32
        %parallel_loop3A_497 = arith.muli %parallel_loop3A_495, %parallel_loop3A_496 : i32
        %parallel_loop3A_498 = arith.constant 0 : i32
        %parallel_loop3A_499 = arith.addi %parallel_loop3A_497, %parallel_loop3A_498 : i32
        %parallel_loop3A_500 = arith.constant 16 : i32
        %parallel_loop3A_501 = arith.muli %parallel_loop3A_482, %parallel_loop3A_500 : i32
        %parallel_loop3A_502 = arith.addi %parallel_loop3A_499, %parallel_loop3A_501 : i32
        %parallel_loop3A_503 = arith.index_cast %parallel_loop3A_502 : i32 to index
        %parallel_loop3A_504 = tpu.vector_load %arg12[%parallel_loop3A_503] {strides = array<i32>} : memref<16384xf32, #tpu.memory_space<vmem>>, vector<16xf32>,
        tpu.vector_store %arg12[%parallel_loop3A_503], %parallel_loop3A_493 {strides = array<i32>} : memref<16384xf32, #tpu.memory_space<vmem>>, vector<16xf32>,
        %parallel_loop3A_505 = arith.constant 12016 : i32
        %parallel_loop3A_506 = vector.broadcast %parallel_loop3A_505 : i32 to vector<16xi32>
        %parallel_loop3A_507 = arith.addi %parallel_loop3A_489, %parallel_loop3A_506 : vector<16xi32>
        %parallel_loop3A_508 = tpu.vector_load_idx %arg10[%parallel_loop3A_507] : memref<48064xf32, #tpu.memory_space<vmem>>[vector<16xi32>], vector<16xf32>,
        %parallel_loop3A_509 = arith.constant 4 : i32
        %parallel_loop3A_510 = arith.muli %and3A_374, %parallel_loop3A_509 : i32
        %parallel_loop3A_511 = arith.constant 2048 : i32
        %parallel_loop3A_512 = arith.muli %parallel_loop3A_510, %parallel_loop3A_511 : i32
        %parallel_loop3A_513 = arith.constant 2048 : i32
        %parallel_loop3A_514 = arith.addi %parallel_loop3A_512, %parallel_loop3A_513 : i32
        %parallel_loop3A_515 = arith.constant 16 : i32
        %parallel_loop3A_516 = arith.muli %parallel_loop3A_482, %parallel_loop3A_515 : i32
        %parallel_loop3A_517 = arith.addi %parallel_loop3A_514, %parallel_loop3A_516 : i32
        %parallel_loop3A_518 = arith.index_cast %parallel_loop3A_517 : i32 to index
        %parallel_loop3A_519 = tpu.vector_load %arg12[%parallel_loop3A_518] {strides = array<i32>} : memref<16384xf32, #tpu.memory_space<vmem>>, vector<16xf32>,
        tpu.vector_store %arg12[%parallel_loop3A_518], %parallel_loop3A_508 {strides = array<i32>} : memref<16384xf32, #tpu.memory_space<vmem>>, vector<16xf32>,
        %parallel_loop3A_520 = arith.constant 24032 : i32
        %parallel_loop3A_521 = vector.broadcast %parallel_loop3A_520 : i32 to vector<16xi32>
        %parallel_loop3A_522 = arith.addi %parallel_loop3A_489, %parallel_loop3A_521 : vector<16xi32>
        %parallel_loop3A_523 = tpu.vector_load_idx %arg10[%parallel_loop3A_522] : memref<48064xf32, #tpu.memory_space<vmem>>[vector<16xi32>], vector<16xf32>,
        %parallel_loop3A_524 = arith.constant 4 : i32
        %parallel_loop3A_525 = arith.muli %and3A_374, %parallel_loop3A_524 : i32
        %parallel_loop3A_526 = arith.constant 2048 : i32
        %parallel_loop3A_527 = arith.muli %parallel_loop3A_525, %parallel_loop3A_526 : i32
        %parallel_loop3A_528 = arith.constant 4096 : i32
        %parallel_loop3A_529 = arith.addi %parallel_loop3A_527, %parallel_loop3A_528 : i32
        %parallel_loop3A_530 = arith.constant 16 : i32
        %parallel_loop3A_531 = arith.muli %parallel_loop3A_482, %parallel_loop3A_530 : i32
        %parallel_loop3A_532 = arith.addi %parallel_loop3A_529, %parallel_loop3A_531 : i32
        %parallel_loop3A_533 = arith.index_cast %parallel_loop3A_532 : i32 to index
        %parallel_loop3A_534 = tpu.vector_load %arg12[%parallel_loop3A_533] {strides = array<i32>} : memref<16384xf32, #tpu.memory_space<vmem>>, vector<16xf32>,
        tpu.vector_store %arg12[%parallel_loop3A_533], %parallel_loop3A_523 {strides = array<i32>} : memref<16384xf32, #tpu.memory_space<vmem>>, vector<16xf32>,
        %parallel_loop3A_535 = arith.constant 36048 : i32
        %parallel_loop3A_536 = vector.broadcast %parallel_loop3A_535 : i32 to vector<16xi32>
        %parallel_loop3A_537 = arith.addi %parallel_loop3A_489, %parallel_loop3A_536 : vector<16xi32>
        %parallel_loop3A_538 = tpu.vector_load_idx %arg10[%parallel_loop3A_537] : memref<48064xf32, #tpu.memory_space<vmem>>[vector<16xi32>], vector<16xf32>,
        %parallel_loop3A_539 = arith.constant 4 : i32
        %parallel_loop3A_540 = arith.muli %and3A_374, %parallel_loop3A_539 : i32
        %parallel_loop3A_541 = arith.constant 2048 : i32
        %parallel_loop3A_542 = arith.muli %parallel_loop3A_540, %parallel_loop3A_541 : i32
        %parallel_loop3A_543 = arith.constant 6144 : i32
        %parallel_loop3A_544 = arith.addi %parallel_loop3A_542, %parallel_loop3A_543 : i32
        %parallel_loop3A_545 = arith.constant 16 : i32
        %parallel_loop3A_546 = arith.muli %parallel_loop3A_482, %parallel_loop3A_545 : i32
        %parallel_loop3A_547 = arith.addi %parallel_loop3A_544, %parallel_loop3A_546 : i32
        %parallel_loop3A_548 = arith.index_cast %parallel_loop3A_547 : i32 to index
        %parallel_loop3A_549 = tpu.vector_load %arg12[%parallel_loop3A_548] {strides = array<i32>} : memref<16384xf32, #tpu.memory_space<vmem>>, vector<16xf32>,
        tpu.vector_store %arg12[%parallel_loop3A_548], %parallel_loop3A_538 {strides = array<i32>} : memref<16384xf32, #tpu.memory_space<vmem>>, vector<16xf32>,
      } {sc.loop_unroll_factor = 4 : i64, sc.parallel_access}
      %mul3A_394 = arith.constant 4 : i32
      %mul3A_395 = arith.muli %and3A_374, %mul3A_394 : i32
      %mul3A_396 = arith.constant 2048 : i32
      %mul3A_397 = arith.muli %mul3A_395, %mul3A_396 : i32
      %add3A_398 = arith.constant 0 : i32
      %add3A_399 = arith.addi %mul3A_397, %add3A_398 : i32
      %add3A_400 = arith.constant 0 : i32
      %add3A_401 = arith.addi %add3A_400, %mul3A_4 : i32
      %add3A_402 = arith.constant 0 : i32
      %add3A_403 = arith.addi %add3A_401, %add3A_402 : i32
      %mul3A_404 = arith.constant 262144 : i32
      %mul3A_405 = arith.muli %add3A_403, %mul3A_404 : i32
      %add3A_406 = arith.addi %mul3A_405, %mul3A_6 : i32
      %mul3A_407 = arith.constant 2048 : i32
      %mul3A_408 = arith.muli %scan3A_373, %mul3A_407 : i32
      %add3A_409 = arith.addi %add3A_406, %mul3A_408 : i32
      %dma_start3A_410 = tpu.memref_slice %arg12[%add3A_399] : memref<16384xf32, #tpu.memory_space<vmem>> -> memref<2048xf32, #tpu.memory_space<vmem>>
      %dma_start3A_411 = tpu.memref_slice %arg5[%add3A_409] : memref<67108864xf32, #tpu.memory_space<hbm>> -> memref<2048xf32, #tpu.memory_space<hbm>>
      %dma_start3A_412 = tpu.memref_slice %arg15[%and3A_374] : memref<2x!tpu.dma_semaphore, #tpu.memory_space<semaphore_mem>> -> memref<1x!tpu.dma_semaphore, #tpu.memory_space<semaphore_mem>>
      %dma_start3A_413 = tpu.memref_squeeze %dma_start3A_412 : memref<1x!tpu.dma_semaphore, #tpu.memory_space<semaphore_mem>> -> memref<!tpu.dma_semaphore, #tpu.memory_space<semaphore_mem>>
      %dma_start3A_414 = tpu.memref_slice %arg5[%add3A_409] : memref<67108864xf32, #tpu.memory_space<hbm>> -> memref<2048xf32, #tpu.memory_space<hbm>>
      %dma_start3A_415 = tpu.memref_slice %arg12[%add3A_399] : memref<16384xf32, #tpu.memory_space<vmem>> -> memref<2048xf32, #tpu.memory_space<vmem>>
      tpu.enqueue_dma source(%dma_start3A_415 : memref<2048xf32, #tpu.memory_space<vmem>>) target(%dma_start3A_414 : memref<2048xf32, #tpu.memory_space<hbm>>) target_semaphore(%dma_start3A_413 : memref<!tpu.dma_semaphore, #tpu.memory_space<semaphore_mem>>)
      %mul3A_416 = arith.constant 4 : i32
      %mul3A_417 = arith.muli %and3A_374, %mul3A_416 : i32
      %mul3A_418 = arith.constant 2048 : i32
      %mul3A_419 = arith.muli %mul3A_417, %mul3A_418 : i32
      %add3A_420 = arith.constant 2048 : i32
      %add3A_421 = arith.addi %mul3A_419, %add3A_420 : i32
      %add3A_422 = arith.constant 0 : i32
      %add3A_423 = arith.addi %add3A_422, %mul3A_4 : i32
      %add3A_424 = arith.constant 1 : i32
      %add3A_425 = arith.addi %add3A_423, %add3A_424 : i32
      %mul3A_426 = arith.constant 262144 : i32
      %mul3A_427 = arith.muli %add3A_425, %mul3A_426 : i32
      %add3A_428 = arith.addi %mul3A_427, %mul3A_6 : i32
      %mul3A_429 = arith.constant 2048 : i32
      %mul3A_430 = arith.muli %scan3A_373, %mul3A_429 : i32
      %add3A_431 = arith.addi %add3A_428, %mul3A_430 : i32
      %dma_start3A_432 = tpu.memref_slice %arg12[%add3A_421] : memref<16384xf32, #tpu.memory_space<vmem>> -> memref<2048xf32, #tpu.memory_space<vmem>>
      %dma_start3A_433 = tpu.memref_slice %arg5[%add3A_431] : memref<67108864xf32, #tpu.memory_space<hbm>> -> memref<2048xf32, #tpu.memory_space<hbm>>
      %dma_start3A_434 = tpu.memref_slice %arg15[%and3A_374] : memref<2x!tpu.dma_semaphore, #tpu.memory_space<semaphore_mem>> -> memref<1x!tpu.dma_semaphore, #tpu.memory_space<semaphore_mem>>
      %dma_start3A_435 = tpu.memref_squeeze %dma_start3A_434 : memref<1x!tpu.dma_semaphore, #tpu.memory_space<semaphore_mem>> -> memref<!tpu.dma_semaphore, #tpu.memory_space<semaphore_mem>>
      %dma_start3A_436 = tpu.memref_slice %arg5[%add3A_431] : memref<67108864xf32, #tpu.memory_space<hbm>> -> memref<2048xf32, #tpu.memory_space<hbm>>
      %dma_start3A_437 = tpu.memref_slice %arg12[%add3A_421] : memref<16384xf32, #tpu.memory_space<vmem>> -> memref<2048xf32, #tpu.memory_space<vmem>>
      tpu.enqueue_dma source(%dma_start3A_437 : memref<2048xf32, #tpu.memory_space<vmem>>) target(%dma_start3A_436 : memref<2048xf32, #tpu.memory_space<hbm>>) target_semaphore(%dma_start3A_435 : memref<!tpu.dma_semaphore, #tpu.memory_space<semaphore_mem>>)
      %mul3A_438 = arith.constant 4 : i32
      %mul3A_439 = arith.muli %and3A_374, %mul3A_438 : i32
      %mul3A_440 = arith.constant 2048 : i32
      %mul3A_441 = arith.muli %mul3A_439, %mul3A_440 : i32
      %add3A_442 = arith.constant 4096 : i32
      %add3A_443 = arith.addi %mul3A_441, %add3A_442 : i32
      %add3A_444 = arith.constant 0 : i32
      %add3A_445 = arith.addi %add3A_444, %mul3A_4 : i32
      %add3A_446 = arith.constant 2 : i32
      %add3A_447 = arith.addi %add3A_445, %add3A_446 : i32
      %mul3A_448 = arith.constant 262144 : i32
      %mul3A_449 = arith.muli %add3A_447, %mul3A_448 : i32
      %add3A_450 = arith.addi %mul3A_449, %mul3A_6 : i32
      %mul3A_451 = arith.constant 2048 : i32
      %mul3A_452 = arith.muli %scan3A_373, %mul3A_451 : i32
      %add3A_453 = arith.addi %add3A_450, %mul3A_452 : i32
      %dma_start3A_454 = tpu.memref_slice %arg12[%add3A_443] : memref<16384xf32, #tpu.memory_space<vmem>> -> memref<2048xf32, #tpu.memory_space<vmem>>
      %dma_start3A_455 = tpu.memref_slice %arg5[%add3A_453] : memref<67108864xf32, #tpu.memory_space<hbm>> -> memref<2048xf32, #tpu.memory_space<hbm>>
      %dma_start3A_456 = tpu.memref_slice %arg15[%and3A_374] : memref<2x!tpu.dma_semaphore, #tpu.memory_space<semaphore_mem>> -> memref<1x!tpu.dma_semaphore, #tpu.memory_space<semaphore_mem>>
      %dma_start3A_457 = tpu.memref_squeeze %dma_start3A_456 : memref<1x!tpu.dma_semaphore, #tpu.memory_space<semaphore_mem>> -> memref<!tpu.dma_semaphore, #tpu.memory_space<semaphore_mem>>
      %dma_start3A_458 = tpu.memref_slice %arg5[%add3A_453] : memref<67108864xf32, #tpu.memory_space<hbm>> -> memref<2048xf32, #tpu.memory_space<hbm>>
      %dma_start3A_459 = tpu.memref_slice %arg12[%add3A_443] : memref<16384xf32, #tpu.memory_space<vmem>> -> memref<2048xf32, #tpu.memory_space<vmem>>
      tpu.enqueue_dma source(%dma_start3A_459 : memref<2048xf32, #tpu.memory_space<vmem>>) target(%dma_start3A_458 : memref<2048xf32, #tpu.memory_space<hbm>>) target_semaphore(%dma_start3A_457 : memref<!tpu.dma_semaphore, #tpu.memory_space<semaphore_mem>>)
      %mul3A_460 = arith.constant 4 : i32
      %mul3A_461 = arith.muli %and3A_374, %mul3A_460 : i32
      %mul3A_462 = arith.constant 2048 : i32
      %mul3A_463 = arith.muli %mul3A_461, %mul3A_462 : i32
      %add3A_464 = arith.constant 6144 : i32
      %add3A_465 = arith.addi %mul3A_463, %add3A_464 : i32
      %add3A_466 = arith.constant 0 : i32
      %add3A_467 = arith.addi %add3A_466, %mul3A_4 : i32
      %add3A_468 = arith.constant 3 : i32
      %add3A_469 = arith.addi %add3A_467, %add3A_468 : i32
      %mul3A_470 = arith.constant 262144 : i32
      %mul3A_471 = arith.muli %add3A_469, %mul3A_470 : i32
      %add3A_472 = arith.addi %mul3A_471, %mul3A_6 : i32
      %mul3A_473 = arith.constant 2048 : i32
      %mul3A_474 = arith.muli %scan3A_373, %mul3A_473 : i32
      %add3A_475 = arith.addi %add3A_472, %mul3A_474 : i32
      %dma_start3A_476 = tpu.memref_slice %arg12[%add3A_465] : memref<16384xf32, #tpu.memory_space<vmem>> -> memref<2048xf32, #tpu.memory_space<vmem>>
      %dma_start3A_477 = tpu.memref_slice %arg5[%add3A_475] : memref<67108864xf32, #tpu.memory_space<hbm>> -> memref<2048xf32, #tpu.memory_space<hbm>>
      %dma_start3A_478 = tpu.memref_slice %arg15[%and3A_374] : memref<2x!tpu.dma_semaphore, #tpu.memory_space<semaphore_mem>> -> memref<1x!tpu.dma_semaphore, #tpu.memory_space<semaphore_mem>>
      %dma_start3A_479 = tpu.memref_squeeze %dma_start3A_478 : memref<1x!tpu.dma_semaphore, #tpu.memory_space<semaphore_mem>> -> memref<!tpu.dma_semaphore, #tpu.memory_space<semaphore_mem>>
      %dma_start3A_480 = tpu.memref_slice %arg5[%add3A_475] : memref<67108864xf32, #tpu.memory_space<hbm>> -> memref<2048xf32, #tpu.memory_space<hbm>>
      %dma_start3A_481 = tpu.memref_slice %arg12[%add3A_465] : memref<16384xf32, #tpu.memory_space<vmem>> -> memref<2048xf32, #tpu.memory_space<vmem>>
      tpu.enqueue_dma source(%dma_start3A_481 : memref<2048xf32, #tpu.memory_space<vmem>>) target(%dma_start3A_480 : memref<2048xf32, #tpu.memory_space<hbm>>) target_semaphore(%dma_start3A_479 : memref<!tpu.dma_semaphore, #tpu.memory_space<semaphore_mem>>)
    }
    %scan3A_70 = arith.constant 64 : i32
    %dma_wait3A_71 = arith.constant 0 : i32
    %dma_wait3A_72 = arith.constant 0 : i32
    %dma_wait3A_73 = tpu.memref_slice %arg12[%dma_wait3A_72] : memref<16384xf32, #tpu.memory_space<vmem>> -> memref<8192xf32, #tpu.memory_space<vmem>>
    %dma_wait3A_74 = arith.constant 0 : i32
    %dma_wait3A_75 = tpu.memref_slice %arg5[%dma_wait3A_74] : memref<67108864xf32, #tpu.memory_space<hbm>> -> memref<8192xf32, #tpu.memory_space<hbm>>
    %dma_wait3A_76 = tpu.memref_slice %arg15[%dma_wait3A_71] : memref<2x!tpu.dma_semaphore, #tpu.memory_space<semaphore_mem>> -> memref<1x!tpu.dma_semaphore, #tpu.memory_space<semaphore_mem>>
    %dma_wait3A_77 = tpu.memref_squeeze %dma_wait3A_76 : memref<1x!tpu.dma_semaphore, #tpu.memory_space<semaphore_mem>> -> memref<!tpu.dma_semaphore, #tpu.memory_space<semaphore_mem>>
    %dma_wait3A_78 = arith.constant 0 : i32
    %dma_wait3A_79 = tpu.memref_slice %arg12[%dma_wait3A_78] : memref<16384xf32, #tpu.memory_space<vmem>> -> memref<8192xf32, #tpu.memory_space<vmem>>
    %dma_wait3A_80 = arith.constant 0 : i32
    %dma_wait3A_81 = tpu.memref_slice %arg5[%dma_wait3A_80] : memref<67108864xf32, #tpu.memory_space<hbm>> -> memref<8192xf32, #tpu.memory_space<hbm>>
    tpu.wait_dma2 semaphore(%dma_wait3A_77 : memref<!tpu.dma_semaphore, #tpu.memory_space<semaphore_mem>>) src(%dma_wait3A_81 : memref<8192xf32, #tpu.memory_space<hbm>>) dst(%dma_wait3A_79 : memref<8192xf32, #tpu.memory_space<vmem>>)
    %dma_wait3A_82 = arith.constant 1 : i32
    %dma_wait3A_83 = arith.constant 8192 : i32
    %dma_wait3A_84 = tpu.memref_slice %arg12[%dma_wait3A_83] : memref<16384xf32, #tpu.memory_space<vmem>> -> memref<8192xf32, #tpu.memory_space<vmem>>
    %dma_wait3A_85 = arith.constant 0 : i32
    %dma_wait3A_86 = tpu.memref_slice %arg5[%dma_wait3A_85] : memref<67108864xf32, #tpu.memory_space<hbm>> -> memref<8192xf32, #tpu.memory_space<hbm>>
    %dma_wait3A_87 = tpu.memref_slice %arg15[%dma_wait3A_82] : memref<2x!tpu.dma_semaphore, #tpu.memory_space<semaphore_mem>> -> memref<1x!tpu.dma_semaphore, #tpu.memory_space<semaphore_mem>>
    %dma_wait3A_88 = tpu.memref_squeeze %dma_wait3A_87 : memref<1x!tpu.dma_semaphore, #tpu.memory_space<semaphore_mem>> -> memref<!tpu.dma_semaphore, #tpu.memory_space<semaphore_mem>>
    %dma_wait3A_89 = arith.constant 8192 : i32
    %dma_wait3A_90 = tpu.memref_slice %arg12[%dma_wait3A_89] : memref<16384xf32, #tpu.memory_space<vmem>> -> memref<8192xf32, #tpu.memory_space<vmem>>
    %dma_wait3A_91 = arith.constant 0 : i32
    %dma_wait3A_92 = tpu.memref_slice %arg5[%dma_wait3A_91] : memref<67108864xf32, #tpu.memory_space<hbm>> -> memref<8192xf32, #tpu.memory_space<hbm>>
    tpu.wait_dma2 semaphore(%dma_wait3A_88 : memref<!tpu.dma_semaphore, #tpu.memory_space<semaphore_mem>>) src(%dma_wait3A_92 : memref<8192xf32, #tpu.memory_space<hbm>>) dst(%dma_wait3A_90 : memref<8192xf32, #tpu.memory_space<vmem>>)
    %dma_wait3A_93 = arith.constant 12000 : i32
    %dma_wait3A_94 = tpu.memref_slice %arg2[%dma_wait3A_93] : memref<48000xi32, #tpu.memory_space<hbm>> -> memref<12000xi32, #tpu.memory_space<hbm>>
    %dma_wait3A_95 = arith.constant 12000 : i32
    %dma_wait3A_96 = tpu.memref_slice %arg2[%dma_wait3A_95] : memref<48000xi32, #tpu.memory_space<hbm>> -> memref<12000xi32, #tpu.memory_space<hbm>>
    tpu.wait_dma2 semaphore(%arg17 : memref<!tpu.dma_semaphore, #tpu.memory_space<semaphore_mem>>) src(%dma_wait3A_96 : memref<12000xi32, #tpu.memory_space<hbm>>) dst(%arg6 : memref<12000xi32, #tpu.memory_space<vmem>>)
    %dma_wait3A_97 = arith.constant 12000 : i32
    %dma_wait3A_98 = tpu.memref_slice %arg3[%dma_wait3A_97] : memref<48000xi32, #tpu.memory_space<hbm>> -> memref<12000xi32, #tpu.memory_space<hbm>>
    %dma_wait3A_99 = arith.constant 12000 : i32
    %dma_wait3A_100 = tpu.memref_slice %arg3[%dma_wait3A_99] : memref<48000xi32, #tpu.memory_space<hbm>> -> memref<12000xi32, #tpu.memory_space<hbm>>
    tpu.wait_dma2 semaphore(%arg17 : memref<!tpu.dma_semaphore, #tpu.memory_space<semaphore_mem>>) src(%dma_wait3A_100 : memref<12000xi32, #tpu.memory_space<hbm>>) dst(%arg7 : memref<12000xi32, #tpu.memory_space<vmem>>)
    %add3A_101 = arith.constant 64 : i32
    %add3A_102 = arith.addi %add3A_101, %mul3A_4 : i32
    %mul3A_103 = arith.constant 12016 : i32
    %mul3A_104 = arith.muli %add3A_102, %mul3A_103 : i32
    %dma_start3A_105 = tpu.memref_slice %arg4[%mul3A_104] : memref<3076096xf32, #tpu.memory_space<hbm>> -> memref<48064xf32, #tpu.memory_space<hbm>>
    %dma_start3A_106 = tpu.memref_slice %arg4[%mul3A_104] : memref<3076096xf32, #tpu.memory_space<hbm>> -> memref<48064xf32, #tpu.memory_space<hbm>>
    tpu.enqueue_dma source(%dma_start3A_106 : memref<48064xf32, #tpu.memory_space<hbm>>) target(%arg10 : memref<48064xf32, #tpu.memory_space<vmem>>) target_semaphore(%arg16 : memref<!tpu.dma_semaphore, #tpu.memory_space<semaphore_mem>>)
    %parallel_loop3A_107 = arith.constant 0 : i32
    %parallel_loop3A_108 = arith.constant 512 : i32
    %parallel_loop3A_109 = arith.constant 1 : i32
    scf.for %parallel_loop3A_373 = %parallel_loop3A_107 to %parallel_loop3A_108 step %parallel_loop3A_109  : i32 {
      %parallel_loop3A_374 = arith.constant 16 : i32
      %parallel_loop3A_375 = arith.muli %parallel_loop3A_373, %parallel_loop3A_374 : i32
      %parallel_loop3A_376 = arith.index_cast %parallel_loop3A_375 : i32 to index
      %parallel_loop3A_377 = tpu.vector_load %arg8[%parallel_loop3A_376] {strides = array<i32>} : memref<8192xi32, #tpu.memory_space<vmem>>, vector<16xi32>,
      tpu.vector_store %arg8[%parallel_loop3A_376], %broadcast_in_dim3A_12 {strides = array<i32>} : memref<8192xi32, #tpu.memory_space<vmem>>, vector<16xi32>,
    } {sc.loop_unroll_factor = 1 : i64, sc.parallel_access}
    %scan3A_110 = arith.constant 0 : i32
    %scan3A_111 = arith.constant 0 : i32
    %scan3A_112 = arith.constant 750 : i32
    %scan3A_113 = arith.addi %scan3A_111, %scan3A_112 : i32
    %scan3A_114 = arith.constant 1 : i32
    %scan3A_115 = scf.for %scan3A_373 = %scan3A_111 to %scan3A_113 step %scan3A_114 iter_args(%scan3A_374 = %scan3A_110) -> (i32)  : i32 {
      %mul3A_375 = arith.constant 16 : i32
      %mul3A_376 = arith.muli %scan3A_373, %mul3A_375 : i32
      %get3A = arith.index_cast %mul3A_376 : i32 to index
      %get3A_377 = tpu.vector_load %arg6[%get3A] {strides = array<i32>} : memref<12000xi32, #tpu.memory_space<vmem>>, vector<16xi32>,
      %mul3A_378 = arith.constant 16 : i32
      %mul3A_379 = arith.muli %scan3A_373, %mul3A_378 : i32
      %get3A_380 = arith.index_cast %mul3A_379 : i32 to index
      %get3A_381 = tpu.vector_load %arg7[%get3A_380] {strides = array<i32>} : memref<12000xi32, #tpu.memory_space<vmem>>, vector<16xi32>,
      %ge3A = arith.constant 0 : i32
      %ge3A_382 = vector.broadcast %ge3A : i32 to vector<16xi32>
      %ge3A_383 = arith.cmpi sge, %get3A_381, %ge3A_382 : vector<16xi32>
      %lt3A = arith.constant 512 : i32
      %lt3A_384 = vector.broadcast %lt3A : i32 to vector<16xi32>
      %lt3A_385 = arith.cmpi slt, %get3A_381, %lt3A_384 : vector<16xi32>
      %and3A = arith.andi %ge3A_383, %lt3A_385 : vector<16xi1>
      %ge3A_386 = arith.constant 0 : i32
      %ge3A_387 = vector.broadcast %ge3A_386 : i32 to vector<16xi32>
      %ge3A_388 = arith.cmpi sge, %get3A_377, %ge3A_387 : vector<16xi32>
      %and3A_389 = arith.andi %and3A, %ge3A_388 : vector<16xi1>
      %lt3A_390 = arith.constant 512 : i32
      %lt3A_391 = vector.broadcast %lt3A_390 : i32 to vector<16xi32>
      %lt3A_392 = arith.cmpi slt, %get3A_377, %lt3A_391 : vector<16xi32>
      %and3A_393 = arith.andi %and3A_389, %lt3A_392 : vector<16xi1>
      %mul3A_394 = arith.constant 512 : i32
      %mul3A_395 = vector.broadcast %mul3A_394 : i32 to vector<16xi32>
      %mul3A_396 = arith.muli %get3A_377, %mul3A_395 : vector<16xi32>
      %add3A_397 = arith.addi %mul3A_396, %get3A_381 : vector<16xi32>
      %jit3A = arith.constant -1 : i32
      %broadcast_in_dim3A_398 = vector.broadcast %jit3A : i32 to vector<16xi32>
      %select_n3A = arith.select %and3A_393, %add3A_397, %broadcast_in_dim3A_398 : vector<16xi1>, vector<16xi32>
      %ge3A_399 = vector.broadcast %add3A : i32 to vector<16xi32>
      %ge3A_400 = arith.cmpi sge, %select_n3A, %ge3A_399 : vector<16xi32>
      %add3A_401 = arith.constant 8192 : i32
      %add3A_402 = arith.addi %add3A, %add3A_401 : i32
      %lt3A_403 = vector.broadcast %add3A_402 : i32 to vector<16xi32>
      %lt3A_404 = arith.cmpi slt, %select_n3A, %lt3A_403 : vector<16xi32>
      %and3A_405 = arith.andi %ge3A_400, %lt3A_404 : vector<16xi1>
      %mul3A_406 = arith.constant 16384 : i32
      %mul3A_407 = vector.broadcast %mul3A_406 : i32 to vector<16xi32>
      %mul3A_408 = arith.muli %select_n3A, %mul3A_407 : vector<16xi32>
      %mul3A_409 = arith.constant 16 : i32
      %mul3A_410 = arith.muli %scan3A_373, %mul3A_409 : i32
      %add3A_411 = vector.broadcast %mul3A_410 : i32 to vector<16xi32>
      %add3A_412 = arith.addi %iota3A, %add3A_411 : vector<16xi32>
      %add3A_413 = arith.addi %mul3A_408, %add3A_412 : vector<16xi32>
      %swap3A = arith.index_cast %scan3A_374 : i32 to index
      %swap3A_414 = tpu.vector_load %arg9[%swap3A] masked %and3A_405 {strides = array<i32>} : memref<12016xi32, #tpu.memory_space<vmem>>, vector<16xi32>, vector<16xi1>
      tpu.vector_store %arg9[%swap3A], %add3A_413 masked %and3A_405 {strides = array<i32>} : memref<12016xi32, #tpu.memory_space<vmem>>, vector<16xi32>, vector<16xi1>
      %convert_element_type3A = arith.extui %and3A_405 : vector<16xi1> to vector<16xi32>
      %reduce_sum3A = arith.constant true
      %reduce_sum3A_415 = vector.broadcast %reduce_sum3A : i1 to vector<16xi1>
      %reduce_sum3A_416 = tpu.scan <sum>, %convert_element_type3A masked %reduce_sum3A_415 : vector<16xi32>, vector<16xi1> -> vector<16xi32>
      %reduce_sum3A_417 = vector.extract %reduce_sum3A_416[15] : i32 from vector<16xi32>
      %add3A_418 = arith.addi %scan3A_374, %reduce_sum3A_417 : i32
      scf.yield %add3A_418 : i32
    }
    %scan3A_116 = arith.constant 750 : i32
    %add3A_117 = arith.constant 16 : i32
    %add3A_118 = arith.addi %scan3A_115, %add3A_117 : i32
    %sub3A_119 = arith.constant 1 : i32
    %sub3A_120 = arith.subi %add3A_118, %sub3A_119 : i32
    %shift_right_arithmetic3A_121 = arith.constant 4 : i32
    %shift_right_arithmetic3A_122 = arith.shrsi %sub3A_120, %shift_right_arithmetic3A_121 : i32
    %while3A_123 = arith.constant 0 : i32
    %while3A_124 = arith.constant 0 : i32
    %while3A_125 = arith.subi %shift_right_arithmetic3A_122, %while3A_124 : i32
    %while3A_126 = arith.addi %while3A_124, %while3A_125 : i32
    %while3A_127 = arith.constant 1 : i32
    %while3A_128 = arith.divsi %while3A_125, %while3A_127 : i32
    %while3A_129 = arith.muli %while3A_128, %while3A_127 : i32
    %while3A_130 = arith.addi %while3A_124, %while3A_129 : i32
    %while3A_131 = arith.constant 1 : i32
    scf.for %while3A_373 = %while3A_124 to %while3A_130 step %while3A_131  : i32 {
      %mul3A_374 = arith.constant 16 : i32
      %mul3A_375 = arith.muli %while3A_373, %mul3A_374 : i32
      %get3A = arith.index_cast %mul3A_375 : i32 to index
      %get3A_376 = tpu.vector_load %arg9[%get3A] {strides = array<i32>} : memref<12016xi32, #tpu.memory_space<vmem>>, vector<16xi32>,
      %mul3A_377 = arith.constant 16 : i32
      %mul3A_378 = arith.muli %while3A_373, %mul3A_377 : i32
      %add3A_379 = vector.broadcast %mul3A_378 : i32 to vector<16xi32>
      %add3A_380 = arith.addi %add3A_379, %iota3A : vector<16xi32>
      %lt3A = vector.broadcast %scan3A_115 : i32 to vector<16xi32>
      %lt3A_381 = arith.cmpi slt, %add3A_380, %lt3A : vector<16xi32>
      %masked_sort3A, %masked_sort3A_382, %masked_sort3A_383 = tpu.sort %get3A_376, %get3A_376 masked %lt3A_381 : (vector<16xi32>, vector<16xi32>, vector<16xi1>) -> (vector<16xi1>, vector<16xi32>, vector<16xi32>)
      %shift_right_logical3A = arith.constant 14 : i32
      %shift_right_logical3A_384 = vector.broadcast %shift_right_logical3A : i32 to vector<16xi32>
      %shift_right_logical3A_385 = arith.shrui %masked_sort3A_382, %shift_right_logical3A_384 : vector<16xi32>
      %jit3A = arith.constant -7 : i32
      %broadcast_in_dim3A_386 = vector.broadcast %jit3A : i32 to vector<16xi32>
      %select_n3A = arith.select %masked_sort3A, %shift_right_logical3A_385, %broadcast_in_dim3A_386 : vector<16xi1>, vector<16xi32>
      %lt3A_387 = arith.constant 0 : i32
      %lt3A_388 = vector.broadcast %lt3A_387 : i32 to vector<16xi32>
      %lt3A_389 = arith.cmpi slt, %min3A_11, %lt3A_388 : vector<16xi32>
      %add3A_390 = arith.constant 16 : i32
      %add3A_391 = vector.broadcast %add3A_390 : i32 to vector<16xi32>
      %add3A_392 = arith.addi %min3A_11, %add3A_391 : vector<16xi32>
      %select_n3A_393 = arith.select %lt3A_389, %add3A_392, %min3A_11 : vector<16xi1>, vector<16xi32>
      %broadcast_in_dim3A_394 = vector.shape_cast %select_n3A_393 : vector<16xi32> to vector<16x1xi32>
      %gather3A = vector.shape_cast %broadcast_in_dim3A_394 : vector<16x1xi32> to vector<16xi32>
      %gather3A_395 = tpu.dynamic_gather %select_n3A[%gather3A] in [0] : vector<16xi32>, vector<16xi32> -> vector<16xi32>
      %ne3A = arith.cmpi ne, %select_n3A, %gather3A_395 : vector<16xi32>
      %eq3A = arith.constant 15 : i32
      %eq3A_396 = vector.broadcast %eq3A : i32 to vector<16xi32>
      %eq3A_397 = arith.cmpi eq, %iota3A, %eq3A_396 : vector<16xi32>
      %or3A = arith.ori %ne3A, %eq3A_397 : vector<16xi1>
      %and3A = arith.constant 16383 : i32
      %and3A_398 = vector.broadcast %and3A : i32 to vector<16xi32>
      %and3A_399 = arith.andi %masked_sort3A_383, %and3A_398 : vector<16xi32>
      %sub3A_400 = vector.broadcast %add3A : i32 to vector<16xi32>
      %sub3A_401 = arith.subi %select_n3A, %sub3A_400 : vector<16xi32>
      %and3A_402 = arith.andi %or3A, %masked_sort3A : vector<16xi1>
      tpu.vector_store_idx %arg8[%sub3A_401], %and3A_399 masked %and3A_402 : memref<8192xi32, #tpu.memory_space<vmem>>[vector<16xi32>], vector<16xi32>, vector<16xi1>
    }
    %while3A_132 = arith.constant 1 : i32
    scf.for %while3A_373 = %while3A_130 to %while3A_126 step %while3A_132  : i32 {
      %mul3A_374 = arith.constant 16 : i32
      %mul3A_375 = arith.muli %while3A_373, %mul3A_374 : i32
      %get3A = arith.index_cast %mul3A_375 : i32 to index
      %get3A_376 = tpu.vector_load %arg9[%get3A] {strides = array<i32>} : memref<12016xi32, #tpu.memory_space<vmem>>, vector<16xi32>,
      %mul3A_377 = arith.constant 16 : i32
      %mul3A_378 = arith.muli %while3A_373, %mul3A_377 : i32
      %add3A_379 = vector.broadcast %mul3A_378 : i32 to vector<16xi32>
      %add3A_380 = arith.addi %add3A_379, %iota3A : vector<16xi32>
      %lt3A = vector.broadcast %scan3A_115 : i32 to vector<16xi32>
      %lt3A_381 = arith.cmpi slt, %add3A_380, %lt3A : vector<16xi32>
      %masked_sort3A, %masked_sort3A_382, %masked_sort3A_383 = tpu.sort %get3A_376, %get3A_376 masked %lt3A_381 : (vector<16xi32>, vector<16xi32>, vector<16xi1>) -> (vector<16xi1>, vector<16xi32>, vector<16xi32>)
      %shift_right_logical3A = arith.constant 14 : i32
      %shift_right_logical3A_384 = vector.broadcast %shift_right_logical3A : i32 to vector<16xi32>
      %shift_right_logical3A_385 = arith.shrui %masked_sort3A_382, %shift_right_logical3A_384 : vector<16xi32>
      %jit3A = arith.constant -7 : i32
      %broadcast_in_dim3A_386 = vector.broadcast %jit3A : i32 to vector<16xi32>
      %select_n3A = arith.select %masked_sort3A, %shift_right_logical3A_385, %broadcast_in_dim3A_386 : vector<16xi1>, vector<16xi32>
      %lt3A_387 = arith.constant 0 : i32
      %lt3A_388 = vector.broadcast %lt3A_387 : i32 to vector<16xi32>
      %lt3A_389 = arith.cmpi slt, %min3A_11, %lt3A_388 : vector<16xi32>
      %add3A_390 = arith.constant 16 : i32
      %add3A_391 = vector.broadcast %add3A_390 : i32 to vector<16xi32>
      %add3A_392 = arith.addi %min3A_11, %add3A_391 : vector<16xi32>
      %select_n3A_393 = arith.select %lt3A_389, %add3A_392, %min3A_11 : vector<16xi1>, vector<16xi32>
      %broadcast_in_dim3A_394 = vector.shape_cast %select_n3A_393 : vector<16xi32> to vector<16x1xi32>
      %gather3A = vector.shape_cast %broadcast_in_dim3A_394 : vector<16x1xi32> to vector<16xi32>
      %gather3A_395 = tpu.dynamic_gather %select_n3A[%gather3A] in [0] : vector<16xi32>, vector<16xi32> -> vector<16xi32>
      %ne3A = arith.cmpi ne, %select_n3A, %gather3A_395 : vector<16xi32>
      %eq3A = arith.constant 15 : i32
      %eq3A_396 = vector.broadcast %eq3A : i32 to vector<16xi32>
      %eq3A_397 = arith.cmpi eq, %iota3A, %eq3A_396 : vector<16xi32>
      %or3A = arith.ori %ne3A, %eq3A_397 : vector<16xi1>
      %and3A = arith.constant 16383 : i32
      %and3A_398 = vector.broadcast %and3A : i32 to vector<16xi32>
      %and3A_399 = arith.andi %masked_sort3A_383, %and3A_398 : vector<16xi32>
      %sub3A_400 = vector.broadcast %add3A : i32 to vector<16xi32>
      %sub3A_401 = arith.subi %select_n3A, %sub3A_400 : vector<16xi32>
      %and3A_402 = arith.andi %or3A, %masked_sort3A : vector<16xi1>
      tpu.vector_store_idx %arg8[%sub3A_401], %and3A_399 masked %and3A_402 : memref<8192xi32, #tpu.memory_space<vmem>>[vector<16xi32>], vector<16xi32>, vector<16xi1>
    }
    %mul3A_133 = arith.constant 8192 : i32
    %mul3A_134 = arith.muli %arg1, %mul3A_133 : i32
    %add3A_135 = arith.constant 131072 : i32
    %add3A_136 = arith.addi %add3A_135, %mul3A_134 : i32
    "tpu.region"() ({
      %run_scoped3A = tpu.sem_alloc : memref<!tpu.dma_semaphore, #tpu.memory_space<semaphore_mem>>
      %dma_start3A_373 = tpu.memref_slice %arg13[%add3A_136] : memref<262144xi32, #tpu.memory_space<vmem_shared>> -> memref<8192xi32, #tpu.memory_space<vmem_shared>>
      %dma_start3A_374 = tpu.memref_slice %arg13[%add3A_136] : memref<262144xi32, #tpu.memory_space<vmem_shared>> -> memref<8192xi32, #tpu.memory_space<vmem_shared>>
      tpu.enqueue_dma source(%arg8 : memref<8192xi32, #tpu.memory_space<vmem>>) target(%dma_start3A_374 : memref<8192xi32, #tpu.memory_space<vmem_shared>>) target_semaphore(%run_scoped3A : memref<!tpu.dma_semaphore, #tpu.memory_space<semaphore_mem>>)
      %dma_wait3A_375 = tpu.memref_slice %arg13[%add3A_136] : memref<262144xi32, #tpu.memory_space<vmem_shared>> -> memref<8192xi32, #tpu.memory_space<vmem_shared>>
      %dma_wait3A_376 = tpu.memref_slice %arg13[%add3A_136] : memref<262144xi32, #tpu.memory_space<vmem_shared>> -> memref<8192xi32, #tpu.memory_space<vmem_shared>>
      tpu.wait_dma2 semaphore(%run_scoped3A : memref<!tpu.dma_semaphore, #tpu.memory_space<semaphore_mem>>) src(%arg8 : memref<8192xi32, #tpu.memory_space<vmem>>) dst(%dma_wait3A_376 : memref<8192xi32, #tpu.memory_space<vmem_shared>>)
      tpu.yield
    }) : () -> ()
    %barrier3A_137 = arith.constant 0 : index
    tpu.barrier barrier_id(%barrier3A_137)
    %dma_start3A_138 = arith.constant 24000 : i32
    %dma_start3A_139 = tpu.memref_slice %arg2[%dma_start3A_138] : memref<48000xi32, #tpu.memory_space<hbm>> -> memref<12000xi32, #tpu.memory_space<hbm>>
    %dma_start3A_140 = arith.constant 24000 : i32
    %dma_start3A_141 = tpu.memref_slice %arg2[%dma_start3A_140] : memref<48000xi32, #tpu.memory_space<hbm>> -> memref<12000xi32, #tpu.memory_space<hbm>>
    tpu.enqueue_dma source(%dma_start3A_141 : memref<12000xi32, #tpu.memory_space<hbm>>) target(%arg6 : memref<12000xi32, #tpu.memory_space<vmem>>) target_semaphore(%arg17 : memref<!tpu.dma_semaphore, #tpu.memory_space<semaphore_mem>>)
    %dma_start3A_142 = arith.constant 24000 : i32
    %dma_start3A_143 = tpu.memref_slice %arg3[%dma_start3A_142] : memref<48000xi32, #tpu.memory_space<hbm>> -> memref<12000xi32, #tpu.memory_space<hbm>>
    %dma_start3A_144 = arith.constant 24000 : i32
    %dma_start3A_145 = tpu.memref_slice %arg3[%dma_start3A_144] : memref<48000xi32, #tpu.memory_space<hbm>> -> memref<12000xi32, #tpu.memory_space<hbm>>
    tpu.enqueue_dma source(%dma_start3A_145 : memref<12000xi32, #tpu.memory_space<hbm>>) target(%arg7 : memref<12000xi32, #tpu.memory_space<vmem>>) target_semaphore(%arg17 : memref<!tpu.dma_semaphore, #tpu.memory_space<semaphore_mem>>)
    %dma_wait3A_146 = arith.constant 0 : i32
    %dma_wait3A_147 = tpu.memref_slice %arg4[%dma_wait3A_146] : memref<3076096xf32, #tpu.memory_space<hbm>> -> memref<48064xf32, #tpu.memory_space<hbm>>
    %dma_wait3A_148 = arith.constant 0 : i32
    %dma_wait3A_149 = tpu.memref_slice %arg4[%dma_wait3A_148] : memref<3076096xf32, #tpu.memory_space<hbm>> -> memref<48064xf32, #tpu.memory_space<hbm>>
    tpu.wait_dma2 semaphore(%arg16 : memref<!tpu.dma_semaphore, #tpu.memory_space<semaphore_mem>>) src(%dma_wait3A_149 : memref<48064xf32, #tpu.memory_space<hbm>>) dst(%arg10 : memref<48064xf32, #tpu.memory_space<vmem>>)
    %dma_start3A_150 = arith.constant 0 : i32
    %dma_start3A_151 = arith.constant 0 : i32
    %dma_start3A_152 = tpu.memref_slice %arg11[%dma_start3A_151] : memref<4096xi32, #tpu.memory_space<vmem>> -> memref<2048xi32, #tpu.memory_space<vmem>>
    %dma_start3A_153 = arith.constant 131072 : i32
    %dma_start3A_154 = tpu.memref_slice %arg13[%dma_start3A_153] : memref<262144xi32, #tpu.memory_space<vmem_shared>> -> memref<2048xi32, #tpu.memory_space<vmem_shared>>
    %dma_start3A_155 = tpu.memref_slice %arg14[%dma_start3A_150] : memref<2x!tpu.dma_semaphore, #tpu.memory_space<semaphore_mem>> -> memref<1x!tpu.dma_semaphore, #tpu.memory_space<semaphore_mem>>
    %dma_start3A_156 = tpu.memref_squeeze %dma_start3A_155 : memref<1x!tpu.dma_semaphore, #tpu.memory_space<semaphore_mem>> -> memref<!tpu.dma_semaphore, #tpu.memory_space<semaphore_mem>>
    %dma_start3A_157 = arith.constant 0 : i32
    %dma_start3A_158 = tpu.memref_slice %arg11[%dma_start3A_157] : memref<4096xi32, #tpu.memory_space<vmem>> -> memref<2048xi32, #tpu.memory_space<vmem>>
    %dma_start3A_159 = arith.constant 131072 : i32
    %dma_start3A_160 = tpu.memref_slice %arg13[%dma_start3A_159] : memref<262144xi32, #tpu.memory_space<vmem_shared>> -> memref<2048xi32, #tpu.memory_space<vmem_shared>>
    tpu.enqueue_dma source(%dma_start3A_160 : memref<2048xi32, #tpu.memory_space<vmem_shared>>) target(%dma_start3A_158 : memref<2048xi32, #tpu.memory_space<vmem>>) target_semaphore(%dma_start3A_156 : memref<!tpu.dma_semaphore, #tpu.memory_space<semaphore_mem>>)
    %scan3A_161 = arith.constant 0 : i32
    %scan3A_162 = arith.constant 0 : i32
    %scan3A_163 = arith.constant 64 : i32
    %scan3A_164 = arith.addi %scan3A_162, %scan3A_163 : i32
    %scan3A_165 = arith.constant 1 : i32
    scf.for %scan3A_373 = %scan3A_162 to %scan3A_164 step %scan3A_165  : i32 {
      %and3A = arith.constant 1 : i32
      %and3A_374 = arith.andi %scan3A_373, %and3A : i32
      %lt3A = arith.constant 63 : i32
      %lt3A_375 = arith.cmpi slt, %scan3A_373, %lt3A : i32
      %convert_element_type3A = arith.extui %lt3A_375 : i1 to i32
      %cond3A = arith.constant 0 : i32
      %cond3A_376 = arith.cmpi ne, %convert_element_type3A, %cond3A : i32
      scf.if %cond3A_376 {
        %add3A_482 = arith.constant 1 : i32
        %add3A_483 = arith.addi %scan3A_373, %add3A_482 : i32
        %and3A_484 = arith.constant 1 : i32
        %and3A_485 = arith.andi %add3A_483, %and3A_484 : i32
        %add3A_486 = arith.constant 1 : i32
        %add3A_487 = arith.addi %scan3A_373, %add3A_486 : i32
        %mul3A_488 = arith.constant 2048 : i32
        %mul3A_489 = arith.muli %add3A_487, %mul3A_488 : i32
        %add3A_490 = arith.constant 131072 : i32
        %add3A_491 = arith.addi %add3A_490, %mul3A_489 : i32
        %mul3A_492 = arith.constant 2048 : i32
        %mul3A_493 = arith.muli %and3A_485, %mul3A_492 : i32
        %dma_start3A_494 = tpu.memref_slice %arg11[%mul3A_493] : memref<4096xi32, #tpu.memory_space<vmem>> -> memref<2048xi32, #tpu.memory_space<vmem>>
        %dma_start3A_495 = tpu.memref_slice %arg13[%add3A_491] : memref<262144xi32, #tpu.memory_space<vmem_shared>> -> memref<2048xi32, #tpu.memory_space<vmem_shared>>
        %dma_start3A_496 = tpu.memref_slice %arg14[%and3A_485] : memref<2x!tpu.dma_semaphore, #tpu.memory_space<semaphore_mem>> -> memref<1x!tpu.dma_semaphore, #tpu.memory_space<semaphore_mem>>
        %dma_start3A_497 = tpu.memref_squeeze %dma_start3A_496 : memref<1x!tpu.dma_semaphore, #tpu.memory_space<semaphore_mem>> -> memref<!tpu.dma_semaphore, #tpu.memory_space<semaphore_mem>>
        %dma_start3A_498 = tpu.memref_slice %arg11[%mul3A_493] : memref<4096xi32, #tpu.memory_space<vmem>> -> memref<2048xi32, #tpu.memory_space<vmem>>
        %dma_start3A_499 = tpu.memref_slice %arg13[%add3A_491] : memref<262144xi32, #tpu.memory_space<vmem_shared>> -> memref<2048xi32, #tpu.memory_space<vmem_shared>>
        tpu.enqueue_dma source(%dma_start3A_499 : memref<2048xi32, #tpu.memory_space<vmem_shared>>) target(%dma_start3A_498 : memref<2048xi32, #tpu.memory_space<vmem>>) target_semaphore(%dma_start3A_497 : memref<!tpu.dma_semaphore, #tpu.memory_space<semaphore_mem>>)
      } else {
      }
      %mul3A_377 = arith.constant 2048 : i32
      %mul3A_378 = arith.muli %and3A_374, %mul3A_377 : i32
      %dma_wait3A_379 = tpu.memref_slice %arg11[%mul3A_378] : memref<4096xi32, #tpu.memory_space<vmem>> -> memref<2048xi32, #tpu.memory_space<vmem>>
      %dma_wait3A_380 = arith.constant 131072 : i32
      %dma_wait3A_381 = tpu.memref_slice %arg13[%dma_wait3A_380] : memref<262144xi32, #tpu.memory_space<vmem_shared>> -> memref<2048xi32, #tpu.memory_space<vmem_shared>>
      %dma_wait3A_382 = tpu.memref_slice %arg14[%and3A_374] : memref<2x!tpu.dma_semaphore, #tpu.memory_space<semaphore_mem>> -> memref<1x!tpu.dma_semaphore, #tpu.memory_space<semaphore_mem>>
      %dma_wait3A_383 = tpu.memref_squeeze %dma_wait3A_382 : memref<1x!tpu.dma_semaphore, #tpu.memory_space<semaphore_mem>> -> memref<!tpu.dma_semaphore, #tpu.memory_space<semaphore_mem>>
      %dma_wait3A_384 = tpu.memref_slice %arg11[%mul3A_378] : memref<4096xi32, #tpu.memory_space<vmem>> -> memref<2048xi32, #tpu.memory_space<vmem>>
      %dma_wait3A_385 = arith.constant 131072 : i32
      %dma_wait3A_386 = tpu.memref_slice %arg13[%dma_wait3A_385] : memref<262144xi32, #tpu.memory_space<vmem_shared>> -> memref<2048xi32, #tpu.memory_space<vmem_shared>>
      tpu.wait_dma2 semaphore(%dma_wait3A_383 : memref<!tpu.dma_semaphore, #tpu.memory_space<semaphore_mem>>) src(%dma_wait3A_386 : memref<2048xi32, #tpu.memory_space<vmem_shared>>) dst(%dma_wait3A_384 : memref<2048xi32, #tpu.memory_space<vmem>>)
      %ge3A = arith.constant 2 : i32
      %ge3A_387 = arith.cmpi sge, %scan3A_373, %ge3A : i32
      %convert_element_type3A_388 = arith.extui %ge3A_387 : i1 to i32
      %cond3A_389 = arith.constant 0 : i32
      %cond3A_390 = arith.cmpi ne, %convert_element_type3A_388, %cond3A_389 : i32
      scf.if %cond3A_390 {
        %mul3A_482 = arith.constant 4 : i32
        %mul3A_483 = arith.muli %and3A_374, %mul3A_482 : i32
        %mul3A_484 = arith.constant 2048 : i32
        %mul3A_485 = arith.muli %mul3A_483, %mul3A_484 : i32
        %dma_wait3A_486 = tpu.memref_slice %arg12[%mul3A_485] : memref<16384xf32, #tpu.memory_space<vmem>> -> memref<8192xf32, #tpu.memory_space<vmem>>
        %dma_wait3A_487 = arith.constant 0 : i32
        %dma_wait3A_488 = tpu.memref_slice %arg5[%dma_wait3A_487] : memref<67108864xf32, #tpu.memory_space<hbm>> -> memref<8192xf32, #tpu.memory_space<hbm>>
        %dma_wait3A_489 = tpu.memref_slice %arg15[%and3A_374] : memref<2x!tpu.dma_semaphore, #tpu.memory_space<semaphore_mem>> -> memref<1x!tpu.dma_semaphore, #tpu.memory_space<semaphore_mem>>
        %dma_wait3A_490 = tpu.memref_squeeze %dma_wait3A_489 : memref<1x!tpu.dma_semaphore, #tpu.memory_space<semaphore_mem>> -> memref<!tpu.dma_semaphore, #tpu.memory_space<semaphore_mem>>
        %dma_wait3A_491 = tpu.memref_slice %arg12[%mul3A_485] : memref<16384xf32, #tpu.memory_space<vmem>> -> memref<8192xf32, #tpu.memory_space<vmem>>
        %dma_wait3A_492 = arith.constant 0 : i32
        %dma_wait3A_493 = tpu.memref_slice %arg5[%dma_wait3A_492] : memref<67108864xf32, #tpu.memory_space<hbm>> -> memref<8192xf32, #tpu.memory_space<hbm>>
        tpu.wait_dma2 semaphore(%dma_wait3A_490 : memref<!tpu.dma_semaphore, #tpu.memory_space<semaphore_mem>>) src(%dma_wait3A_493 : memref<8192xf32, #tpu.memory_space<hbm>>) dst(%dma_wait3A_491 : memref<8192xf32, #tpu.memory_space<vmem>>)
      } else {
      }
      %parallel_loop3A_391 = arith.constant 0 : i32
      %parallel_loop3A_392 = arith.constant 128 : i32
      %parallel_loop3A_393 = arith.constant 1 : i32
      scf.for %parallel_loop3A_482 = %parallel_loop3A_391 to %parallel_loop3A_392 step %parallel_loop3A_393  : i32 {
        %parallel_loop3A_483 = arith.constant 2048 : i32
        %parallel_loop3A_484 = arith.muli %and3A_374, %parallel_loop3A_483 : i32
        %parallel_loop3A_485 = arith.constant 16 : i32
        %parallel_loop3A_486 = arith.muli %parallel_loop3A_482, %parallel_loop3A_485 : i32
        %parallel_loop3A_487 = arith.addi %parallel_loop3A_484, %parallel_loop3A_486 : i32
        %parallel_loop3A_488 = arith.index_cast %parallel_loop3A_487 : i32 to index
        %parallel_loop3A_489 = tpu.vector_load %arg11[%parallel_loop3A_488] {strides = array<i32>} : memref<4096xi32, #tpu.memory_space<vmem>>, vector<16xi32>,
        %parallel_loop3A_490 = arith.constant 0 : i32
        %parallel_loop3A_491 = vector.broadcast %parallel_loop3A_490 : i32 to vector<16xi32>
        %parallel_loop3A_492 = arith.addi %parallel_loop3A_489, %parallel_loop3A_491 : vector<16xi32>
        %parallel_loop3A_493 = tpu.vector_load_idx %arg10[%parallel_loop3A_492] : memref<48064xf32, #tpu.memory_space<vmem>>[vector<16xi32>], vector<16xf32>,
        %parallel_loop3A_494 = arith.constant 4 : i32
        %parallel_loop3A_495 = arith.muli %and3A_374, %parallel_loop3A_494 : i32
        %parallel_loop3A_496 = arith.constant 2048 : i32
        %parallel_loop3A_497 = arith.muli %parallel_loop3A_495, %parallel_loop3A_496 : i32
        %parallel_loop3A_498 = arith.constant 0 : i32
        %parallel_loop3A_499 = arith.addi %parallel_loop3A_497, %parallel_loop3A_498 : i32
        %parallel_loop3A_500 = arith.constant 16 : i32
        %parallel_loop3A_501 = arith.muli %parallel_loop3A_482, %parallel_loop3A_500 : i32
        %parallel_loop3A_502 = arith.addi %parallel_loop3A_499, %parallel_loop3A_501 : i32
        %parallel_loop3A_503 = arith.index_cast %parallel_loop3A_502 : i32 to index
        %parallel_loop3A_504 = tpu.vector_load %arg12[%parallel_loop3A_503] {strides = array<i32>} : memref<16384xf32, #tpu.memory_space<vmem>>, vector<16xf32>,
        tpu.vector_store %arg12[%parallel_loop3A_503], %parallel_loop3A_493 {strides = array<i32>} : memref<16384xf32, #tpu.memory_space<vmem>>, vector<16xf32>,
        %parallel_loop3A_505 = arith.constant 12016 : i32
        %parallel_loop3A_506 = vector.broadcast %parallel_loop3A_505 : i32 to vector<16xi32>
        %parallel_loop3A_507 = arith.addi %parallel_loop3A_489, %parallel_loop3A_506 : vector<16xi32>
        %parallel_loop3A_508 = tpu.vector_load_idx %arg10[%parallel_loop3A_507] : memref<48064xf32, #tpu.memory_space<vmem>>[vector<16xi32>], vector<16xf32>,
        %parallel_loop3A_509 = arith.constant 4 : i32
        %parallel_loop3A_510 = arith.muli %and3A_374, %parallel_loop3A_509 : i32
        %parallel_loop3A_511 = arith.constant 2048 : i32
        %parallel_loop3A_512 = arith.muli %parallel_loop3A_510, %parallel_loop3A_511 : i32
        %parallel_loop3A_513 = arith.constant 2048 : i32
        %parallel_loop3A_514 = arith.addi %parallel_loop3A_512, %parallel_loop3A_513 : i32
        %parallel_loop3A_515 = arith.constant 16 : i32
        %parallel_loop3A_516 = arith.muli %parallel_loop3A_482, %parallel_loop3A_515 : i32
        %parallel_loop3A_517 = arith.addi %parallel_loop3A_514, %parallel_loop3A_516 : i32
        %parallel_loop3A_518 = arith.index_cast %parallel_loop3A_517 : i32 to index
        %parallel_loop3A_519 = tpu.vector_load %arg12[%parallel_loop3A_518] {strides = array<i32>} : memref<16384xf32, #tpu.memory_space<vmem>>, vector<16xf32>,
        tpu.vector_store %arg12[%parallel_loop3A_518], %parallel_loop3A_508 {strides = array<i32>} : memref<16384xf32, #tpu.memory_space<vmem>>, vector<16xf32>,
        %parallel_loop3A_520 = arith.constant 24032 : i32
        %parallel_loop3A_521 = vector.broadcast %parallel_loop3A_520 : i32 to vector<16xi32>
        %parallel_loop3A_522 = arith.addi %parallel_loop3A_489, %parallel_loop3A_521 : vector<16xi32>
        %parallel_loop3A_523 = tpu.vector_load_idx %arg10[%parallel_loop3A_522] : memref<48064xf32, #tpu.memory_space<vmem>>[vector<16xi32>], vector<16xf32>,
        %parallel_loop3A_524 = arith.constant 4 : i32
        %parallel_loop3A_525 = arith.muli %and3A_374, %parallel_loop3A_524 : i32
        %parallel_loop3A_526 = arith.constant 2048 : i32
        %parallel_loop3A_527 = arith.muli %parallel_loop3A_525, %parallel_loop3A_526 : i32
        %parallel_loop3A_528 = arith.constant 4096 : i32
        %parallel_loop3A_529 = arith.addi %parallel_loop3A_527, %parallel_loop3A_528 : i32
        %parallel_loop3A_530 = arith.constant 16 : i32
        %parallel_loop3A_531 = arith.muli %parallel_loop3A_482, %parallel_loop3A_530 : i32
        %parallel_loop3A_532 = arith.addi %parallel_loop3A_529, %parallel_loop3A_531 : i32
        %parallel_loop3A_533 = arith.index_cast %parallel_loop3A_532 : i32 to index
        %parallel_loop3A_534 = tpu.vector_load %arg12[%parallel_loop3A_533] {strides = array<i32>} : memref<16384xf32, #tpu.memory_space<vmem>>, vector<16xf32>,
        tpu.vector_store %arg12[%parallel_loop3A_533], %parallel_loop3A_523 {strides = array<i32>} : memref<16384xf32, #tpu.memory_space<vmem>>, vector<16xf32>,
        %parallel_loop3A_535 = arith.constant 36048 : i32
        %parallel_loop3A_536 = vector.broadcast %parallel_loop3A_535 : i32 to vector<16xi32>
        %parallel_loop3A_537 = arith.addi %parallel_loop3A_489, %parallel_loop3A_536 : vector<16xi32>
        %parallel_loop3A_538 = tpu.vector_load_idx %arg10[%parallel_loop3A_537] : memref<48064xf32, #tpu.memory_space<vmem>>[vector<16xi32>], vector<16xf32>,
        %parallel_loop3A_539 = arith.constant 4 : i32
        %parallel_loop3A_540 = arith.muli %and3A_374, %parallel_loop3A_539 : i32
        %parallel_loop3A_541 = arith.constant 2048 : i32
        %parallel_loop3A_542 = arith.muli %parallel_loop3A_540, %parallel_loop3A_541 : i32
        %parallel_loop3A_543 = arith.constant 6144 : i32
        %parallel_loop3A_544 = arith.addi %parallel_loop3A_542, %parallel_loop3A_543 : i32
        %parallel_loop3A_545 = arith.constant 16 : i32
        %parallel_loop3A_546 = arith.muli %parallel_loop3A_482, %parallel_loop3A_545 : i32
        %parallel_loop3A_547 = arith.addi %parallel_loop3A_544, %parallel_loop3A_546 : i32
        %parallel_loop3A_548 = arith.index_cast %parallel_loop3A_547 : i32 to index
        %parallel_loop3A_549 = tpu.vector_load %arg12[%parallel_loop3A_548] {strides = array<i32>} : memref<16384xf32, #tpu.memory_space<vmem>>, vector<16xf32>,
        tpu.vector_store %arg12[%parallel_loop3A_548], %parallel_loop3A_538 {strides = array<i32>} : memref<16384xf32, #tpu.memory_space<vmem>>, vector<16xf32>,
      } {sc.loop_unroll_factor = 4 : i64, sc.parallel_access}
      %mul3A_394 = arith.constant 4 : i32
      %mul3A_395 = arith.muli %and3A_374, %mul3A_394 : i32
      %mul3A_396 = arith.constant 2048 : i32
      %mul3A_397 = arith.muli %mul3A_395, %mul3A_396 : i32
      %add3A_398 = arith.constant 0 : i32
      %add3A_399 = arith.addi %mul3A_397, %add3A_398 : i32
      %add3A_400 = arith.constant 64 : i32
      %add3A_401 = arith.addi %add3A_400, %mul3A_4 : i32
      %add3A_402 = arith.constant 0 : i32
      %add3A_403 = arith.addi %add3A_401, %add3A_402 : i32
      %mul3A_404 = arith.constant 262144 : i32
      %mul3A_405 = arith.muli %add3A_403, %mul3A_404 : i32
      %add3A_406 = arith.addi %mul3A_405, %mul3A_6 : i32
      %mul3A_407 = arith.constant 2048 : i32
      %mul3A_408 = arith.muli %scan3A_373, %mul3A_407 : i32
      %add3A_409 = arith.addi %add3A_406, %mul3A_408 : i32
      %dma_start3A_410 = tpu.memref_slice %arg12[%add3A_399] : memref<16384xf32, #tpu.memory_space<vmem>> -> memref<2048xf32, #tpu.memory_space<vmem>>
      %dma_start3A_411 = tpu.memref_slice %arg5[%add3A_409] : memref<67108864xf32, #tpu.memory_space<hbm>> -> memref<2048xf32, #tpu.memory_space<hbm>>
      %dma_start3A_412 = tpu.memref_slice %arg15[%and3A_374] : memref<2x!tpu.dma_semaphore, #tpu.memory_space<semaphore_mem>> -> memref<1x!tpu.dma_semaphore, #tpu.memory_space<semaphore_mem>>
      %dma_start3A_413 = tpu.memref_squeeze %dma_start3A_412 : memref<1x!tpu.dma_semaphore, #tpu.memory_space<semaphore_mem>> -> memref<!tpu.dma_semaphore, #tpu.memory_space<semaphore_mem>>
      %dma_start3A_414 = tpu.memref_slice %arg5[%add3A_409] : memref<67108864xf32, #tpu.memory_space<hbm>> -> memref<2048xf32, #tpu.memory_space<hbm>>
      %dma_start3A_415 = tpu.memref_slice %arg12[%add3A_399] : memref<16384xf32, #tpu.memory_space<vmem>> -> memref<2048xf32, #tpu.memory_space<vmem>>
      tpu.enqueue_dma source(%dma_start3A_415 : memref<2048xf32, #tpu.memory_space<vmem>>) target(%dma_start3A_414 : memref<2048xf32, #tpu.memory_space<hbm>>) target_semaphore(%dma_start3A_413 : memref<!tpu.dma_semaphore, #tpu.memory_space<semaphore_mem>>)
      %mul3A_416 = arith.constant 4 : i32
      %mul3A_417 = arith.muli %and3A_374, %mul3A_416 : i32
      %mul3A_418 = arith.constant 2048 : i32
      %mul3A_419 = arith.muli %mul3A_417, %mul3A_418 : i32
      %add3A_420 = arith.constant 2048 : i32
      %add3A_421 = arith.addi %mul3A_419, %add3A_420 : i32
      %add3A_422 = arith.constant 64 : i32
      %add3A_423 = arith.addi %add3A_422, %mul3A_4 : i32
      %add3A_424 = arith.constant 1 : i32
      %add3A_425 = arith.addi %add3A_423, %add3A_424 : i32
      %mul3A_426 = arith.constant 262144 : i32
      %mul3A_427 = arith.muli %add3A_425, %mul3A_426 : i32
      %add3A_428 = arith.addi %mul3A_427, %mul3A_6 : i32
      %mul3A_429 = arith.constant 2048 : i32
      %mul3A_430 = arith.muli %scan3A_373, %mul3A_429 : i32
      %add3A_431 = arith.addi %add3A_428, %mul3A_430 : i32
      %dma_start3A_432 = tpu.memref_slice %arg12[%add3A_421] : memref<16384xf32, #tpu.memory_space<vmem>> -> memref<2048xf32, #tpu.memory_space<vmem>>
      %dma_start3A_433 = tpu.memref_slice %arg5[%add3A_431] : memref<67108864xf32, #tpu.memory_space<hbm>> -> memref<2048xf32, #tpu.memory_space<hbm>>
      %dma_start3A_434 = tpu.memref_slice %arg15[%and3A_374] : memref<2x!tpu.dma_semaphore, #tpu.memory_space<semaphore_mem>> -> memref<1x!tpu.dma_semaphore, #tpu.memory_space<semaphore_mem>>
      %dma_start3A_435 = tpu.memref_squeeze %dma_start3A_434 : memref<1x!tpu.dma_semaphore, #tpu.memory_space<semaphore_mem>> -> memref<!tpu.dma_semaphore, #tpu.memory_space<semaphore_mem>>
      %dma_start3A_436 = tpu.memref_slice %arg5[%add3A_431] : memref<67108864xf32, #tpu.memory_space<hbm>> -> memref<2048xf32, #tpu.memory_space<hbm>>
      %dma_start3A_437 = tpu.memref_slice %arg12[%add3A_421] : memref<16384xf32, #tpu.memory_space<vmem>> -> memref<2048xf32, #tpu.memory_space<vmem>>
      tpu.enqueue_dma source(%dma_start3A_437 : memref<2048xf32, #tpu.memory_space<vmem>>) target(%dma_start3A_436 : memref<2048xf32, #tpu.memory_space<hbm>>) target_semaphore(%dma_start3A_435 : memref<!tpu.dma_semaphore, #tpu.memory_space<semaphore_mem>>)
      %mul3A_438 = arith.constant 4 : i32
      %mul3A_439 = arith.muli %and3A_374, %mul3A_438 : i32
      %mul3A_440 = arith.constant 2048 : i32
      %mul3A_441 = arith.muli %mul3A_439, %mul3A_440 : i32
      %add3A_442 = arith.constant 4096 : i32
      %add3A_443 = arith.addi %mul3A_441, %add3A_442 : i32
      %add3A_444 = arith.constant 64 : i32
      %add3A_445 = arith.addi %add3A_444, %mul3A_4 : i32
      %add3A_446 = arith.constant 2 : i32
      %add3A_447 = arith.addi %add3A_445, %add3A_446 : i32
      %mul3A_448 = arith.constant 262144 : i32
      %mul3A_449 = arith.muli %add3A_447, %mul3A_448 : i32
      %add3A_450 = arith.addi %mul3A_449, %mul3A_6 : i32
      %mul3A_451 = arith.constant 2048 : i32
      %mul3A_452 = arith.muli %scan3A_373, %mul3A_451 : i32
      %add3A_453 = arith.addi %add3A_450, %mul3A_452 : i32
      %dma_start3A_454 = tpu.memref_slice %arg12[%add3A_443] : memref<16384xf32, #tpu.memory_space<vmem>> -> memref<2048xf32, #tpu.memory_space<vmem>>
      %dma_start3A_455 = tpu.memref_slice %arg5[%add3A_453] : memref<67108864xf32, #tpu.memory_space<hbm>> -> memref<2048xf32, #tpu.memory_space<hbm>>
      %dma_start3A_456 = tpu.memref_slice %arg15[%and3A_374] : memref<2x!tpu.dma_semaphore, #tpu.memory_space<semaphore_mem>> -> memref<1x!tpu.dma_semaphore, #tpu.memory_space<semaphore_mem>>
      %dma_start3A_457 = tpu.memref_squeeze %dma_start3A_456 : memref<1x!tpu.dma_semaphore, #tpu.memory_space<semaphore_mem>> -> memref<!tpu.dma_semaphore, #tpu.memory_space<semaphore_mem>>
      %dma_start3A_458 = tpu.memref_slice %arg5[%add3A_453] : memref<67108864xf32, #tpu.memory_space<hbm>> -> memref<2048xf32, #tpu.memory_space<hbm>>
      %dma_start3A_459 = tpu.memref_slice %arg12[%add3A_443] : memref<16384xf32, #tpu.memory_space<vmem>> -> memref<2048xf32, #tpu.memory_space<vmem>>
      tpu.enqueue_dma source(%dma_start3A_459 : memref<2048xf32, #tpu.memory_space<vmem>>) target(%dma_start3A_458 : memref<2048xf32, #tpu.memory_space<hbm>>) target_semaphore(%dma_start3A_457 : memref<!tpu.dma_semaphore, #tpu.memory_space<semaphore_mem>>)
      %mul3A_460 = arith.constant 4 : i32
      %mul3A_461 = arith.muli %and3A_374, %mul3A_460 : i32
      %mul3A_462 = arith.constant 2048 : i32
      %mul3A_463 = arith.muli %mul3A_461, %mul3A_462 : i32
      %add3A_464 = arith.constant 6144 : i32
      %add3A_465 = arith.addi %mul3A_463, %add3A_464 : i32
      %add3A_466 = arith.constant 64 : i32
      %add3A_467 = arith.addi %add3A_466, %mul3A_4 : i32
      %add3A_468 = arith.constant 3 : i32
      %add3A_469 = arith.addi %add3A_467, %add3A_468 : i32
      %mul3A_470 = arith.constant 262144 : i32
      %mul3A_471 = arith.muli %add3A_469, %mul3A_470 : i32
      %add3A_472 = arith.addi %mul3A_471, %mul3A_6 : i32
      %mul3A_473 = arith.constant 2048 : i32
      %mul3A_474 = arith.muli %scan3A_373, %mul3A_473 : i32
      %add3A_475 = arith.addi %add3A_472, %mul3A_474 : i32
      %dma_start3A_476 = tpu.memref_slice %arg12[%add3A_465] : memref<16384xf32, #tpu.memory_space<vmem>> -> memref<2048xf32, #tpu.memory_space<vmem>>
      %dma_start3A_477 = tpu.memref_slice %arg5[%add3A_475] : memref<67108864xf32, #tpu.memory_space<hbm>> -> memref<2048xf32, #tpu.memory_space<hbm>>
      %dma_start3A_478 = tpu.memref_slice %arg15[%and3A_374] : memref<2x!tpu.dma_semaphore, #tpu.memory_space<semaphore_mem>> -> memref<1x!tpu.dma_semaphore, #tpu.memory_space<semaphore_mem>>
      %dma_start3A_479 = tpu.memref_squeeze %dma_start3A_478 : memref<1x!tpu.dma_semaphore, #tpu.memory_space<semaphore_mem>> -> memref<!tpu.dma_semaphore, #tpu.memory_space<semaphore_mem>>
      %dma_start3A_480 = tpu.memref_slice %arg5[%add3A_475] : memref<67108864xf32, #tpu.memory_space<hbm>> -> memref<2048xf32, #tpu.memory_space<hbm>>
      %dma_start3A_481 = tpu.memref_slice %arg12[%add3A_465] : memref<16384xf32, #tpu.memory_space<vmem>> -> memref<2048xf32, #tpu.memory_space<vmem>>
      tpu.enqueue_dma source(%dma_start3A_481 : memref<2048xf32, #tpu.memory_space<vmem>>) target(%dma_start3A_480 : memref<2048xf32, #tpu.memory_space<hbm>>) target_semaphore(%dma_start3A_479 : memref<!tpu.dma_semaphore, #tpu.memory_space<semaphore_mem>>)
    }
    %scan3A_166 = arith.constant 64 : i32
    %dma_wait3A_167 = arith.constant 0 : i32
    %dma_wait3A_168 = arith.constant 0 : i32
    %dma_wait3A_169 = tpu.memref_slice %arg12[%dma_wait3A_168] : memref<16384xf32, #tpu.memory_space<vmem>> -> memref<8192xf32, #tpu.memory_space<vmem>>
    %dma_wait3A_170 = arith.constant 0 : i32
    %dma_wait3A_171 = tpu.memref_slice %arg5[%dma_wait3A_170] : memref<67108864xf32, #tpu.memory_space<hbm>> -> memref<8192xf32, #tpu.memory_space<hbm>>
    %dma_wait3A_172 = tpu.memref_slice %arg15[%dma_wait3A_167] : memref<2x!tpu.dma_semaphore, #tpu.memory_space<semaphore_mem>> -> memref<1x!tpu.dma_semaphore, #tpu.memory_space<semaphore_mem>>
    %dma_wait3A_173 = tpu.memref_squeeze %dma_wait3A_172 : memref<1x!tpu.dma_semaphore, #tpu.memory_space<semaphore_mem>> -> memref<!tpu.dma_semaphore, #tpu.memory_space<semaphore_mem>>
    %dma_wait3A_174 = arith.constant 0 : i32
    %dma_wait3A_175 = tpu.memref_slice %arg12[%dma_wait3A_174] : memref<16384xf32, #tpu.memory_space<vmem>> -> memref<8192xf32, #tpu.memory_space<vmem>>
    %dma_wait3A_176 = arith.constant 0 : i32
    %dma_wait3A_177 = tpu.memref_slice %arg5[%dma_wait3A_176] : memref<67108864xf32, #tpu.memory_space<hbm>> -> memref<8192xf32, #tpu.memory_space<hbm>>
    tpu.wait_dma2 semaphore(%dma_wait3A_173 : memref<!tpu.dma_semaphore, #tpu.memory_space<semaphore_mem>>) src(%dma_wait3A_177 : memref<8192xf32, #tpu.memory_space<hbm>>) dst(%dma_wait3A_175 : memref<8192xf32, #tpu.memory_space<vmem>>)
    %dma_wait3A_178 = arith.constant 1 : i32
    %dma_wait3A_179 = arith.constant 8192 : i32
    %dma_wait3A_180 = tpu.memref_slice %arg12[%dma_wait3A_179] : memref<16384xf32, #tpu.memory_space<vmem>> -> memref<8192xf32, #tpu.memory_space<vmem>>
    %dma_wait3A_181 = arith.constant 0 : i32
    %dma_wait3A_182 = tpu.memref_slice %arg5[%dma_wait3A_181] : memref<67108864xf32, #tpu.memory_space<hbm>> -> memref<8192xf32, #tpu.memory_space<hbm>>
    %dma_wait3A_183 = tpu.memref_slice %arg15[%dma_wait3A_178] : memref<2x!tpu.dma_semaphore, #tpu.memory_space<semaphore_mem>> -> memref<1x!tpu.dma_semaphore, #tpu.memory_space<semaphore_mem>>
    %dma_wait3A_184 = tpu.memref_squeeze %dma_wait3A_183 : memref<1x!tpu.dma_semaphore, #tpu.memory_space<semaphore_mem>> -> memref<!tpu.dma_semaphore, #tpu.memory_space<semaphore_mem>>
    %dma_wait3A_185 = arith.constant 8192 : i32
    %dma_wait3A_186 = tpu.memref_slice %arg12[%dma_wait3A_185] : memref<16384xf32, #tpu.memory_space<vmem>> -> memref<8192xf32, #tpu.memory_space<vmem>>
    %dma_wait3A_187 = arith.constant 0 : i32
    %dma_wait3A_188 = tpu.memref_slice %arg5[%dma_wait3A_187] : memref<67108864xf32, #tpu.memory_space<hbm>> -> memref<8192xf32, #tpu.memory_space<hbm>>
    tpu.wait_dma2 semaphore(%dma_wait3A_184 : memref<!tpu.dma_semaphore, #tpu.memory_space<semaphore_mem>>) src(%dma_wait3A_188 : memref<8192xf32, #tpu.memory_space<hbm>>) dst(%dma_wait3A_186 : memref<8192xf32, #tpu.memory_space<vmem>>)
    %dma_wait3A_189 = arith.constant 24000 : i32
    %dma_wait3A_190 = tpu.memref_slice %arg2[%dma_wait3A_189] : memref<48000xi32, #tpu.memory_space<hbm>> -> memref<12000xi32, #tpu.memory_space<hbm>>
    %dma_wait3A_191 = arith.constant 24000 : i32
    %dma_wait3A_192 = tpu.memref_slice %arg2[%dma_wait3A_191] : memref<48000xi32, #tpu.memory_space<hbm>> -> memref<12000xi32, #tpu.memory_space<hbm>>
    tpu.wait_dma2 semaphore(%arg17 : memref<!tpu.dma_semaphore, #tpu.memory_space<semaphore_mem>>) src(%dma_wait3A_192 : memref<12000xi32, #tpu.memory_space<hbm>>) dst(%arg6 : memref<12000xi32, #tpu.memory_space<vmem>>)
    %dma_wait3A_193 = arith.constant 24000 : i32
    %dma_wait3A_194 = tpu.memref_slice %arg3[%dma_wait3A_193] : memref<48000xi32, #tpu.memory_space<hbm>> -> memref<12000xi32, #tpu.memory_space<hbm>>
    %dma_wait3A_195 = arith.constant 24000 : i32
    %dma_wait3A_196 = tpu.memref_slice %arg3[%dma_wait3A_195] : memref<48000xi32, #tpu.memory_space<hbm>> -> memref<12000xi32, #tpu.memory_space<hbm>>
    tpu.wait_dma2 semaphore(%arg17 : memref<!tpu.dma_semaphore, #tpu.memory_space<semaphore_mem>>) src(%dma_wait3A_196 : memref<12000xi32, #tpu.memory_space<hbm>>) dst(%arg7 : memref<12000xi32, #tpu.memory_space<vmem>>)
    %add3A_197 = arith.constant 128 : i32
    %add3A_198 = arith.addi %add3A_197, %mul3A_4 : i32
    %mul3A_199 = arith.constant 12016 : i32
    %mul3A_200 = arith.muli %add3A_198, %mul3A_199 : i32
    %dma_start3A_201 = tpu.memref_slice %arg4[%mul3A_200] : memref<3076096xf32, #tpu.memory_space<hbm>> -> memref<48064xf32, #tpu.memory_space<hbm>>
    %dma_start3A_202 = tpu.memref_slice %arg4[%mul3A_200] : memref<3076096xf32, #tpu.memory_space<hbm>> -> memref<48064xf32, #tpu.memory_space<hbm>>
    tpu.enqueue_dma source(%dma_start3A_202 : memref<48064xf32, #tpu.memory_space<hbm>>) target(%arg10 : memref<48064xf32, #tpu.memory_space<vmem>>) target_semaphore(%arg16 : memref<!tpu.dma_semaphore, #tpu.memory_space<semaphore_mem>>)
    %parallel_loop3A_203 = arith.constant 0 : i32
    %parallel_loop3A_204 = arith.constant 512 : i32
    %parallel_loop3A_205 = arith.constant 1 : i32
    scf.for %parallel_loop3A_373 = %parallel_loop3A_203 to %parallel_loop3A_204 step %parallel_loop3A_205  : i32 {
      %parallel_loop3A_374 = arith.constant 16 : i32
      %parallel_loop3A_375 = arith.muli %parallel_loop3A_373, %parallel_loop3A_374 : i32
      %parallel_loop3A_376 = arith.index_cast %parallel_loop3A_375 : i32 to index
      %parallel_loop3A_377 = tpu.vector_load %arg8[%parallel_loop3A_376] {strides = array<i32>} : memref<8192xi32, #tpu.memory_space<vmem>>, vector<16xi32>,
      tpu.vector_store %arg8[%parallel_loop3A_376], %broadcast_in_dim3A_12 {strides = array<i32>} : memref<8192xi32, #tpu.memory_space<vmem>>, vector<16xi32>,
    } {sc.loop_unroll_factor = 1 : i64, sc.parallel_access}
    %scan3A_206 = arith.constant 0 : i32
    %scan3A_207 = arith.constant 0 : i32
    %scan3A_208 = arith.constant 750 : i32
    %scan3A_209 = arith.addi %scan3A_207, %scan3A_208 : i32
    %scan3A_210 = arith.constant 1 : i32
    %scan3A_211 = scf.for %scan3A_373 = %scan3A_207 to %scan3A_209 step %scan3A_210 iter_args(%scan3A_374 = %scan3A_206) -> (i32)  : i32 {
      %mul3A_375 = arith.constant 16 : i32
      %mul3A_376 = arith.muli %scan3A_373, %mul3A_375 : i32
      %get3A = arith.index_cast %mul3A_376 : i32 to index
      %get3A_377 = tpu.vector_load %arg6[%get3A] {strides = array<i32>} : memref<12000xi32, #tpu.memory_space<vmem>>, vector<16xi32>,
      %mul3A_378 = arith.constant 16 : i32
      %mul3A_379 = arith.muli %scan3A_373, %mul3A_378 : i32
      %get3A_380 = arith.index_cast %mul3A_379 : i32 to index
      %get3A_381 = tpu.vector_load %arg7[%get3A_380] {strides = array<i32>} : memref<12000xi32, #tpu.memory_space<vmem>>, vector<16xi32>,
      %ge3A = arith.constant 0 : i32
      %ge3A_382 = vector.broadcast %ge3A : i32 to vector<16xi32>
      %ge3A_383 = arith.cmpi sge, %get3A_381, %ge3A_382 : vector<16xi32>
      %lt3A = arith.constant 512 : i32
      %lt3A_384 = vector.broadcast %lt3A : i32 to vector<16xi32>
      %lt3A_385 = arith.cmpi slt, %get3A_381, %lt3A_384 : vector<16xi32>
      %and3A = arith.andi %ge3A_383, %lt3A_385 : vector<16xi1>
      %ge3A_386 = arith.constant 0 : i32
      %ge3A_387 = vector.broadcast %ge3A_386 : i32 to vector<16xi32>
      %ge3A_388 = arith.cmpi sge, %get3A_377, %ge3A_387 : vector<16xi32>
      %and3A_389 = arith.andi %and3A, %ge3A_388 : vector<16xi1>
      %lt3A_390 = arith.constant 512 : i32
      %lt3A_391 = vector.broadcast %lt3A_390 : i32 to vector<16xi32>
      %lt3A_392 = arith.cmpi slt, %get3A_377, %lt3A_391 : vector<16xi32>
      %and3A_393 = arith.andi %and3A_389, %lt3A_392 : vector<16xi1>
      %mul3A_394 = arith.constant 512 : i32
      %mul3A_395 = vector.broadcast %mul3A_394 : i32 to vector<16xi32>
      %mul3A_396 = arith.muli %get3A_377, %mul3A_395 : vector<16xi32>
      %add3A_397 = arith.addi %mul3A_396, %get3A_381 : vector<16xi32>
      %jit3A = arith.constant -1 : i32
      %broadcast_in_dim3A_398 = vector.broadcast %jit3A : i32 to vector<16xi32>
      %select_n3A = arith.select %and3A_393, %add3A_397, %broadcast_in_dim3A_398 : vector<16xi1>, vector<16xi32>
      %ge3A_399 = vector.broadcast %add3A : i32 to vector<16xi32>
      %ge3A_400 = arith.cmpi sge, %select_n3A, %ge3A_399 : vector<16xi32>
      %add3A_401 = arith.constant 8192 : i32
      %add3A_402 = arith.addi %add3A, %add3A_401 : i32
      %lt3A_403 = vector.broadcast %add3A_402 : i32 to vector<16xi32>
      %lt3A_404 = arith.cmpi slt, %select_n3A, %lt3A_403 : vector<16xi32>
      %and3A_405 = arith.andi %ge3A_400, %lt3A_404 : vector<16xi1>
      %mul3A_406 = arith.constant 16384 : i32
      %mul3A_407 = vector.broadcast %mul3A_406 : i32 to vector<16xi32>
      %mul3A_408 = arith.muli %select_n3A, %mul3A_407 : vector<16xi32>
      %mul3A_409 = arith.constant 16 : i32
      %mul3A_410 = arith.muli %scan3A_373, %mul3A_409 : i32
      %add3A_411 = vector.broadcast %mul3A_410 : i32 to vector<16xi32>
      %add3A_412 = arith.addi %iota3A, %add3A_411 : vector<16xi32>
      %add3A_413 = arith.addi %mul3A_408, %add3A_412 : vector<16xi32>
      %swap3A = arith.index_cast %scan3A_374 : i32 to index
      %swap3A_414 = tpu.vector_load %arg9[%swap3A] masked %and3A_405 {strides = array<i32>} : memref<12016xi32, #tpu.memory_space<vmem>>, vector<16xi32>, vector<16xi1>
      tpu.vector_store %arg9[%swap3A], %add3A_413 masked %and3A_405 {strides = array<i32>} : memref<12016xi32, #tpu.memory_space<vmem>>, vector<16xi32>, vector<16xi1>
      %convert_element_type3A = arith.extui %and3A_405 : vector<16xi1> to vector<16xi32>
      %reduce_sum3A = arith.constant true
      %reduce_sum3A_415 = vector.broadcast %reduce_sum3A : i1 to vector<16xi1>
      %reduce_sum3A_416 = tpu.scan <sum>, %convert_element_type3A masked %reduce_sum3A_415 : vector<16xi32>, vector<16xi1> -> vector<16xi32>
      %reduce_sum3A_417 = vector.extract %reduce_sum3A_416[15] : i32 from vector<16xi32>
      %add3A_418 = arith.addi %scan3A_374, %reduce_sum3A_417 : i32
      scf.yield %add3A_418 : i32
    }
    %scan3A_212 = arith.constant 750 : i32
    %add3A_213 = arith.constant 16 : i32
    %add3A_214 = arith.addi %scan3A_211, %add3A_213 : i32
    %sub3A_215 = arith.constant 1 : i32
    %sub3A_216 = arith.subi %add3A_214, %sub3A_215 : i32
    %shift_right_arithmetic3A_217 = arith.constant 4 : i32
    %shift_right_arithmetic3A_218 = arith.shrsi %sub3A_216, %shift_right_arithmetic3A_217 : i32
    %while3A_219 = arith.constant 0 : i32
    %while3A_220 = arith.constant 0 : i32
    %while3A_221 = arith.subi %shift_right_arithmetic3A_218, %while3A_220 : i32
    %while3A_222 = arith.addi %while3A_220, %while3A_221 : i32
    %while3A_223 = arith.constant 1 : i32
    %while3A_224 = arith.divsi %while3A_221, %while3A_223 : i32
    %while3A_225 = arith.muli %while3A_224, %while3A_223 : i32
    %while3A_226 = arith.addi %while3A_220, %while3A_225 : i32
    %while3A_227 = arith.constant 1 : i32
    scf.for %while3A_373 = %while3A_220 to %while3A_226 step %while3A_227  : i32 {
      %mul3A_374 = arith.constant 16 : i32
      %mul3A_375 = arith.muli %while3A_373, %mul3A_374 : i32
      %get3A = arith.index_cast %mul3A_375 : i32 to index
      %get3A_376 = tpu.vector_load %arg9[%get3A] {strides = array<i32>} : memref<12016xi32, #tpu.memory_space<vmem>>, vector<16xi32>,
      %mul3A_377 = arith.constant 16 : i32
      %mul3A_378 = arith.muli %while3A_373, %mul3A_377 : i32
      %add3A_379 = vector.broadcast %mul3A_378 : i32 to vector<16xi32>
      %add3A_380 = arith.addi %add3A_379, %iota3A : vector<16xi32>
      %lt3A = vector.broadcast %scan3A_211 : i32 to vector<16xi32>
      %lt3A_381 = arith.cmpi slt, %add3A_380, %lt3A : vector<16xi32>
      %masked_sort3A, %masked_sort3A_382, %masked_sort3A_383 = tpu.sort %get3A_376, %get3A_376 masked %lt3A_381 : (vector<16xi32>, vector<16xi32>, vector<16xi1>) -> (vector<16xi1>, vector<16xi32>, vector<16xi32>)
      %shift_right_logical3A = arith.constant 14 : i32
      %shift_right_logical3A_384 = vector.broadcast %shift_right_logical3A : i32 to vector<16xi32>
      %shift_right_logical3A_385 = arith.shrui %masked_sort3A_382, %shift_right_logical3A_384 : vector<16xi32>
      %jit3A = arith.constant -7 : i32
      %broadcast_in_dim3A_386 = vector.broadcast %jit3A : i32 to vector<16xi32>
      %select_n3A = arith.select %masked_sort3A, %shift_right_logical3A_385, %broadcast_in_dim3A_386 : vector<16xi1>, vector<16xi32>
      %lt3A_387 = arith.constant 0 : i32
      %lt3A_388 = vector.broadcast %lt3A_387 : i32 to vector<16xi32>
      %lt3A_389 = arith.cmpi slt, %min3A_11, %lt3A_388 : vector<16xi32>
      %add3A_390 = arith.constant 16 : i32
      %add3A_391 = vector.broadcast %add3A_390 : i32 to vector<16xi32>
      %add3A_392 = arith.addi %min3A_11, %add3A_391 : vector<16xi32>
      %select_n3A_393 = arith.select %lt3A_389, %add3A_392, %min3A_11 : vector<16xi1>, vector<16xi32>
      %broadcast_in_dim3A_394 = vector.shape_cast %select_n3A_393 : vector<16xi32> to vector<16x1xi32>
      %gather3A = vector.shape_cast %broadcast_in_dim3A_394 : vector<16x1xi32> to vector<16xi32>
      %gather3A_395 = tpu.dynamic_gather %select_n3A[%gather3A] in [0] : vector<16xi32>, vector<16xi32> -> vector<16xi32>
      %ne3A = arith.cmpi ne, %select_n3A, %gather3A_395 : vector<16xi32>
      %eq3A = arith.constant 15 : i32
      %eq3A_396 = vector.broadcast %eq3A : i32 to vector<16xi32>
      %eq3A_397 = arith.cmpi eq, %iota3A, %eq3A_396 : vector<16xi32>
      %or3A = arith.ori %ne3A, %eq3A_397 : vector<16xi1>
      %and3A = arith.constant 16383 : i32
      %and3A_398 = vector.broadcast %and3A : i32 to vector<16xi32>
      %and3A_399 = arith.andi %masked_sort3A_383, %and3A_398 : vector<16xi32>
      %sub3A_400 = vector.broadcast %add3A : i32 to vector<16xi32>
      %sub3A_401 = arith.subi %select_n3A, %sub3A_400 : vector<16xi32>
      %and3A_402 = arith.andi %or3A, %masked_sort3A : vector<16xi1>
      tpu.vector_store_idx %arg8[%sub3A_401], %and3A_399 masked %and3A_402 : memref<8192xi32, #tpu.memory_space<vmem>>[vector<16xi32>], vector<16xi32>, vector<16xi1>
    }
    %while3A_228 = arith.constant 1 : i32
    scf.for %while3A_373 = %while3A_226 to %while3A_222 step %while3A_228  : i32 {
      %mul3A_374 = arith.constant 16 : i32
      %mul3A_375 = arith.muli %while3A_373, %mul3A_374 : i32
      %get3A = arith.index_cast %mul3A_375 : i32 to index
      %get3A_376 = tpu.vector_load %arg9[%get3A] {strides = array<i32>} : memref<12016xi32, #tpu.memory_space<vmem>>, vector<16xi32>,
      %mul3A_377 = arith.constant 16 : i32
      %mul3A_378 = arith.muli %while3A_373, %mul3A_377 : i32
      %add3A_379 = vector.broadcast %mul3A_378 : i32 to vector<16xi32>
      %add3A_380 = arith.addi %add3A_379, %iota3A : vector<16xi32>
      %lt3A = vector.broadcast %scan3A_211 : i32 to vector<16xi32>
      %lt3A_381 = arith.cmpi slt, %add3A_380, %lt3A : vector<16xi32>
      %masked_sort3A, %masked_sort3A_382, %masked_sort3A_383 = tpu.sort %get3A_376, %get3A_376 masked %lt3A_381 : (vector<16xi32>, vector<16xi32>, vector<16xi1>) -> (vector<16xi1>, vector<16xi32>, vector<16xi32>)
      %shift_right_logical3A = arith.constant 14 : i32
      %shift_right_logical3A_384 = vector.broadcast %shift_right_logical3A : i32 to vector<16xi32>
      %shift_right_logical3A_385 = arith.shrui %masked_sort3A_382, %shift_right_logical3A_384 : vector<16xi32>
      %jit3A = arith.constant -7 : i32
      %broadcast_in_dim3A_386 = vector.broadcast %jit3A : i32 to vector<16xi32>
      %select_n3A = arith.select %masked_sort3A, %shift_right_logical3A_385, %broadcast_in_dim3A_386 : vector<16xi1>, vector<16xi32>
      %lt3A_387 = arith.constant 0 : i32
      %lt3A_388 = vector.broadcast %lt3A_387 : i32 to vector<16xi32>
      %lt3A_389 = arith.cmpi slt, %min3A_11, %lt3A_388 : vector<16xi32>
      %add3A_390 = arith.constant 16 : i32
      %add3A_391 = vector.broadcast %add3A_390 : i32 to vector<16xi32>
      %add3A_392 = arith.addi %min3A_11, %add3A_391 : vector<16xi32>
      %select_n3A_393 = arith.select %lt3A_389, %add3A_392, %min3A_11 : vector<16xi1>, vector<16xi32>
      %broadcast_in_dim3A_394 = vector.shape_cast %select_n3A_393 : vector<16xi32> to vector<16x1xi32>
      %gather3A = vector.shape_cast %broadcast_in_dim3A_394 : vector<16x1xi32> to vector<16xi32>
      %gather3A_395 = tpu.dynamic_gather %select_n3A[%gather3A] in [0] : vector<16xi32>, vector<16xi32> -> vector<16xi32>
      %ne3A = arith.cmpi ne, %select_n3A, %gather3A_395 : vector<16xi32>
      %eq3A = arith.constant 15 : i32
      %eq3A_396 = vector.broadcast %eq3A : i32 to vector<16xi32>
      %eq3A_397 = arith.cmpi eq, %iota3A, %eq3A_396 : vector<16xi32>
      %or3A = arith.ori %ne3A, %eq3A_397 : vector<16xi1>
      %and3A = arith.constant 16383 : i32
      %and3A_398 = vector.broadcast %and3A : i32 to vector<16xi32>
      %and3A_399 = arith.andi %masked_sort3A_383, %and3A_398 : vector<16xi32>
      %sub3A_400 = vector.broadcast %add3A : i32 to vector<16xi32>
      %sub3A_401 = arith.subi %select_n3A, %sub3A_400 : vector<16xi32>
      %and3A_402 = arith.andi %or3A, %masked_sort3A : vector<16xi1>
      tpu.vector_store_idx %arg8[%sub3A_401], %and3A_399 masked %and3A_402 : memref<8192xi32, #tpu.memory_space<vmem>>[vector<16xi32>], vector<16xi32>, vector<16xi1>
    }
    %mul3A_229 = arith.constant 8192 : i32
    %mul3A_230 = arith.muli %arg1, %mul3A_229 : i32
    %add3A_231 = arith.constant 0 : i32
    %add3A_232 = arith.addi %add3A_231, %mul3A_230 : i32
    "tpu.region"() ({
      %run_scoped3A = tpu.sem_alloc : memref<!tpu.dma_semaphore, #tpu.memory_space<semaphore_mem>>
      %dma_start3A_373 = tpu.memref_slice %arg13[%add3A_232] : memref<262144xi32, #tpu.memory_space<vmem_shared>> -> memref<8192xi32, #tpu.memory_space<vmem_shared>>
      %dma_start3A_374 = tpu.memref_slice %arg13[%add3A_232] : memref<262144xi32, #tpu.memory_space<vmem_shared>> -> memref<8192xi32, #tpu.memory_space<vmem_shared>>
      tpu.enqueue_dma source(%arg8 : memref<8192xi32, #tpu.memory_space<vmem>>) target(%dma_start3A_374 : memref<8192xi32, #tpu.memory_space<vmem_shared>>) target_semaphore(%run_scoped3A : memref<!tpu.dma_semaphore, #tpu.memory_space<semaphore_mem>>)
      %dma_wait3A_375 = tpu.memref_slice %arg13[%add3A_232] : memref<262144xi32, #tpu.memory_space<vmem_shared>> -> memref<8192xi32, #tpu.memory_space<vmem_shared>>
      %dma_wait3A_376 = tpu.memref_slice %arg13[%add3A_232] : memref<262144xi32, #tpu.memory_space<vmem_shared>> -> memref<8192xi32, #tpu.memory_space<vmem_shared>>
      tpu.wait_dma2 semaphore(%run_scoped3A : memref<!tpu.dma_semaphore, #tpu.memory_space<semaphore_mem>>) src(%arg8 : memref<8192xi32, #tpu.memory_space<vmem>>) dst(%dma_wait3A_376 : memref<8192xi32, #tpu.memory_space<vmem_shared>>)
      tpu.yield
    }) : () -> ()
    %barrier3A_233 = arith.constant 0 : index
    tpu.barrier barrier_id(%barrier3A_233)
    %dma_start3A_234 = arith.constant 36000 : i32
    %dma_start3A_235 = tpu.memref_slice %arg2[%dma_start3A_234] : memref<48000xi32, #tpu.memory_space<hbm>> -> memref<12000xi32, #tpu.memory_space<hbm>>
    %dma_start3A_236 = arith.constant 36000 : i32
    %dma_start3A_237 = tpu.memref_slice %arg2[%dma_start3A_236] : memref<48000xi32, #tpu.memory_space<hbm>> -> memref<12000xi32, #tpu.memory_space<hbm>>
    tpu.enqueue_dma source(%dma_start3A_237 : memref<12000xi32, #tpu.memory_space<hbm>>) target(%arg6 : memref<12000xi32, #tpu.memory_space<vmem>>) target_semaphore(%arg17 : memref<!tpu.dma_semaphore, #tpu.memory_space<semaphore_mem>>)
    %dma_start3A_238 = arith.constant 36000 : i32
    %dma_start3A_239 = tpu.memref_slice %arg3[%dma_start3A_238] : memref<48000xi32, #tpu.memory_space<hbm>> -> memref<12000xi32, #tpu.memory_space<hbm>>
    %dma_start3A_240 = arith.constant 36000 : i32
    %dma_start3A_241 = tpu.memref_slice %arg3[%dma_start3A_240] : memref<48000xi32, #tpu.memory_space<hbm>> -> memref<12000xi32, #tpu.memory_space<hbm>>
    tpu.enqueue_dma source(%dma_start3A_241 : memref<12000xi32, #tpu.memory_space<hbm>>) target(%arg7 : memref<12000xi32, #tpu.memory_space<vmem>>) target_semaphore(%arg17 : memref<!tpu.dma_semaphore, #tpu.memory_space<semaphore_mem>>)
    %dma_wait3A_242 = arith.constant 0 : i32
    %dma_wait3A_243 = tpu.memref_slice %arg4[%dma_wait3A_242] : memref<3076096xf32, #tpu.memory_space<hbm>> -> memref<48064xf32, #tpu.memory_space<hbm>>
    %dma_wait3A_244 = arith.constant 0 : i32
    %dma_wait3A_245 = tpu.memref_slice %arg4[%dma_wait3A_244] : memref<3076096xf32, #tpu.memory_space<hbm>> -> memref<48064xf32, #tpu.memory_space<hbm>>
    tpu.wait_dma2 semaphore(%arg16 : memref<!tpu.dma_semaphore, #tpu.memory_space<semaphore_mem>>) src(%dma_wait3A_245 : memref<48064xf32, #tpu.memory_space<hbm>>) dst(%arg10 : memref<48064xf32, #tpu.memory_space<vmem>>)
    %dma_start3A_246 = arith.constant 0 : i32
    %dma_start3A_247 = arith.constant 0 : i32
    %dma_start3A_248 = tpu.memref_slice %arg11[%dma_start3A_247] : memref<4096xi32, #tpu.memory_space<vmem>> -> memref<2048xi32, #tpu.memory_space<vmem>>
    %dma_start3A_249 = arith.constant 0 : i32
    %dma_start3A_250 = tpu.memref_slice %arg13[%dma_start3A_249] : memref<262144xi32, #tpu.memory_space<vmem_shared>> -> memref<2048xi32, #tpu.memory_space<vmem_shared>>
    %dma_start3A_251 = tpu.memref_slice %arg14[%dma_start3A_246] : memref<2x!tpu.dma_semaphore, #tpu.memory_space<semaphore_mem>> -> memref<1x!tpu.dma_semaphore, #tpu.memory_space<semaphore_mem>>
    %dma_start3A_252 = tpu.memref_squeeze %dma_start3A_251 : memref<1x!tpu.dma_semaphore, #tpu.memory_space<semaphore_mem>> -> memref<!tpu.dma_semaphore, #tpu.memory_space<semaphore_mem>>
    %dma_start3A_253 = arith.constant 0 : i32
    %dma_start3A_254 = tpu.memref_slice %arg11[%dma_start3A_253] : memref<4096xi32, #tpu.memory_space<vmem>> -> memref<2048xi32, #tpu.memory_space<vmem>>
    %dma_start3A_255 = arith.constant 0 : i32
    %dma_start3A_256 = tpu.memref_slice %arg13[%dma_start3A_255] : memref<262144xi32, #tpu.memory_space<vmem_shared>> -> memref<2048xi32, #tpu.memory_space<vmem_shared>>
    tpu.enqueue_dma source(%dma_start3A_256 : memref<2048xi32, #tpu.memory_space<vmem_shared>>) target(%dma_start3A_254 : memref<2048xi32, #tpu.memory_space<vmem>>) target_semaphore(%dma_start3A_252 : memref<!tpu.dma_semaphore, #tpu.memory_space<semaphore_mem>>)
    %scan3A_257 = arith.constant 0 : i32
    %scan3A_258 = arith.constant 0 : i32
    %scan3A_259 = arith.constant 64 : i32
    %scan3A_260 = arith.addi %scan3A_258, %scan3A_259 : i32
    %scan3A_261 = arith.constant 1 : i32
    scf.for %scan3A_373 = %scan3A_258 to %scan3A_260 step %scan3A_261  : i32 {
      %and3A = arith.constant 1 : i32
      %and3A_374 = arith.andi %scan3A_373, %and3A : i32
      %lt3A = arith.constant 63 : i32
      %lt3A_375 = arith.cmpi slt, %scan3A_373, %lt3A : i32
      %convert_element_type3A = arith.extui %lt3A_375 : i1 to i32
      %cond3A = arith.constant 0 : i32
      %cond3A_376 = arith.cmpi ne, %convert_element_type3A, %cond3A : i32
      scf.if %cond3A_376 {
        %add3A_482 = arith.constant 1 : i32
        %add3A_483 = arith.addi %scan3A_373, %add3A_482 : i32
        %and3A_484 = arith.constant 1 : i32
        %and3A_485 = arith.andi %add3A_483, %and3A_484 : i32
        %add3A_486 = arith.constant 1 : i32
        %add3A_487 = arith.addi %scan3A_373, %add3A_486 : i32
        %mul3A_488 = arith.constant 2048 : i32
        %mul3A_489 = arith.muli %add3A_487, %mul3A_488 : i32
        %add3A_490 = arith.constant 0 : i32
        %add3A_491 = arith.addi %add3A_490, %mul3A_489 : i32
        %mul3A_492 = arith.constant 2048 : i32
        %mul3A_493 = arith.muli %and3A_485, %mul3A_492 : i32
        %dma_start3A_494 = tpu.memref_slice %arg11[%mul3A_493] : memref<4096xi32, #tpu.memory_space<vmem>> -> memref<2048xi32, #tpu.memory_space<vmem>>
        %dma_start3A_495 = tpu.memref_slice %arg13[%add3A_491] : memref<262144xi32, #tpu.memory_space<vmem_shared>> -> memref<2048xi32, #tpu.memory_space<vmem_shared>>
        %dma_start3A_496 = tpu.memref_slice %arg14[%and3A_485] : memref<2x!tpu.dma_semaphore, #tpu.memory_space<semaphore_mem>> -> memref<1x!tpu.dma_semaphore, #tpu.memory_space<semaphore_mem>>
        %dma_start3A_497 = tpu.memref_squeeze %dma_start3A_496 : memref<1x!tpu.dma_semaphore, #tpu.memory_space<semaphore_mem>> -> memref<!tpu.dma_semaphore, #tpu.memory_space<semaphore_mem>>
        %dma_start3A_498 = tpu.memref_slice %arg11[%mul3A_493] : memref<4096xi32, #tpu.memory_space<vmem>> -> memref<2048xi32, #tpu.memory_space<vmem>>
        %dma_start3A_499 = tpu.memref_slice %arg13[%add3A_491] : memref<262144xi32, #tpu.memory_space<vmem_shared>> -> memref<2048xi32, #tpu.memory_space<vmem_shared>>
        tpu.enqueue_dma source(%dma_start3A_499 : memref<2048xi32, #tpu.memory_space<vmem_shared>>) target(%dma_start3A_498 : memref<2048xi32, #tpu.memory_space<vmem>>) target_semaphore(%dma_start3A_497 : memref<!tpu.dma_semaphore, #tpu.memory_space<semaphore_mem>>)
      } else {
      }
      %mul3A_377 = arith.constant 2048 : i32
      %mul3A_378 = arith.muli %and3A_374, %mul3A_377 : i32
      %dma_wait3A_379 = tpu.memref_slice %arg11[%mul3A_378] : memref<4096xi32, #tpu.memory_space<vmem>> -> memref<2048xi32, #tpu.memory_space<vmem>>
      %dma_wait3A_380 = arith.constant 0 : i32
      %dma_wait3A_381 = tpu.memref_slice %arg13[%dma_wait3A_380] : memref<262144xi32, #tpu.memory_space<vmem_shared>> -> memref<2048xi32, #tpu.memory_space<vmem_shared>>
      %dma_wait3A_382 = tpu.memref_slice %arg14[%and3A_374] : memref<2x!tpu.dma_semaphore, #tpu.memory_space<semaphore_mem>> -> memref<1x!tpu.dma_semaphore, #tpu.memory_space<semaphore_mem>>
      %dma_wait3A_383 = tpu.memref_squeeze %dma_wait3A_382 : memref<1x!tpu.dma_semaphore, #tpu.memory_space<semaphore_mem>> -> memref<!tpu.dma_semaphore, #tpu.memory_space<semaphore_mem>>
      %dma_wait3A_384 = tpu.memref_slice %arg11[%mul3A_378] : memref<4096xi32, #tpu.memory_space<vmem>> -> memref<2048xi32, #tpu.memory_space<vmem>>
      %dma_wait3A_385 = arith.constant 0 : i32
      %dma_wait3A_386 = tpu.memref_slice %arg13[%dma_wait3A_385] : memref<262144xi32, #tpu.memory_space<vmem_shared>> -> memref<2048xi32, #tpu.memory_space<vmem_shared>>
      tpu.wait_dma2 semaphore(%dma_wait3A_383 : memref<!tpu.dma_semaphore, #tpu.memory_space<semaphore_mem>>) src(%dma_wait3A_386 : memref<2048xi32, #tpu.memory_space<vmem_shared>>) dst(%dma_wait3A_384 : memref<2048xi32, #tpu.memory_space<vmem>>)
      %ge3A = arith.constant 2 : i32
      %ge3A_387 = arith.cmpi sge, %scan3A_373, %ge3A : i32
      %convert_element_type3A_388 = arith.extui %ge3A_387 : i1 to i32
      %cond3A_389 = arith.constant 0 : i32
      %cond3A_390 = arith.cmpi ne, %convert_element_type3A_388, %cond3A_389 : i32
      scf.if %cond3A_390 {
        %mul3A_482 = arith.constant 4 : i32
        %mul3A_483 = arith.muli %and3A_374, %mul3A_482 : i32
        %mul3A_484 = arith.constant 2048 : i32
        %mul3A_485 = arith.muli %mul3A_483, %mul3A_484 : i32
        %dma_wait3A_486 = tpu.memref_slice %arg12[%mul3A_485] : memref<16384xf32, #tpu.memory_space<vmem>> -> memref<8192xf32, #tpu.memory_space<vmem>>
        %dma_wait3A_487 = arith.constant 0 : i32
        %dma_wait3A_488 = tpu.memref_slice %arg5[%dma_wait3A_487] : memref<67108864xf32, #tpu.memory_space<hbm>> -> memref<8192xf32, #tpu.memory_space<hbm>>
        %dma_wait3A_489 = tpu.memref_slice %arg15[%and3A_374] : memref<2x!tpu.dma_semaphore, #tpu.memory_space<semaphore_mem>> -> memref<1x!tpu.dma_semaphore, #tpu.memory_space<semaphore_mem>>
        %dma_wait3A_490 = tpu.memref_squeeze %dma_wait3A_489 : memref<1x!tpu.dma_semaphore, #tpu.memory_space<semaphore_mem>> -> memref<!tpu.dma_semaphore, #tpu.memory_space<semaphore_mem>>
        %dma_wait3A_491 = tpu.memref_slice %arg12[%mul3A_485] : memref<16384xf32, #tpu.memory_space<vmem>> -> memref<8192xf32, #tpu.memory_space<vmem>>
        %dma_wait3A_492 = arith.constant 0 : i32
        %dma_wait3A_493 = tpu.memref_slice %arg5[%dma_wait3A_492] : memref<67108864xf32, #tpu.memory_space<hbm>> -> memref<8192xf32, #tpu.memory_space<hbm>>
        tpu.wait_dma2 semaphore(%dma_wait3A_490 : memref<!tpu.dma_semaphore, #tpu.memory_space<semaphore_mem>>) src(%dma_wait3A_493 : memref<8192xf32, #tpu.memory_space<hbm>>) dst(%dma_wait3A_491 : memref<8192xf32, #tpu.memory_space<vmem>>)
      } else {
      }
      %parallel_loop3A_391 = arith.constant 0 : i32
      %parallel_loop3A_392 = arith.constant 128 : i32
      %parallel_loop3A_393 = arith.constant 1 : i32
      scf.for %parallel_loop3A_482 = %parallel_loop3A_391 to %parallel_loop3A_392 step %parallel_loop3A_393  : i32 {
        %parallel_loop3A_483 = arith.constant 2048 : i32
        %parallel_loop3A_484 = arith.muli %and3A_374, %parallel_loop3A_483 : i32
        %parallel_loop3A_485 = arith.constant 16 : i32
        %parallel_loop3A_486 = arith.muli %parallel_loop3A_482, %parallel_loop3A_485 : i32
        %parallel_loop3A_487 = arith.addi %parallel_loop3A_484, %parallel_loop3A_486 : i32
        %parallel_loop3A_488 = arith.index_cast %parallel_loop3A_487 : i32 to index
        %parallel_loop3A_489 = tpu.vector_load %arg11[%parallel_loop3A_488] {strides = array<i32>} : memref<4096xi32, #tpu.memory_space<vmem>>, vector<16xi32>,
        %parallel_loop3A_490 = arith.constant 0 : i32
        %parallel_loop3A_491 = vector.broadcast %parallel_loop3A_490 : i32 to vector<16xi32>
        %parallel_loop3A_492 = arith.addi %parallel_loop3A_489, %parallel_loop3A_491 : vector<16xi32>
        %parallel_loop3A_493 = tpu.vector_load_idx %arg10[%parallel_loop3A_492] : memref<48064xf32, #tpu.memory_space<vmem>>[vector<16xi32>], vector<16xf32>,
        %parallel_loop3A_494 = arith.constant 4 : i32
        %parallel_loop3A_495 = arith.muli %and3A_374, %parallel_loop3A_494 : i32
        %parallel_loop3A_496 = arith.constant 2048 : i32
        %parallel_loop3A_497 = arith.muli %parallel_loop3A_495, %parallel_loop3A_496 : i32
        %parallel_loop3A_498 = arith.constant 0 : i32
        %parallel_loop3A_499 = arith.addi %parallel_loop3A_497, %parallel_loop3A_498 : i32
        %parallel_loop3A_500 = arith.constant 16 : i32
        %parallel_loop3A_501 = arith.muli %parallel_loop3A_482, %parallel_loop3A_500 : i32
        %parallel_loop3A_502 = arith.addi %parallel_loop3A_499, %parallel_loop3A_501 : i32
        %parallel_loop3A_503 = arith.index_cast %parallel_loop3A_502 : i32 to index
        %parallel_loop3A_504 = tpu.vector_load %arg12[%parallel_loop3A_503] {strides = array<i32>} : memref<16384xf32, #tpu.memory_space<vmem>>, vector<16xf32>,
        tpu.vector_store %arg12[%parallel_loop3A_503], %parallel_loop3A_493 {strides = array<i32>} : memref<16384xf32, #tpu.memory_space<vmem>>, vector<16xf32>,
        %parallel_loop3A_505 = arith.constant 12016 : i32
        %parallel_loop3A_506 = vector.broadcast %parallel_loop3A_505 : i32 to vector<16xi32>
        %parallel_loop3A_507 = arith.addi %parallel_loop3A_489, %parallel_loop3A_506 : vector<16xi32>
        %parallel_loop3A_508 = tpu.vector_load_idx %arg10[%parallel_loop3A_507] : memref<48064xf32, #tpu.memory_space<vmem>>[vector<16xi32>], vector<16xf32>,
        %parallel_loop3A_509 = arith.constant 4 : i32
        %parallel_loop3A_510 = arith.muli %and3A_374, %parallel_loop3A_509 : i32
        %parallel_loop3A_511 = arith.constant 2048 : i32
        %parallel_loop3A_512 = arith.muli %parallel_loop3A_510, %parallel_loop3A_511 : i32
        %parallel_loop3A_513 = arith.constant 2048 : i32
        %parallel_loop3A_514 = arith.addi %parallel_loop3A_512, %parallel_loop3A_513 : i32
        %parallel_loop3A_515 = arith.constant 16 : i32
        %parallel_loop3A_516 = arith.muli %parallel_loop3A_482, %parallel_loop3A_515 : i32
        %parallel_loop3A_517 = arith.addi %parallel_loop3A_514, %parallel_loop3A_516 : i32
        %parallel_loop3A_518 = arith.index_cast %parallel_loop3A_517 : i32 to index
        %parallel_loop3A_519 = tpu.vector_load %arg12[%parallel_loop3A_518] {strides = array<i32>} : memref<16384xf32, #tpu.memory_space<vmem>>, vector<16xf32>,
        tpu.vector_store %arg12[%parallel_loop3A_518], %parallel_loop3A_508 {strides = array<i32>} : memref<16384xf32, #tpu.memory_space<vmem>>, vector<16xf32>,
        %parallel_loop3A_520 = arith.constant 24032 : i32
        %parallel_loop3A_521 = vector.broadcast %parallel_loop3A_520 : i32 to vector<16xi32>
        %parallel_loop3A_522 = arith.addi %parallel_loop3A_489, %parallel_loop3A_521 : vector<16xi32>
        %parallel_loop3A_523 = tpu.vector_load_idx %arg10[%parallel_loop3A_522] : memref<48064xf32, #tpu.memory_space<vmem>>[vector<16xi32>], vector<16xf32>,
        %parallel_loop3A_524 = arith.constant 4 : i32
        %parallel_loop3A_525 = arith.muli %and3A_374, %parallel_loop3A_524 : i32
        %parallel_loop3A_526 = arith.constant 2048 : i32
        %parallel_loop3A_527 = arith.muli %parallel_loop3A_525, %parallel_loop3A_526 : i32
        %parallel_loop3A_528 = arith.constant 4096 : i32
        %parallel_loop3A_529 = arith.addi %parallel_loop3A_527, %parallel_loop3A_528 : i32
        %parallel_loop3A_530 = arith.constant 16 : i32
        %parallel_loop3A_531 = arith.muli %parallel_loop3A_482, %parallel_loop3A_530 : i32
        %parallel_loop3A_532 = arith.addi %parallel_loop3A_529, %parallel_loop3A_531 : i32
        %parallel_loop3A_533 = arith.index_cast %parallel_loop3A_532 : i32 to index
        %parallel_loop3A_534 = tpu.vector_load %arg12[%parallel_loop3A_533] {strides = array<i32>} : memref<16384xf32, #tpu.memory_space<vmem>>, vector<16xf32>,
        tpu.vector_store %arg12[%parallel_loop3A_533], %parallel_loop3A_523 {strides = array<i32>} : memref<16384xf32, #tpu.memory_space<vmem>>, vector<16xf32>,
        %parallel_loop3A_535 = arith.constant 36048 : i32
        %parallel_loop3A_536 = vector.broadcast %parallel_loop3A_535 : i32 to vector<16xi32>
        %parallel_loop3A_537 = arith.addi %parallel_loop3A_489, %parallel_loop3A_536 : vector<16xi32>
        %parallel_loop3A_538 = tpu.vector_load_idx %arg10[%parallel_loop3A_537] : memref<48064xf32, #tpu.memory_space<vmem>>[vector<16xi32>], vector<16xf32>,
        %parallel_loop3A_539 = arith.constant 4 : i32
        %parallel_loop3A_540 = arith.muli %and3A_374, %parallel_loop3A_539 : i32
        %parallel_loop3A_541 = arith.constant 2048 : i32
        %parallel_loop3A_542 = arith.muli %parallel_loop3A_540, %parallel_loop3A_541 : i32
        %parallel_loop3A_543 = arith.constant 6144 : i32
        %parallel_loop3A_544 = arith.addi %parallel_loop3A_542, %parallel_loop3A_543 : i32
        %parallel_loop3A_545 = arith.constant 16 : i32
        %parallel_loop3A_546 = arith.muli %parallel_loop3A_482, %parallel_loop3A_545 : i32
        %parallel_loop3A_547 = arith.addi %parallel_loop3A_544, %parallel_loop3A_546 : i32
        %parallel_loop3A_548 = arith.index_cast %parallel_loop3A_547 : i32 to index
        %parallel_loop3A_549 = tpu.vector_load %arg12[%parallel_loop3A_548] {strides = array<i32>} : memref<16384xf32, #tpu.memory_space<vmem>>, vector<16xf32>,
        tpu.vector_store %arg12[%parallel_loop3A_548], %parallel_loop3A_538 {strides = array<i32>} : memref<16384xf32, #tpu.memory_space<vmem>>, vector<16xf32>,
      } {sc.loop_unroll_factor = 4 : i64, sc.parallel_access}
      %mul3A_394 = arith.constant 4 : i32
      %mul3A_395 = arith.muli %and3A_374, %mul3A_394 : i32
      %mul3A_396 = arith.constant 2048 : i32
      %mul3A_397 = arith.muli %mul3A_395, %mul3A_396 : i32
      %add3A_398 = arith.constant 0 : i32
      %add3A_399 = arith.addi %mul3A_397, %add3A_398 : i32
      %add3A_400 = arith.constant 128 : i32
      %add3A_401 = arith.addi %add3A_400, %mul3A_4 : i32
      %add3A_402 = arith.constant 0 : i32
      %add3A_403 = arith.addi %add3A_401, %add3A_402 : i32
      %mul3A_404 = arith.constant 262144 : i32
      %mul3A_405 = arith.muli %add3A_403, %mul3A_404 : i32
      %add3A_406 = arith.addi %mul3A_405, %mul3A_6 : i32
      %mul3A_407 = arith.constant 2048 : i32
      %mul3A_408 = arith.muli %scan3A_373, %mul3A_407 : i32
      %add3A_409 = arith.addi %add3A_406, %mul3A_408 : i32
      %dma_start3A_410 = tpu.memref_slice %arg12[%add3A_399] : memref<16384xf32, #tpu.memory_space<vmem>> -> memref<2048xf32, #tpu.memory_space<vmem>>
      %dma_start3A_411 = tpu.memref_slice %arg5[%add3A_409] : memref<67108864xf32, #tpu.memory_space<hbm>> -> memref<2048xf32, #tpu.memory_space<hbm>>
      %dma_start3A_412 = tpu.memref_slice %arg15[%and3A_374] : memref<2x!tpu.dma_semaphore, #tpu.memory_space<semaphore_mem>> -> memref<1x!tpu.dma_semaphore, #tpu.memory_space<semaphore_mem>>
      %dma_start3A_413 = tpu.memref_squeeze %dma_start3A_412 : memref<1x!tpu.dma_semaphore, #tpu.memory_space<semaphore_mem>> -> memref<!tpu.dma_semaphore, #tpu.memory_space<semaphore_mem>>
      %dma_start3A_414 = tpu.memref_slice %arg5[%add3A_409] : memref<67108864xf32, #tpu.memory_space<hbm>> -> memref<2048xf32, #tpu.memory_space<hbm>>
      %dma_start3A_415 = tpu.memref_slice %arg12[%add3A_399] : memref<16384xf32, #tpu.memory_space<vmem>> -> memref<2048xf32, #tpu.memory_space<vmem>>
      tpu.enqueue_dma source(%dma_start3A_415 : memref<2048xf32, #tpu.memory_space<vmem>>) target(%dma_start3A_414 : memref<2048xf32, #tpu.memory_space<hbm>>) target_semaphore(%dma_start3A_413 : memref<!tpu.dma_semaphore, #tpu.memory_space<semaphore_mem>>)
      %mul3A_416 = arith.constant 4 : i32
      %mul3A_417 = arith.muli %and3A_374, %mul3A_416 : i32
      %mul3A_418 = arith.constant 2048 : i32
      %mul3A_419 = arith.muli %mul3A_417, %mul3A_418 : i32
      %add3A_420 = arith.constant 2048 : i32
      %add3A_421 = arith.addi %mul3A_419, %add3A_420 : i32
      %add3A_422 = arith.constant 128 : i32
      %add3A_423 = arith.addi %add3A_422, %mul3A_4 : i32
      %add3A_424 = arith.constant 1 : i32
      %add3A_425 = arith.addi %add3A_423, %add3A_424 : i32
      %mul3A_426 = arith.constant 262144 : i32
      %mul3A_427 = arith.muli %add3A_425, %mul3A_426 : i32
      %add3A_428 = arith.addi %mul3A_427, %mul3A_6 : i32
      %mul3A_429 = arith.constant 2048 : i32
      %mul3A_430 = arith.muli %scan3A_373, %mul3A_429 : i32
      %add3A_431 = arith.addi %add3A_428, %mul3A_430 : i32
      %dma_start3A_432 = tpu.memref_slice %arg12[%add3A_421] : memref<16384xf32, #tpu.memory_space<vmem>> -> memref<2048xf32, #tpu.memory_space<vmem>>
      %dma_start3A_433 = tpu.memref_slice %arg5[%add3A_431] : memref<67108864xf32, #tpu.memory_space<hbm>> -> memref<2048xf32, #tpu.memory_space<hbm>>
      %dma_start3A_434 = tpu.memref_slice %arg15[%and3A_374] : memref<2x!tpu.dma_semaphore, #tpu.memory_space<semaphore_mem>> -> memref<1x!tpu.dma_semaphore, #tpu.memory_space<semaphore_mem>>
      %dma_start3A_435 = tpu.memref_squeeze %dma_start3A_434 : memref<1x!tpu.dma_semaphore, #tpu.memory_space<semaphore_mem>> -> memref<!tpu.dma_semaphore, #tpu.memory_space<semaphore_mem>>
      %dma_start3A_436 = tpu.memref_slice %arg5[%add3A_431] : memref<67108864xf32, #tpu.memory_space<hbm>> -> memref<2048xf32, #tpu.memory_space<hbm>>
      %dma_start3A_437 = tpu.memref_slice %arg12[%add3A_421] : memref<16384xf32, #tpu.memory_space<vmem>> -> memref<2048xf32, #tpu.memory_space<vmem>>
      tpu.enqueue_dma source(%dma_start3A_437 : memref<2048xf32, #tpu.memory_space<vmem>>) target(%dma_start3A_436 : memref<2048xf32, #tpu.memory_space<hbm>>) target_semaphore(%dma_start3A_435 : memref<!tpu.dma_semaphore, #tpu.memory_space<semaphore_mem>>)
      %mul3A_438 = arith.constant 4 : i32
      %mul3A_439 = arith.muli %and3A_374, %mul3A_438 : i32
      %mul3A_440 = arith.constant 2048 : i32
      %mul3A_441 = arith.muli %mul3A_439, %mul3A_440 : i32
      %add3A_442 = arith.constant 4096 : i32
      %add3A_443 = arith.addi %mul3A_441, %add3A_442 : i32
      %add3A_444 = arith.constant 128 : i32
      %add3A_445 = arith.addi %add3A_444, %mul3A_4 : i32
      %add3A_446 = arith.constant 2 : i32
      %add3A_447 = arith.addi %add3A_445, %add3A_446 : i32
      %mul3A_448 = arith.constant 262144 : i32
      %mul3A_449 = arith.muli %add3A_447, %mul3A_448 : i32
      %add3A_450 = arith.addi %mul3A_449, %mul3A_6 : i32
      %mul3A_451 = arith.constant 2048 : i32
      %mul3A_452 = arith.muli %scan3A_373, %mul3A_451 : i32
      %add3A_453 = arith.addi %add3A_450, %mul3A_452 : i32
      %dma_start3A_454 = tpu.memref_slice %arg12[%add3A_443] : memref<16384xf32, #tpu.memory_space<vmem>> -> memref<2048xf32, #tpu.memory_space<vmem>>
      %dma_start3A_455 = tpu.memref_slice %arg5[%add3A_453] : memref<67108864xf32, #tpu.memory_space<hbm>> -> memref<2048xf32, #tpu.memory_space<hbm>>
      %dma_start3A_456 = tpu.memref_slice %arg15[%and3A_374] : memref<2x!tpu.dma_semaphore, #tpu.memory_space<semaphore_mem>> -> memref<1x!tpu.dma_semaphore, #tpu.memory_space<semaphore_mem>>
      %dma_start3A_457 = tpu.memref_squeeze %dma_start3A_456 : memref<1x!tpu.dma_semaphore, #tpu.memory_space<semaphore_mem>> -> memref<!tpu.dma_semaphore, #tpu.memory_space<semaphore_mem>>
      %dma_start3A_458 = tpu.memref_slice %arg5[%add3A_453] : memref<67108864xf32, #tpu.memory_space<hbm>> -> memref<2048xf32, #tpu.memory_space<hbm>>
      %dma_start3A_459 = tpu.memref_slice %arg12[%add3A_443] : memref<16384xf32, #tpu.memory_space<vmem>> -> memref<2048xf32, #tpu.memory_space<vmem>>
      tpu.enqueue_dma source(%dma_start3A_459 : memref<2048xf32, #tpu.memory_space<vmem>>) target(%dma_start3A_458 : memref<2048xf32, #tpu.memory_space<hbm>>) target_semaphore(%dma_start3A_457 : memref<!tpu.dma_semaphore, #tpu.memory_space<semaphore_mem>>)
      %mul3A_460 = arith.constant 4 : i32
      %mul3A_461 = arith.muli %and3A_374, %mul3A_460 : i32
      %mul3A_462 = arith.constant 2048 : i32
      %mul3A_463 = arith.muli %mul3A_461, %mul3A_462 : i32
      %add3A_464 = arith.constant 6144 : i32
      %add3A_465 = arith.addi %mul3A_463, %add3A_464 : i32
      %add3A_466 = arith.constant 128 : i32
      %add3A_467 = arith.addi %add3A_466, %mul3A_4 : i32
      %add3A_468 = arith.constant 3 : i32
      %add3A_469 = arith.addi %add3A_467, %add3A_468 : i32
      %mul3A_470 = arith.constant 262144 : i32
      %mul3A_471 = arith.muli %add3A_469, %mul3A_470 : i32
      %add3A_472 = arith.addi %mul3A_471, %mul3A_6 : i32
      %mul3A_473 = arith.constant 2048 : i32
      %mul3A_474 = arith.muli %scan3A_373, %mul3A_473 : i32
      %add3A_475 = arith.addi %add3A_472, %mul3A_474 : i32
      %dma_start3A_476 = tpu.memref_slice %arg12[%add3A_465] : memref<16384xf32, #tpu.memory_space<vmem>> -> memref<2048xf32, #tpu.memory_space<vmem>>
      %dma_start3A_477 = tpu.memref_slice %arg5[%add3A_475] : memref<67108864xf32, #tpu.memory_space<hbm>> -> memref<2048xf32, #tpu.memory_space<hbm>>
      %dma_start3A_478 = tpu.memref_slice %arg15[%and3A_374] : memref<2x!tpu.dma_semaphore, #tpu.memory_space<semaphore_mem>> -> memref<1x!tpu.dma_semaphore, #tpu.memory_space<semaphore_mem>>
      %dma_start3A_479 = tpu.memref_squeeze %dma_start3A_478 : memref<1x!tpu.dma_semaphore, #tpu.memory_space<semaphore_mem>> -> memref<!tpu.dma_semaphore, #tpu.memory_space<semaphore_mem>>
      %dma_start3A_480 = tpu.memref_slice %arg5[%add3A_475] : memref<67108864xf32, #tpu.memory_space<hbm>> -> memref<2048xf32, #tpu.memory_space<hbm>>
      %dma_start3A_481 = tpu.memref_slice %arg12[%add3A_465] : memref<16384xf32, #tpu.memory_space<vmem>> -> memref<2048xf32, #tpu.memory_space<vmem>>
      tpu.enqueue_dma source(%dma_start3A_481 : memref<2048xf32, #tpu.memory_space<vmem>>) target(%dma_start3A_480 : memref<2048xf32, #tpu.memory_space<hbm>>) target_semaphore(%dma_start3A_479 : memref<!tpu.dma_semaphore, #tpu.memory_space<semaphore_mem>>)
    }
    %scan3A_262 = arith.constant 64 : i32
    %dma_wait3A_263 = arith.constant 0 : i32
    %dma_wait3A_264 = arith.constant 0 : i32
    %dma_wait3A_265 = tpu.memref_slice %arg12[%dma_wait3A_264] : memref<16384xf32, #tpu.memory_space<vmem>> -> memref<8192xf32, #tpu.memory_space<vmem>>
    %dma_wait3A_266 = arith.constant 0 : i32
    %dma_wait3A_267 = tpu.memref_slice %arg5[%dma_wait3A_266] : memref<67108864xf32, #tpu.memory_space<hbm>> -> memref<8192xf32, #tpu.memory_space<hbm>>
    %dma_wait3A_268 = tpu.memref_slice %arg15[%dma_wait3A_263] : memref<2x!tpu.dma_semaphore, #tpu.memory_space<semaphore_mem>> -> memref<1x!tpu.dma_semaphore, #tpu.memory_space<semaphore_mem>>
    %dma_wait3A_269 = tpu.memref_squeeze %dma_wait3A_268 : memref<1x!tpu.dma_semaphore, #tpu.memory_space<semaphore_mem>> -> memref<!tpu.dma_semaphore, #tpu.memory_space<semaphore_mem>>
    %dma_wait3A_270 = arith.constant 0 : i32
    %dma_wait3A_271 = tpu.memref_slice %arg12[%dma_wait3A_270] : memref<16384xf32, #tpu.memory_space<vmem>> -> memref<8192xf32, #tpu.memory_space<vmem>>
    %dma_wait3A_272 = arith.constant 0 : i32
    %dma_wait3A_273 = tpu.memref_slice %arg5[%dma_wait3A_272] : memref<67108864xf32, #tpu.memory_space<hbm>> -> memref<8192xf32, #tpu.memory_space<hbm>>
    tpu.wait_dma2 semaphore(%dma_wait3A_269 : memref<!tpu.dma_semaphore, #tpu.memory_space<semaphore_mem>>) src(%dma_wait3A_273 : memref<8192xf32, #tpu.memory_space<hbm>>) dst(%dma_wait3A_271 : memref<8192xf32, #tpu.memory_space<vmem>>)
    %dma_wait3A_274 = arith.constant 1 : i32
    %dma_wait3A_275 = arith.constant 8192 : i32
    %dma_wait3A_276 = tpu.memref_slice %arg12[%dma_wait3A_275] : memref<16384xf32, #tpu.memory_space<vmem>> -> memref<8192xf32, #tpu.memory_space<vmem>>
    %dma_wait3A_277 = arith.constant 0 : i32
    %dma_wait3A_278 = tpu.memref_slice %arg5[%dma_wait3A_277] : memref<67108864xf32, #tpu.memory_space<hbm>> -> memref<8192xf32, #tpu.memory_space<hbm>>
    %dma_wait3A_279 = tpu.memref_slice %arg15[%dma_wait3A_274] : memref<2x!tpu.dma_semaphore, #tpu.memory_space<semaphore_mem>> -> memref<1x!tpu.dma_semaphore, #tpu.memory_space<semaphore_mem>>
    %dma_wait3A_280 = tpu.memref_squeeze %dma_wait3A_279 : memref<1x!tpu.dma_semaphore, #tpu.memory_space<semaphore_mem>> -> memref<!tpu.dma_semaphore, #tpu.memory_space<semaphore_mem>>
    %dma_wait3A_281 = arith.constant 8192 : i32
    %dma_wait3A_282 = tpu.memref_slice %arg12[%dma_wait3A_281] : memref<16384xf32, #tpu.memory_space<vmem>> -> memref<8192xf32, #tpu.memory_space<vmem>>
    %dma_wait3A_283 = arith.constant 0 : i32
    %dma_wait3A_284 = tpu.memref_slice %arg5[%dma_wait3A_283] : memref<67108864xf32, #tpu.memory_space<hbm>> -> memref<8192xf32, #tpu.memory_space<hbm>>
    tpu.wait_dma2 semaphore(%dma_wait3A_280 : memref<!tpu.dma_semaphore, #tpu.memory_space<semaphore_mem>>) src(%dma_wait3A_284 : memref<8192xf32, #tpu.memory_space<hbm>>) dst(%dma_wait3A_282 : memref<8192xf32, #tpu.memory_space<vmem>>)
    %dma_wait3A_285 = arith.constant 36000 : i32
    %dma_wait3A_286 = tpu.memref_slice %arg2[%dma_wait3A_285] : memref<48000xi32, #tpu.memory_space<hbm>> -> memref<12000xi32, #tpu.memory_space<hbm>>
    %dma_wait3A_287 = arith.constant 36000 : i32
    %dma_wait3A_288 = tpu.memref_slice %arg2[%dma_wait3A_287] : memref<48000xi32, #tpu.memory_space<hbm>> -> memref<12000xi32, #tpu.memory_space<hbm>>
    tpu.wait_dma2 semaphore(%arg17 : memref<!tpu.dma_semaphore, #tpu.memory_space<semaphore_mem>>) src(%dma_wait3A_288 : memref<12000xi32, #tpu.memory_space<hbm>>) dst(%arg6 : memref<12000xi32, #tpu.memory_space<vmem>>)
    %dma_wait3A_289 = arith.constant 36000 : i32
    %dma_wait3A_290 = tpu.memref_slice %arg3[%dma_wait3A_289] : memref<48000xi32, #tpu.memory_space<hbm>> -> memref<12000xi32, #tpu.memory_space<hbm>>
    %dma_wait3A_291 = arith.constant 36000 : i32
    %dma_wait3A_292 = tpu.memref_slice %arg3[%dma_wait3A_291] : memref<48000xi32, #tpu.memory_space<hbm>> -> memref<12000xi32, #tpu.memory_space<hbm>>
    tpu.wait_dma2 semaphore(%arg17 : memref<!tpu.dma_semaphore, #tpu.memory_space<semaphore_mem>>) src(%dma_wait3A_292 : memref<12000xi32, #tpu.memory_space<hbm>>) dst(%arg7 : memref<12000xi32, #tpu.memory_space<vmem>>)
    %add3A_293 = arith.constant 192 : i32
    %add3A_294 = arith.addi %add3A_293, %mul3A_4 : i32
    %mul3A_295 = arith.constant 12016 : i32
    %mul3A_296 = arith.muli %add3A_294, %mul3A_295 : i32
    %dma_start3A_297 = tpu.memref_slice %arg4[%mul3A_296] : memref<3076096xf32, #tpu.memory_space<hbm>> -> memref<48064xf32, #tpu.memory_space<hbm>>
    %dma_start3A_298 = tpu.memref_slice %arg4[%mul3A_296] : memref<3076096xf32, #tpu.memory_space<hbm>> -> memref<48064xf32, #tpu.memory_space<hbm>>
    tpu.enqueue_dma source(%dma_start3A_298 : memref<48064xf32, #tpu.memory_space<hbm>>) target(%arg10 : memref<48064xf32, #tpu.memory_space<vmem>>) target_semaphore(%arg16 : memref<!tpu.dma_semaphore, #tpu.memory_space<semaphore_mem>>)
    %parallel_loop3A_299 = arith.constant 0 : i32
    %parallel_loop3A_300 = arith.constant 512 : i32
    %parallel_loop3A_301 = arith.constant 1 : i32
    scf.for %parallel_loop3A_373 = %parallel_loop3A_299 to %parallel_loop3A_300 step %parallel_loop3A_301  : i32 {
      %parallel_loop3A_374 = arith.constant 16 : i32
      %parallel_loop3A_375 = arith.muli %parallel_loop3A_373, %parallel_loop3A_374 : i32
      %parallel_loop3A_376 = arith.index_cast %parallel_loop3A_375 : i32 to index
      %parallel_loop3A_377 = tpu.vector_load %arg8[%parallel_loop3A_376] {strides = array<i32>} : memref<8192xi32, #tpu.memory_space<vmem>>, vector<16xi32>,
      tpu.vector_store %arg8[%parallel_loop3A_376], %broadcast_in_dim3A_12 {strides = array<i32>} : memref<8192xi32, #tpu.memory_space<vmem>>, vector<16xi32>,
    } {sc.loop_unroll_factor = 1 : i64, sc.parallel_access}
    %scan3A_302 = arith.constant 0 : i32
    %scan3A_303 = arith.constant 0 : i32
    %scan3A_304 = arith.constant 750 : i32
    %scan3A_305 = arith.addi %scan3A_303, %scan3A_304 : i32
    %scan3A_306 = arith.constant 1 : i32
    %scan3A_307 = scf.for %scan3A_373 = %scan3A_303 to %scan3A_305 step %scan3A_306 iter_args(%scan3A_374 = %scan3A_302) -> (i32)  : i32 {
      %mul3A_375 = arith.constant 16 : i32
      %mul3A_376 = arith.muli %scan3A_373, %mul3A_375 : i32
      %get3A = arith.index_cast %mul3A_376 : i32 to index
      %get3A_377 = tpu.vector_load %arg6[%get3A] {strides = array<i32>} : memref<12000xi32, #tpu.memory_space<vmem>>, vector<16xi32>,
      %mul3A_378 = arith.constant 16 : i32
      %mul3A_379 = arith.muli %scan3A_373, %mul3A_378 : i32
      %get3A_380 = arith.index_cast %mul3A_379 : i32 to index
      %get3A_381 = tpu.vector_load %arg7[%get3A_380] {strides = array<i32>} : memref<12000xi32, #tpu.memory_space<vmem>>, vector<16xi32>,
      %ge3A = arith.constant 0 : i32
      %ge3A_382 = vector.broadcast %ge3A : i32 to vector<16xi32>
      %ge3A_383 = arith.cmpi sge, %get3A_381, %ge3A_382 : vector<16xi32>
      %lt3A = arith.constant 512 : i32
      %lt3A_384 = vector.broadcast %lt3A : i32 to vector<16xi32>
      %lt3A_385 = arith.cmpi slt, %get3A_381, %lt3A_384 : vector<16xi32>
      %and3A = arith.andi %ge3A_383, %lt3A_385 : vector<16xi1>
      %ge3A_386 = arith.constant 0 : i32
      %ge3A_387 = vector.broadcast %ge3A_386 : i32 to vector<16xi32>
      %ge3A_388 = arith.cmpi sge, %get3A_377, %ge3A_387 : vector<16xi32>
      %and3A_389 = arith.andi %and3A, %ge3A_388 : vector<16xi1>
      %lt3A_390 = arith.constant 512 : i32
      %lt3A_391 = vector.broadcast %lt3A_390 : i32 to vector<16xi32>
      %lt3A_392 = arith.cmpi slt, %get3A_377, %lt3A_391 : vector<16xi32>
      %and3A_393 = arith.andi %and3A_389, %lt3A_392 : vector<16xi1>
      %mul3A_394 = arith.constant 512 : i32
      %mul3A_395 = vector.broadcast %mul3A_394 : i32 to vector<16xi32>
      %mul3A_396 = arith.muli %get3A_377, %mul3A_395 : vector<16xi32>
      %add3A_397 = arith.addi %mul3A_396, %get3A_381 : vector<16xi32>
      %jit3A = arith.constant -1 : i32
      %broadcast_in_dim3A_398 = vector.broadcast %jit3A : i32 to vector<16xi32>
      %select_n3A = arith.select %and3A_393, %add3A_397, %broadcast_in_dim3A_398 : vector<16xi1>, vector<16xi32>
      %ge3A_399 = vector.broadcast %add3A : i32 to vector<16xi32>
      %ge3A_400 = arith.cmpi sge, %select_n3A, %ge3A_399 : vector<16xi32>
      %add3A_401 = arith.constant 8192 : i32
      %add3A_402 = arith.addi %add3A, %add3A_401 : i32
      %lt3A_403 = vector.broadcast %add3A_402 : i32 to vector<16xi32>
      %lt3A_404 = arith.cmpi slt, %select_n3A, %lt3A_403 : vector<16xi32>
      %and3A_405 = arith.andi %ge3A_400, %lt3A_404 : vector<16xi1>
      %mul3A_406 = arith.constant 16384 : i32
      %mul3A_407 = vector.broadcast %mul3A_406 : i32 to vector<16xi32>
      %mul3A_408 = arith.muli %select_n3A, %mul3A_407 : vector<16xi32>
      %mul3A_409 = arith.constant 16 : i32
      %mul3A_410 = arith.muli %scan3A_373, %mul3A_409 : i32
      %add3A_411 = vector.broadcast %mul3A_410 : i32 to vector<16xi32>
      %add3A_412 = arith.addi %iota3A, %add3A_411 : vector<16xi32>
      %add3A_413 = arith.addi %mul3A_408, %add3A_412 : vector<16xi32>
      %swap3A = arith.index_cast %scan3A_374 : i32 to index
      %swap3A_414 = tpu.vector_load %arg9[%swap3A] masked %and3A_405 {strides = array<i32>} : memref<12016xi32, #tpu.memory_space<vmem>>, vector<16xi32>, vector<16xi1>
      tpu.vector_store %arg9[%swap3A], %add3A_413 masked %and3A_405 {strides = array<i32>} : memref<12016xi32, #tpu.memory_space<vmem>>, vector<16xi32>, vector<16xi1>
      %convert_element_type3A = arith.extui %and3A_405 : vector<16xi1> to vector<16xi32>
      %reduce_sum3A = arith.constant true
      %reduce_sum3A_415 = vector.broadcast %reduce_sum3A : i1 to vector<16xi1>
      %reduce_sum3A_416 = tpu.scan <sum>, %convert_element_type3A masked %reduce_sum3A_415 : vector<16xi32>, vector<16xi1> -> vector<16xi32>
      %reduce_sum3A_417 = vector.extract %reduce_sum3A_416[15] : i32 from vector<16xi32>
      %add3A_418 = arith.addi %scan3A_374, %reduce_sum3A_417 : i32
      scf.yield %add3A_418 : i32
    }
    %scan3A_308 = arith.constant 750 : i32
    %add3A_309 = arith.constant 16 : i32
    %add3A_310 = arith.addi %scan3A_307, %add3A_309 : i32
    %sub3A_311 = arith.constant 1 : i32
    %sub3A_312 = arith.subi %add3A_310, %sub3A_311 : i32
    %shift_right_arithmetic3A_313 = arith.constant 4 : i32
    %shift_right_arithmetic3A_314 = arith.shrsi %sub3A_312, %shift_right_arithmetic3A_313 : i32
    %while3A_315 = arith.constant 0 : i32
    %while3A_316 = arith.constant 0 : i32
    %while3A_317 = arith.subi %shift_right_arithmetic3A_314, %while3A_316 : i32
    %while3A_318 = arith.addi %while3A_316, %while3A_317 : i32
    %while3A_319 = arith.constant 1 : i32
    %while3A_320 = arith.divsi %while3A_317, %while3A_319 : i32
    %while3A_321 = arith.muli %while3A_320, %while3A_319 : i32
    %while3A_322 = arith.addi %while3A_316, %while3A_321 : i32
    %while3A_323 = arith.constant 1 : i32
    scf.for %while3A_373 = %while3A_316 to %while3A_322 step %while3A_323  : i32 {
      %mul3A_374 = arith.constant 16 : i32
      %mul3A_375 = arith.muli %while3A_373, %mul3A_374 : i32
      %get3A = arith.index_cast %mul3A_375 : i32 to index
      %get3A_376 = tpu.vector_load %arg9[%get3A] {strides = array<i32>} : memref<12016xi32, #tpu.memory_space<vmem>>, vector<16xi32>,
      %mul3A_377 = arith.constant 16 : i32
      %mul3A_378 = arith.muli %while3A_373, %mul3A_377 : i32
      %add3A_379 = vector.broadcast %mul3A_378 : i32 to vector<16xi32>
      %add3A_380 = arith.addi %add3A_379, %iota3A : vector<16xi32>
      %lt3A = vector.broadcast %scan3A_307 : i32 to vector<16xi32>
      %lt3A_381 = arith.cmpi slt, %add3A_380, %lt3A : vector<16xi32>
      %masked_sort3A, %masked_sort3A_382, %masked_sort3A_383 = tpu.sort %get3A_376, %get3A_376 masked %lt3A_381 : (vector<16xi32>, vector<16xi32>, vector<16xi1>) -> (vector<16xi1>, vector<16xi32>, vector<16xi32>)
      %shift_right_logical3A = arith.constant 14 : i32
      %shift_right_logical3A_384 = vector.broadcast %shift_right_logical3A : i32 to vector<16xi32>
      %shift_right_logical3A_385 = arith.shrui %masked_sort3A_382, %shift_right_logical3A_384 : vector<16xi32>
      %jit3A = arith.constant -7 : i32
      %broadcast_in_dim3A_386 = vector.broadcast %jit3A : i32 to vector<16xi32>
      %select_n3A = arith.select %masked_sort3A, %shift_right_logical3A_385, %broadcast_in_dim3A_386 : vector<16xi1>, vector<16xi32>
      %lt3A_387 = arith.constant 0 : i32
      %lt3A_388 = vector.broadcast %lt3A_387 : i32 to vector<16xi32>
      %lt3A_389 = arith.cmpi slt, %min3A_11, %lt3A_388 : vector<16xi32>
      %add3A_390 = arith.constant 16 : i32
      %add3A_391 = vector.broadcast %add3A_390 : i32 to vector<16xi32>
      %add3A_392 = arith.addi %min3A_11, %add3A_391 : vector<16xi32>
      %select_n3A_393 = arith.select %lt3A_389, %add3A_392, %min3A_11 : vector<16xi1>, vector<16xi32>
      %broadcast_in_dim3A_394 = vector.shape_cast %select_n3A_393 : vector<16xi32> to vector<16x1xi32>
      %gather3A = vector.shape_cast %broadcast_in_dim3A_394 : vector<16x1xi32> to vector<16xi32>
      %gather3A_395 = tpu.dynamic_gather %select_n3A[%gather3A] in [0] : vector<16xi32>, vector<16xi32> -> vector<16xi32>
      %ne3A = arith.cmpi ne, %select_n3A, %gather3A_395 : vector<16xi32>
      %eq3A = arith.constant 15 : i32
      %eq3A_396 = vector.broadcast %eq3A : i32 to vector<16xi32>
      %eq3A_397 = arith.cmpi eq, %iota3A, %eq3A_396 : vector<16xi32>
      %or3A = arith.ori %ne3A, %eq3A_397 : vector<16xi1>
      %and3A = arith.constant 16383 : i32
      %and3A_398 = vector.broadcast %and3A : i32 to vector<16xi32>
      %and3A_399 = arith.andi %masked_sort3A_383, %and3A_398 : vector<16xi32>
      %sub3A_400 = vector.broadcast %add3A : i32 to vector<16xi32>
      %sub3A_401 = arith.subi %select_n3A, %sub3A_400 : vector<16xi32>
      %and3A_402 = arith.andi %or3A, %masked_sort3A : vector<16xi1>
      tpu.vector_store_idx %arg8[%sub3A_401], %and3A_399 masked %and3A_402 : memref<8192xi32, #tpu.memory_space<vmem>>[vector<16xi32>], vector<16xi32>, vector<16xi1>
    }
    %while3A_324 = arith.constant 1 : i32
    scf.for %while3A_373 = %while3A_322 to %while3A_318 step %while3A_324  : i32 {
      %mul3A_374 = arith.constant 16 : i32
      %mul3A_375 = arith.muli %while3A_373, %mul3A_374 : i32
      %get3A = arith.index_cast %mul3A_375 : i32 to index
      %get3A_376 = tpu.vector_load %arg9[%get3A] {strides = array<i32>} : memref<12016xi32, #tpu.memory_space<vmem>>, vector<16xi32>,
      %mul3A_377 = arith.constant 16 : i32
      %mul3A_378 = arith.muli %while3A_373, %mul3A_377 : i32
      %add3A_379 = vector.broadcast %mul3A_378 : i32 to vector<16xi32>
      %add3A_380 = arith.addi %add3A_379, %iota3A : vector<16xi32>
      %lt3A = vector.broadcast %scan3A_307 : i32 to vector<16xi32>
      %lt3A_381 = arith.cmpi slt, %add3A_380, %lt3A : vector<16xi32>
      %masked_sort3A, %masked_sort3A_382, %masked_sort3A_383 = tpu.sort %get3A_376, %get3A_376 masked %lt3A_381 : (vector<16xi32>, vector<16xi32>, vector<16xi1>) -> (vector<16xi1>, vector<16xi32>, vector<16xi32>)
      %shift_right_logical3A = arith.constant 14 : i32
      %shift_right_logical3A_384 = vector.broadcast %shift_right_logical3A : i32 to vector<16xi32>
      %shift_right_logical3A_385 = arith.shrui %masked_sort3A_382, %shift_right_logical3A_384 : vector<16xi32>
      %jit3A = arith.constant -7 : i32
      %broadcast_in_dim3A_386 = vector.broadcast %jit3A : i32 to vector<16xi32>
      %select_n3A = arith.select %masked_sort3A, %shift_right_logical3A_385, %broadcast_in_dim3A_386 : vector<16xi1>, vector<16xi32>
      %lt3A_387 = arith.constant 0 : i32
      %lt3A_388 = vector.broadcast %lt3A_387 : i32 to vector<16xi32>
      %lt3A_389 = arith.cmpi slt, %min3A_11, %lt3A_388 : vector<16xi32>
      %add3A_390 = arith.constant 16 : i32
      %add3A_391 = vector.broadcast %add3A_390 : i32 to vector<16xi32>
      %add3A_392 = arith.addi %min3A_11, %add3A_391 : vector<16xi32>
      %select_n3A_393 = arith.select %lt3A_389, %add3A_392, %min3A_11 : vector<16xi1>, vector<16xi32>
      %broadcast_in_dim3A_394 = vector.shape_cast %select_n3A_393 : vector<16xi32> to vector<16x1xi32>
      %gather3A = vector.shape_cast %broadcast_in_dim3A_394 : vector<16x1xi32> to vector<16xi32>
      %gather3A_395 = tpu.dynamic_gather %select_n3A[%gather3A] in [0] : vector<16xi32>, vector<16xi32> -> vector<16xi32>
      %ne3A = arith.cmpi ne, %select_n3A, %gather3A_395 : vector<16xi32>
      %eq3A = arith.constant 15 : i32
      %eq3A_396 = vector.broadcast %eq3A : i32 to vector<16xi32>
      %eq3A_397 = arith.cmpi eq, %iota3A, %eq3A_396 : vector<16xi32>
      %or3A = arith.ori %ne3A, %eq3A_397 : vector<16xi1>
      %and3A = arith.constant 16383 : i32
      %and3A_398 = vector.broadcast %and3A : i32 to vector<16xi32>
      %and3A_399 = arith.andi %masked_sort3A_383, %and3A_398 : vector<16xi32>
      %sub3A_400 = vector.broadcast %add3A : i32 to vector<16xi32>
      %sub3A_401 = arith.subi %select_n3A, %sub3A_400 : vector<16xi32>
      %and3A_402 = arith.andi %or3A, %masked_sort3A : vector<16xi1>
      tpu.vector_store_idx %arg8[%sub3A_401], %and3A_399 masked %and3A_402 : memref<8192xi32, #tpu.memory_space<vmem>>[vector<16xi32>], vector<16xi32>, vector<16xi1>
    }
    %mul3A_325 = arith.constant 8192 : i32
    %mul3A_326 = arith.muli %arg1, %mul3A_325 : i32
    %add3A_327 = arith.constant 131072 : i32
    %add3A_328 = arith.addi %add3A_327, %mul3A_326 : i32
    "tpu.region"() ({
      %run_scoped3A = tpu.sem_alloc : memref<!tpu.dma_semaphore, #tpu.memory_space<semaphore_mem>>
      %dma_start3A_373 = tpu.memref_slice %arg13[%add3A_328] : memref<262144xi32, #tpu.memory_space<vmem_shared>> -> memref<8192xi32, #tpu.memory_space<vmem_shared>>
      %dma_start3A_374 = tpu.memref_slice %arg13[%add3A_328] : memref<262144xi32, #tpu.memory_space<vmem_shared>> -> memref<8192xi32, #tpu.memory_space<vmem_shared>>
      tpu.enqueue_dma source(%arg8 : memref<8192xi32, #tpu.memory_space<vmem>>) target(%dma_start3A_374 : memref<8192xi32, #tpu.memory_space<vmem_shared>>) target_semaphore(%run_scoped3A : memref<!tpu.dma_semaphore, #tpu.memory_space<semaphore_mem>>)
      %dma_wait3A_375 = tpu.memref_slice %arg13[%add3A_328] : memref<262144xi32, #tpu.memory_space<vmem_shared>> -> memref<8192xi32, #tpu.memory_space<vmem_shared>>
      %dma_wait3A_376 = tpu.memref_slice %arg13[%add3A_328] : memref<262144xi32, #tpu.memory_space<vmem_shared>> -> memref<8192xi32, #tpu.memory_space<vmem_shared>>
      tpu.wait_dma2 semaphore(%run_scoped3A : memref<!tpu.dma_semaphore, #tpu.memory_space<semaphore_mem>>) src(%arg8 : memref<8192xi32, #tpu.memory_space<vmem>>) dst(%dma_wait3A_376 : memref<8192xi32, #tpu.memory_space<vmem_shared>>)
      tpu.yield
    }) : () -> ()
    %barrier3A_329 = arith.constant 0 : index
    tpu.barrier barrier_id(%barrier3A_329)
    %dma_wait3A_330 = arith.constant 0 : i32
    %dma_wait3A_331 = tpu.memref_slice %arg4[%dma_wait3A_330] : memref<3076096xf32, #tpu.memory_space<hbm>> -> memref<48064xf32, #tpu.memory_space<hbm>>
    %dma_wait3A_332 = arith.constant 0 : i32
    %dma_wait3A_333 = tpu.memref_slice %arg4[%dma_wait3A_332] : memref<3076096xf32, #tpu.memory_space<hbm>> -> memref<48064xf32, #tpu.memory_space<hbm>>
    tpu.wait_dma2 semaphore(%arg16 : memref<!tpu.dma_semaphore, #tpu.memory_space<semaphore_mem>>) src(%dma_wait3A_333 : memref<48064xf32, #tpu.memory_space<hbm>>) dst(%arg10 : memref<48064xf32, #tpu.memory_space<vmem>>)
    %dma_start3A_334 = arith.constant 0 : i32
    %dma_start3A_335 = arith.constant 0 : i32
    %dma_start3A_336 = tpu.memref_slice %arg11[%dma_start3A_335] : memref<4096xi32, #tpu.memory_space<vmem>> -> memref<2048xi32, #tpu.memory_space<vmem>>
    %dma_start3A_337 = arith.constant 131072 : i32
    %dma_start3A_338 = tpu.memref_slice %arg13[%dma_start3A_337] : memref<262144xi32, #tpu.memory_space<vmem_shared>> -> memref<2048xi32, #tpu.memory_space<vmem_shared>>
    %dma_start3A_339 = tpu.memref_slice %arg14[%dma_start3A_334] : memref<2x!tpu.dma_semaphore, #tpu.memory_space<semaphore_mem>> -> memref<1x!tpu.dma_semaphore, #tpu.memory_space<semaphore_mem>>
    %dma_start3A_340 = tpu.memref_squeeze %dma_start3A_339 : memref<1x!tpu.dma_semaphore, #tpu.memory_space<semaphore_mem>> -> memref<!tpu.dma_semaphore, #tpu.memory_space<semaphore_mem>>
    %dma_start3A_341 = arith.constant 0 : i32
    %dma_start3A_342 = tpu.memref_slice %arg11[%dma_start3A_341] : memref<4096xi32, #tpu.memory_space<vmem>> -> memref<2048xi32, #tpu.memory_space<vmem>>
    %dma_start3A_343 = arith.constant 131072 : i32
    %dma_start3A_344 = tpu.memref_slice %arg13[%dma_start3A_343] : memref<262144xi32, #tpu.memory_space<vmem_shared>> -> memref<2048xi32, #tpu.memory_space<vmem_shared>>
    tpu.enqueue_dma source(%dma_start3A_344 : memref<2048xi32, #tpu.memory_space<vmem_shared>>) target(%dma_start3A_342 : memref<2048xi32, #tpu.memory_space<vmem>>) target_semaphore(%dma_start3A_340 : memref<!tpu.dma_semaphore, #tpu.memory_space<semaphore_mem>>)
    %scan3A_345 = arith.constant 0 : i32
    %scan3A_346 = arith.constant 0 : i32
    %scan3A_347 = arith.constant 64 : i32
    %scan3A_348 = arith.addi %scan3A_346, %scan3A_347 : i32
    %scan3A_349 = arith.constant 1 : i32
    scf.for %scan3A_373 = %scan3A_346 to %scan3A_348 step %scan3A_349  : i32 {
      %and3A = arith.constant 1 : i32
      %and3A_374 = arith.andi %scan3A_373, %and3A : i32
      %lt3A = arith.constant 63 : i32
      %lt3A_375 = arith.cmpi slt, %scan3A_373, %lt3A : i32
      %convert_element_type3A = arith.extui %lt3A_375 : i1 to i32
      %cond3A = arith.constant 0 : i32
      %cond3A_376 = arith.cmpi ne, %convert_element_type3A, %cond3A : i32
      scf.if %cond3A_376 {
        %add3A_482 = arith.constant 1 : i32
        %add3A_483 = arith.addi %scan3A_373, %add3A_482 : i32
        %and3A_484 = arith.constant 1 : i32
        %and3A_485 = arith.andi %add3A_483, %and3A_484 : i32
        %add3A_486 = arith.constant 1 : i32
        %add3A_487 = arith.addi %scan3A_373, %add3A_486 : i32
        %mul3A_488 = arith.constant 2048 : i32
        %mul3A_489 = arith.muli %add3A_487, %mul3A_488 : i32
        %add3A_490 = arith.constant 131072 : i32
        %add3A_491 = arith.addi %add3A_490, %mul3A_489 : i32
        %mul3A_492 = arith.constant 2048 : i32
        %mul3A_493 = arith.muli %and3A_485, %mul3A_492 : i32
        %dma_start3A_494 = tpu.memref_slice %arg11[%mul3A_493] : memref<4096xi32, #tpu.memory_space<vmem>> -> memref<2048xi32, #tpu.memory_space<vmem>>
        %dma_start3A_495 = tpu.memref_slice %arg13[%add3A_491] : memref<262144xi32, #tpu.memory_space<vmem_shared>> -> memref<2048xi32, #tpu.memory_space<vmem_shared>>
        %dma_start3A_496 = tpu.memref_slice %arg14[%and3A_485] : memref<2x!tpu.dma_semaphore, #tpu.memory_space<semaphore_mem>> -> memref<1x!tpu.dma_semaphore, #tpu.memory_space<semaphore_mem>>
        %dma_start3A_497 = tpu.memref_squeeze %dma_start3A_496 : memref<1x!tpu.dma_semaphore, #tpu.memory_space<semaphore_mem>> -> memref<!tpu.dma_semaphore, #tpu.memory_space<semaphore_mem>>
        %dma_start3A_498 = tpu.memref_slice %arg11[%mul3A_493] : memref<4096xi32, #tpu.memory_space<vmem>> -> memref<2048xi32, #tpu.memory_space<vmem>>
        %dma_start3A_499 = tpu.memref_slice %arg13[%add3A_491] : memref<262144xi32, #tpu.memory_space<vmem_shared>> -> memref<2048xi32, #tpu.memory_space<vmem_shared>>
        tpu.enqueue_dma source(%dma_start3A_499 : memref<2048xi32, #tpu.memory_space<vmem_shared>>) target(%dma_start3A_498 : memref<2048xi32, #tpu.memory_space<vmem>>) target_semaphore(%dma_start3A_497 : memref<!tpu.dma_semaphore, #tpu.memory_space<semaphore_mem>>)
      } else {
      }
      %mul3A_377 = arith.constant 2048 : i32
      %mul3A_378 = arith.muli %and3A_374, %mul3A_377 : i32
      %dma_wait3A_379 = tpu.memref_slice %arg11[%mul3A_378] : memref<4096xi32, #tpu.memory_space<vmem>> -> memref<2048xi32, #tpu.memory_space<vmem>>
      %dma_wait3A_380 = arith.constant 131072 : i32
      %dma_wait3A_381 = tpu.memref_slice %arg13[%dma_wait3A_380] : memref<262144xi32, #tpu.memory_space<vmem_shared>> -> memref<2048xi32, #tpu.memory_space<vmem_shared>>
      %dma_wait3A_382 = tpu.memref_slice %arg14[%and3A_374] : memref<2x!tpu.dma_semaphore, #tpu.memory_space<semaphore_mem>> -> memref<1x!tpu.dma_semaphore, #tpu.memory_space<semaphore_mem>>
      %dma_wait3A_383 = tpu.memref_squeeze %dma_wait3A_382 : memref<1x!tpu.dma_semaphore, #tpu.memory_space<semaphore_mem>> -> memref<!tpu.dma_semaphore, #tpu.memory_space<semaphore_mem>>
      %dma_wait3A_384 = tpu.memref_slice %arg11[%mul3A_378] : memref<4096xi32, #tpu.memory_space<vmem>> -> memref<2048xi32, #tpu.memory_space<vmem>>
      %dma_wait3A_385 = arith.constant 131072 : i32
      %dma_wait3A_386 = tpu.memref_slice %arg13[%dma_wait3A_385] : memref<262144xi32, #tpu.memory_space<vmem_shared>> -> memref<2048xi32, #tpu.memory_space<vmem_shared>>
      tpu.wait_dma2 semaphore(%dma_wait3A_383 : memref<!tpu.dma_semaphore, #tpu.memory_space<semaphore_mem>>) src(%dma_wait3A_386 : memref<2048xi32, #tpu.memory_space<vmem_shared>>) dst(%dma_wait3A_384 : memref<2048xi32, #tpu.memory_space<vmem>>)
      %ge3A = arith.constant 2 : i32
      %ge3A_387 = arith.cmpi sge, %scan3A_373, %ge3A : i32
      %convert_element_type3A_388 = arith.extui %ge3A_387 : i1 to i32
      %cond3A_389 = arith.constant 0 : i32
      %cond3A_390 = arith.cmpi ne, %convert_element_type3A_388, %cond3A_389 : i32
      scf.if %cond3A_390 {
        %mul3A_482 = arith.constant 4 : i32
        %mul3A_483 = arith.muli %and3A_374, %mul3A_482 : i32
        %mul3A_484 = arith.constant 2048 : i32
        %mul3A_485 = arith.muli %mul3A_483, %mul3A_484 : i32
        %dma_wait3A_486 = tpu.memref_slice %arg12[%mul3A_485] : memref<16384xf32, #tpu.memory_space<vmem>> -> memref<8192xf32, #tpu.memory_space<vmem>>
        %dma_wait3A_487 = arith.constant 0 : i32
        %dma_wait3A_488 = tpu.memref_slice %arg5[%dma_wait3A_487] : memref<67108864xf32, #tpu.memory_space<hbm>> -> memref<8192xf32, #tpu.memory_space<hbm>>
        %dma_wait3A_489 = tpu.memref_slice %arg15[%and3A_374] : memref<2x!tpu.dma_semaphore, #tpu.memory_space<semaphore_mem>> -> memref<1x!tpu.dma_semaphore, #tpu.memory_space<semaphore_mem>>
        %dma_wait3A_490 = tpu.memref_squeeze %dma_wait3A_489 : memref<1x!tpu.dma_semaphore, #tpu.memory_space<semaphore_mem>> -> memref<!tpu.dma_semaphore, #tpu.memory_space<semaphore_mem>>
        %dma_wait3A_491 = tpu.memref_slice %arg12[%mul3A_485] : memref<16384xf32, #tpu.memory_space<vmem>> -> memref<8192xf32, #tpu.memory_space<vmem>>
        %dma_wait3A_492 = arith.constant 0 : i32
        %dma_wait3A_493 = tpu.memref_slice %arg5[%dma_wait3A_492] : memref<67108864xf32, #tpu.memory_space<hbm>> -> memref<8192xf32, #tpu.memory_space<hbm>>
        tpu.wait_dma2 semaphore(%dma_wait3A_490 : memref<!tpu.dma_semaphore, #tpu.memory_space<semaphore_mem>>) src(%dma_wait3A_493 : memref<8192xf32, #tpu.memory_space<hbm>>) dst(%dma_wait3A_491 : memref<8192xf32, #tpu.memory_space<vmem>>)
      } else {
      }
      %parallel_loop3A_391 = arith.constant 0 : i32
      %parallel_loop3A_392 = arith.constant 128 : i32
      %parallel_loop3A_393 = arith.constant 1 : i32
      scf.for %parallel_loop3A_482 = %parallel_loop3A_391 to %parallel_loop3A_392 step %parallel_loop3A_393  : i32 {
        %parallel_loop3A_483 = arith.constant 2048 : i32
        %parallel_loop3A_484 = arith.muli %and3A_374, %parallel_loop3A_483 : i32
        %parallel_loop3A_485 = arith.constant 16 : i32
        %parallel_loop3A_486 = arith.muli %parallel_loop3A_482, %parallel_loop3A_485 : i32
        %parallel_loop3A_487 = arith.addi %parallel_loop3A_484, %parallel_loop3A_486 : i32
        %parallel_loop3A_488 = arith.index_cast %parallel_loop3A_487 : i32 to index
        %parallel_loop3A_489 = tpu.vector_load %arg11[%parallel_loop3A_488] {strides = array<i32>} : memref<4096xi32, #tpu.memory_space<vmem>>, vector<16xi32>,
        %parallel_loop3A_490 = arith.constant 0 : i32
        %parallel_loop3A_491 = vector.broadcast %parallel_loop3A_490 : i32 to vector<16xi32>
        %parallel_loop3A_492 = arith.addi %parallel_loop3A_489, %parallel_loop3A_491 : vector<16xi32>
        %parallel_loop3A_493 = tpu.vector_load_idx %arg10[%parallel_loop3A_492] : memref<48064xf32, #tpu.memory_space<vmem>>[vector<16xi32>], vector<16xf32>,
        %parallel_loop3A_494 = arith.constant 4 : i32
        %parallel_loop3A_495 = arith.muli %and3A_374, %parallel_loop3A_494 : i32
        %parallel_loop3A_496 = arith.constant 2048 : i32
        %parallel_loop3A_497 = arith.muli %parallel_loop3A_495, %parallel_loop3A_496 : i32
        %parallel_loop3A_498 = arith.constant 0 : i32
        %parallel_loop3A_499 = arith.addi %parallel_loop3A_497, %parallel_loop3A_498 : i32
        %parallel_loop3A_500 = arith.constant 16 : i32
        %parallel_loop3A_501 = arith.muli %parallel_loop3A_482, %parallel_loop3A_500 : i32
        %parallel_loop3A_502 = arith.addi %parallel_loop3A_499, %parallel_loop3A_501 : i32
        %parallel_loop3A_503 = arith.index_cast %parallel_loop3A_502 : i32 to index
        %parallel_loop3A_504 = tpu.vector_load %arg12[%parallel_loop3A_503] {strides = array<i32>} : memref<16384xf32, #tpu.memory_space<vmem>>, vector<16xf32>,
        tpu.vector_store %arg12[%parallel_loop3A_503], %parallel_loop3A_493 {strides = array<i32>} : memref<16384xf32, #tpu.memory_space<vmem>>, vector<16xf32>,
        %parallel_loop3A_505 = arith.constant 12016 : i32
        %parallel_loop3A_506 = vector.broadcast %parallel_loop3A_505 : i32 to vector<16xi32>
        %parallel_loop3A_507 = arith.addi %parallel_loop3A_489, %parallel_loop3A_506 : vector<16xi32>
        %parallel_loop3A_508 = tpu.vector_load_idx %arg10[%parallel_loop3A_507] : memref<48064xf32, #tpu.memory_space<vmem>>[vector<16xi32>], vector<16xf32>,
        %parallel_loop3A_509 = arith.constant 4 : i32
        %parallel_loop3A_510 = arith.muli %and3A_374, %parallel_loop3A_509 : i32
        %parallel_loop3A_511 = arith.constant 2048 : i32
        %parallel_loop3A_512 = arith.muli %parallel_loop3A_510, %parallel_loop3A_511 : i32
        %parallel_loop3A_513 = arith.constant 2048 : i32
        %parallel_loop3A_514 = arith.addi %parallel_loop3A_512, %parallel_loop3A_513 : i32
        %parallel_loop3A_515 = arith.constant 16 : i32
        %parallel_loop3A_516 = arith.muli %parallel_loop3A_482, %parallel_loop3A_515 : i32
        %parallel_loop3A_517 = arith.addi %parallel_loop3A_514, %parallel_loop3A_516 : i32
        %parallel_loop3A_518 = arith.index_cast %parallel_loop3A_517 : i32 to index
        %parallel_loop3A_519 = tpu.vector_load %arg12[%parallel_loop3A_518] {strides = array<i32>} : memref<16384xf32, #tpu.memory_space<vmem>>, vector<16xf32>,
        tpu.vector_store %arg12[%parallel_loop3A_518], %parallel_loop3A_508 {strides = array<i32>} : memref<16384xf32, #tpu.memory_space<vmem>>, vector<16xf32>,
        %parallel_loop3A_520 = arith.constant 24032 : i32
        %parallel_loop3A_521 = vector.broadcast %parallel_loop3A_520 : i32 to vector<16xi32>
        %parallel_loop3A_522 = arith.addi %parallel_loop3A_489, %parallel_loop3A_521 : vector<16xi32>
        %parallel_loop3A_523 = tpu.vector_load_idx %arg10[%parallel_loop3A_522] : memref<48064xf32, #tpu.memory_space<vmem>>[vector<16xi32>], vector<16xf32>,
        %parallel_loop3A_524 = arith.constant 4 : i32
        %parallel_loop3A_525 = arith.muli %and3A_374, %parallel_loop3A_524 : i32
        %parallel_loop3A_526 = arith.constant 2048 : i32
        %parallel_loop3A_527 = arith.muli %parallel_loop3A_525, %parallel_loop3A_526 : i32
        %parallel_loop3A_528 = arith.constant 4096 : i32
        %parallel_loop3A_529 = arith.addi %parallel_loop3A_527, %parallel_loop3A_528 : i32
        %parallel_loop3A_530 = arith.constant 16 : i32
        %parallel_loop3A_531 = arith.muli %parallel_loop3A_482, %parallel_loop3A_530 : i32
        %parallel_loop3A_532 = arith.addi %parallel_loop3A_529, %parallel_loop3A_531 : i32
        %parallel_loop3A_533 = arith.index_cast %parallel_loop3A_532 : i32 to index
        %parallel_loop3A_534 = tpu.vector_load %arg12[%parallel_loop3A_533] {strides = array<i32>} : memref<16384xf32, #tpu.memory_space<vmem>>, vector<16xf32>,
        tpu.vector_store %arg12[%parallel_loop3A_533], %parallel_loop3A_523 {strides = array<i32>} : memref<16384xf32, #tpu.memory_space<vmem>>, vector<16xf32>,
        %parallel_loop3A_535 = arith.constant 36048 : i32
        %parallel_loop3A_536 = vector.broadcast %parallel_loop3A_535 : i32 to vector<16xi32>
        %parallel_loop3A_537 = arith.addi %parallel_loop3A_489, %parallel_loop3A_536 : vector<16xi32>
        %parallel_loop3A_538 = tpu.vector_load_idx %arg10[%parallel_loop3A_537] : memref<48064xf32, #tpu.memory_space<vmem>>[vector<16xi32>], vector<16xf32>,
        %parallel_loop3A_539 = arith.constant 4 : i32
        %parallel_loop3A_540 = arith.muli %and3A_374, %parallel_loop3A_539 : i32
        %parallel_loop3A_541 = arith.constant 2048 : i32
        %parallel_loop3A_542 = arith.muli %parallel_loop3A_540, %parallel_loop3A_541 : i32
        %parallel_loop3A_543 = arith.constant 6144 : i32
        %parallel_loop3A_544 = arith.addi %parallel_loop3A_542, %parallel_loop3A_543 : i32
        %parallel_loop3A_545 = arith.constant 16 : i32
        %parallel_loop3A_546 = arith.muli %parallel_loop3A_482, %parallel_loop3A_545 : i32
        %parallel_loop3A_547 = arith.addi %parallel_loop3A_544, %parallel_loop3A_546 : i32
        %parallel_loop3A_548 = arith.index_cast %parallel_loop3A_547 : i32 to index
        %parallel_loop3A_549 = tpu.vector_load %arg12[%parallel_loop3A_548] {strides = array<i32>} : memref<16384xf32, #tpu.memory_space<vmem>>, vector<16xf32>,
        tpu.vector_store %arg12[%parallel_loop3A_548], %parallel_loop3A_538 {strides = array<i32>} : memref<16384xf32, #tpu.memory_space<vmem>>, vector<16xf32>,
      } {sc.loop_unroll_factor = 4 : i64, sc.parallel_access}
      %mul3A_394 = arith.constant 4 : i32
      %mul3A_395 = arith.muli %and3A_374, %mul3A_394 : i32
      %mul3A_396 = arith.constant 2048 : i32
      %mul3A_397 = arith.muli %mul3A_395, %mul3A_396 : i32
      %add3A_398 = arith.constant 0 : i32
      %add3A_399 = arith.addi %mul3A_397, %add3A_398 : i32
      %add3A_400 = arith.constant 192 : i32
      %add3A_401 = arith.addi %add3A_400, %mul3A_4 : i32
      %add3A_402 = arith.constant 0 : i32
      %add3A_403 = arith.addi %add3A_401, %add3A_402 : i32
      %mul3A_404 = arith.constant 262144 : i32
      %mul3A_405 = arith.muli %add3A_403, %mul3A_404 : i32
      %add3A_406 = arith.addi %mul3A_405, %mul3A_6 : i32
      %mul3A_407 = arith.constant 2048 : i32
      %mul3A_408 = arith.muli %scan3A_373, %mul3A_407 : i32
      %add3A_409 = arith.addi %add3A_406, %mul3A_408 : i32
      %dma_start3A_410 = tpu.memref_slice %arg12[%add3A_399] : memref<16384xf32, #tpu.memory_space<vmem>> -> memref<2048xf32, #tpu.memory_space<vmem>>
      %dma_start3A_411 = tpu.memref_slice %arg5[%add3A_409] : memref<67108864xf32, #tpu.memory_space<hbm>> -> memref<2048xf32, #tpu.memory_space<hbm>>
      %dma_start3A_412 = tpu.memref_slice %arg15[%and3A_374] : memref<2x!tpu.dma_semaphore, #tpu.memory_space<semaphore_mem>> -> memref<1x!tpu.dma_semaphore, #tpu.memory_space<semaphore_mem>>
      %dma_start3A_413 = tpu.memref_squeeze %dma_start3A_412 : memref<1x!tpu.dma_semaphore, #tpu.memory_space<semaphore_mem>> -> memref<!tpu.dma_semaphore, #tpu.memory_space<semaphore_mem>>
      %dma_start3A_414 = tpu.memref_slice %arg5[%add3A_409] : memref<67108864xf32, #tpu.memory_space<hbm>> -> memref<2048xf32, #tpu.memory_space<hbm>>
      %dma_start3A_415 = tpu.memref_slice %arg12[%add3A_399] : memref<16384xf32, #tpu.memory_space<vmem>> -> memref<2048xf32, #tpu.memory_space<vmem>>
      tpu.enqueue_dma source(%dma_start3A_415 : memref<2048xf32, #tpu.memory_space<vmem>>) target(%dma_start3A_414 : memref<2048xf32, #tpu.memory_space<hbm>>) target_semaphore(%dma_start3A_413 : memref<!tpu.dma_semaphore, #tpu.memory_space<semaphore_mem>>)
      %mul3A_416 = arith.constant 4 : i32
      %mul3A_417 = arith.muli %and3A_374, %mul3A_416 : i32
      %mul3A_418 = arith.constant 2048 : i32
      %mul3A_419 = arith.muli %mul3A_417, %mul3A_418 : i32
      %add3A_420 = arith.constant 2048 : i32
      %add3A_421 = arith.addi %mul3A_419, %add3A_420 : i32
      %add3A_422 = arith.constant 192 : i32
      %add3A_423 = arith.addi %add3A_422, %mul3A_4 : i32
      %add3A_424 = arith.constant 1 : i32
      %add3A_425 = arith.addi %add3A_423, %add3A_424 : i32
      %mul3A_426 = arith.constant 262144 : i32
      %mul3A_427 = arith.muli %add3A_425, %mul3A_426 : i32
      %add3A_428 = arith.addi %mul3A_427, %mul3A_6 : i32
      %mul3A_429 = arith.constant 2048 : i32
      %mul3A_430 = arith.muli %scan3A_373, %mul3A_429 : i32
      %add3A_431 = arith.addi %add3A_428, %mul3A_430 : i32
      %dma_start3A_432 = tpu.memref_slice %arg12[%add3A_421] : memref<16384xf32, #tpu.memory_space<vmem>> -> memref<2048xf32, #tpu.memory_space<vmem>>
      %dma_start3A_433 = tpu.memref_slice %arg5[%add3A_431] : memref<67108864xf32, #tpu.memory_space<hbm>> -> memref<2048xf32, #tpu.memory_space<hbm>>
      %dma_start3A_434 = tpu.memref_slice %arg15[%and3A_374] : memref<2x!tpu.dma_semaphore, #tpu.memory_space<semaphore_mem>> -> memref<1x!tpu.dma_semaphore, #tpu.memory_space<semaphore_mem>>
      %dma_start3A_435 = tpu.memref_squeeze %dma_start3A_434 : memref<1x!tpu.dma_semaphore, #tpu.memory_space<semaphore_mem>> -> memref<!tpu.dma_semaphore, #tpu.memory_space<semaphore_mem>>
      %dma_start3A_436 = tpu.memref_slice %arg5[%add3A_431] : memref<67108864xf32, #tpu.memory_space<hbm>> -> memref<2048xf32, #tpu.memory_space<hbm>>
      %dma_start3A_437 = tpu.memref_slice %arg12[%add3A_421] : memref<16384xf32, #tpu.memory_space<vmem>> -> memref<2048xf32, #tpu.memory_space<vmem>>
      tpu.enqueue_dma source(%dma_start3A_437 : memref<2048xf32, #tpu.memory_space<vmem>>) target(%dma_start3A_436 : memref<2048xf32, #tpu.memory_space<hbm>>) target_semaphore(%dma_start3A_435 : memref<!tpu.dma_semaphore, #tpu.memory_space<semaphore_mem>>)
      %mul3A_438 = arith.constant 4 : i32
      %mul3A_439 = arith.muli %and3A_374, %mul3A_438 : i32
      %mul3A_440 = arith.constant 2048 : i32
      %mul3A_441 = arith.muli %mul3A_439, %mul3A_440 : i32
      %add3A_442 = arith.constant 4096 : i32
      %add3A_443 = arith.addi %mul3A_441, %add3A_442 : i32
      %add3A_444 = arith.constant 192 : i32
      %add3A_445 = arith.addi %add3A_444, %mul3A_4 : i32
      %add3A_446 = arith.constant 2 : i32
      %add3A_447 = arith.addi %add3A_445, %add3A_446 : i32
      %mul3A_448 = arith.constant 262144 : i32
      %mul3A_449 = arith.muli %add3A_447, %mul3A_448 : i32
      %add3A_450 = arith.addi %mul3A_449, %mul3A_6 : i32
      %mul3A_451 = arith.constant 2048 : i32
      %mul3A_452 = arith.muli %scan3A_373, %mul3A_451 : i32
      %add3A_453 = arith.addi %add3A_450, %mul3A_452 : i32
      %dma_start3A_454 = tpu.memref_slice %arg12[%add3A_443] : memref<16384xf32, #tpu.memory_space<vmem>> -> memref<2048xf32, #tpu.memory_space<vmem>>
      %dma_start3A_455 = tpu.memref_slice %arg5[%add3A_453] : memref<67108864xf32, #tpu.memory_space<hbm>> -> memref<2048xf32, #tpu.memory_space<hbm>>
      %dma_start3A_456 = tpu.memref_slice %arg15[%and3A_374] : memref<2x!tpu.dma_semaphore, #tpu.memory_space<semaphore_mem>> -> memref<1x!tpu.dma_semaphore, #tpu.memory_space<semaphore_mem>>
      %dma_start3A_457 = tpu.memref_squeeze %dma_start3A_456 : memref<1x!tpu.dma_semaphore, #tpu.memory_space<semaphore_mem>> -> memref<!tpu.dma_semaphore, #tpu.memory_space<semaphore_mem>>
      %dma_start3A_458 = tpu.memref_slice %arg5[%add3A_453] : memref<67108864xf32, #tpu.memory_space<hbm>> -> memref<2048xf32, #tpu.memory_space<hbm>>
      %dma_start3A_459 = tpu.memref_slice %arg12[%add3A_443] : memref<16384xf32, #tpu.memory_space<vmem>> -> memref<2048xf32, #tpu.memory_space<vmem>>
      tpu.enqueue_dma source(%dma_start3A_459 : memref<2048xf32, #tpu.memory_space<vmem>>) target(%dma_start3A_458 : memref<2048xf32, #tpu.memory_space<hbm>>) target_semaphore(%dma_start3A_457 : memref<!tpu.dma_semaphore, #tpu.memory_space<semaphore_mem>>)
      %mul3A_460 = arith.constant 4 : i32
      %mul3A_461 = arith.muli %and3A_374, %mul3A_460 : i32
      %mul3A_462 = arith.constant 2048 : i32
      %mul3A_463 = arith.muli %mul3A_461, %mul3A_462 : i32
      %add3A_464 = arith.constant 6144 : i32
      %add3A_465 = arith.addi %mul3A_463, %add3A_464 : i32
      %add3A_466 = arith.constant 192 : i32
      %add3A_467 = arith.addi %add3A_466, %mul3A_4 : i32
      %add3A_468 = arith.constant 3 : i32
      %add3A_469 = arith.addi %add3A_467, %add3A_468 : i32
      %mul3A_470 = arith.constant 262144 : i32
      %mul3A_471 = arith.muli %add3A_469, %mul3A_470 : i32
      %add3A_472 = arith.addi %mul3A_471, %mul3A_6 : i32
      %mul3A_473 = arith.constant 2048 : i32
      %mul3A_474 = arith.muli %scan3A_373, %mul3A_473 : i32
      %add3A_475 = arith.addi %add3A_472, %mul3A_474 : i32
      %dma_start3A_476 = tpu.memref_slice %arg12[%add3A_465] : memref<16384xf32, #tpu.memory_space<vmem>> -> memref<2048xf32, #tpu.memory_space<vmem>>
      %dma_start3A_477 = tpu.memref_slice %arg5[%add3A_475] : memref<67108864xf32, #tpu.memory_space<hbm>> -> memref<2048xf32, #tpu.memory_space<hbm>>
      %dma_start3A_478 = tpu.memref_slice %arg15[%and3A_374] : memref<2x!tpu.dma_semaphore, #tpu.memory_space<semaphore_mem>> -> memref<1x!tpu.dma_semaphore, #tpu.memory_space<semaphore_mem>>
      %dma_start3A_479 = tpu.memref_squeeze %dma_start3A_478 : memref<1x!tpu.dma_semaphore, #tpu.memory_space<semaphore_mem>> -> memref<!tpu.dma_semaphore, #tpu.memory_space<semaphore_mem>>
      %dma_start3A_480 = tpu.memref_slice %arg5[%add3A_475] : memref<67108864xf32, #tpu.memory_space<hbm>> -> memref<2048xf32, #tpu.memory_space<hbm>>
      %dma_start3A_481 = tpu.memref_slice %arg12[%add3A_465] : memref<16384xf32, #tpu.memory_space<vmem>> -> memref<2048xf32, #tpu.memory_space<vmem>>
      tpu.enqueue_dma source(%dma_start3A_481 : memref<2048xf32, #tpu.memory_space<vmem>>) target(%dma_start3A_480 : memref<2048xf32, #tpu.memory_space<hbm>>) target_semaphore(%dma_start3A_479 : memref<!tpu.dma_semaphore, #tpu.memory_space<semaphore_mem>>)
    }
    %scan3A_350 = arith.constant 64 : i32
    %dma_wait3A_351 = arith.constant 0 : i32
    %dma_wait3A_352 = arith.constant 0 : i32
    %dma_wait3A_353 = tpu.memref_slice %arg12[%dma_wait3A_352] : memref<16384xf32, #tpu.memory_space<vmem>> -> memref<8192xf32, #tpu.memory_space<vmem>>
    %dma_wait3A_354 = arith.constant 0 : i32
    %dma_wait3A_355 = tpu.memref_slice %arg5[%dma_wait3A_354] : memref<67108864xf32, #tpu.memory_space<hbm>> -> memref<8192xf32, #tpu.memory_space<hbm>>
    %dma_wait3A_356 = tpu.memref_slice %arg15[%dma_wait3A_351] : memref<2x!tpu.dma_semaphore, #tpu.memory_space<semaphore_mem>> -> memref<1x!tpu.dma_semaphore, #tpu.memory_space<semaphore_mem>>
    %dma_wait3A_357 = tpu.memref_squeeze %dma_wait3A_356 : memref<1x!tpu.dma_semaphore, #tpu.memory_space<semaphore_mem>> -> memref<!tpu.dma_semaphore, #tpu.memory_space<semaphore_mem>>
    %dma_wait3A_358 = arith.constant 0 : i32
    %dma_wait3A_359 = tpu.memref_slice %arg12[%dma_wait3A_358] : memref<16384xf32, #tpu.memory_space<vmem>> -> memref<8192xf32, #tpu.memory_space<vmem>>
    %dma_wait3A_360 = arith.constant 0 : i32
    %dma_wait3A_361 = tpu.memref_slice %arg5[%dma_wait3A_360] : memref<67108864xf32, #tpu.memory_space<hbm>> -> memref<8192xf32, #tpu.memory_space<hbm>>
    tpu.wait_dma2 semaphore(%dma_wait3A_357 : memref<!tpu.dma_semaphore, #tpu.memory_space<semaphore_mem>>) src(%dma_wait3A_361 : memref<8192xf32, #tpu.memory_space<hbm>>) dst(%dma_wait3A_359 : memref<8192xf32, #tpu.memory_space<vmem>>)
    %dma_wait3A_362 = arith.constant 1 : i32
    %dma_wait3A_363 = arith.constant 8192 : i32
    %dma_wait3A_364 = tpu.memref_slice %arg12[%dma_wait3A_363] : memref<16384xf32, #tpu.memory_space<vmem>> -> memref<8192xf32, #tpu.memory_space<vmem>>
    %dma_wait3A_365 = arith.constant 0 : i32
    %dma_wait3A_366 = tpu.memref_slice %arg5[%dma_wait3A_365] : memref<67108864xf32, #tpu.memory_space<hbm>> -> memref<8192xf32, #tpu.memory_space<hbm>>
    %dma_wait3A_367 = tpu.memref_slice %arg15[%dma_wait3A_362] : memref<2x!tpu.dma_semaphore, #tpu.memory_space<semaphore_mem>> -> memref<1x!tpu.dma_semaphore, #tpu.memory_space<semaphore_mem>>
    %dma_wait3A_368 = tpu.memref_squeeze %dma_wait3A_367 : memref<1x!tpu.dma_semaphore, #tpu.memory_space<semaphore_mem>> -> memref<!tpu.dma_semaphore, #tpu.memory_space<semaphore_mem>>
    %dma_wait3A_369 = arith.constant 8192 : i32
    %dma_wait3A_370 = tpu.memref_slice %arg12[%dma_wait3A_369] : memref<16384xf32, #tpu.memory_space<vmem>> -> memref<8192xf32, #tpu.memory_space<vmem>>
    %dma_wait3A_371 = arith.constant 0 : i32
    %dma_wait3A_372 = tpu.memref_slice %arg5[%dma_wait3A_371] : memref<67108864xf32, #tpu.memory_space<hbm>> -> memref<8192xf32, #tpu.memory_space<hbm>>
    tpu.wait_dma2 semaphore(%dma_wait3A_368 : memref<!tpu.dma_semaphore, #tpu.memory_space<semaphore_mem>>) src(%dma_wait3A_372 : memref<8192xf32, #tpu.memory_space<hbm>>) dst(%dma_wait3A_370 : memref<8192xf32, #tpu.memory_space<vmem>>)
    return
  }
}

</mosaic_0001>

<sc_bundles>
// kernel: kernel.3.cloned.1.call-start
scs
__scs_entry_jumppad:
0x0: {  	(pc) =	sbr.rel $0x88, $3  }
0x1: {  	(tag) =	ssettag $0x0;
	lr =	simm.s32 $0x1  }
0x2: {  	[smem:$0x3F9F] =	sst lr;
	_ =	strace $0xD0000000  }
0x3: {  	_ = 	snop  }
0x4: {  	_ = 	snop  }
0x5: {  	_ = 	snop  }
0x6: {  	_ = 	snop  }
0x7: {  	_ = 	snop  }
__scs_overlays_trampoline_lowered:
0x8: {  	[smem:$0x3FAE] =	sst s0  }
0x9: {  	[smem:$0x3FAF] =	sst s1  }
0xa: {  	[smem:$0x3FB0] =	sst s2  }
0xb: {  	[smem:$0x3FB1] =	sst s3  }
0xc: {  	[smem:$0x3FB2] =	sst s4  }
0xd: {  	[smem:$0x3FB3] =	sst s5  }
0xe: {  	[smem:$0x3FB4] =	sst s6  }
0xf: {  	[smem:$0x3FB5] =	sst s7  }
0x10: {  	[smem:$0x3FB6] =	sst s8  }
0x11: {  	[smem:$0x3FB7] =	sst s9;
	s0 =	simm.s32 @!p0 $0x0  }
0x12: {  	s1 =	sld [smem:$0x3F9D];
	s0 =	simm.s32 @p0 $0x1  }
0x13: {  	[smem:$0x3FB8] =	sst s0;
	s0 =	simm.s32 @!p1 $0x0  }
0x14: {  	s2 =	sld [smem:$0x3F9C];
	s0 =	simm.s32 @p1 $0x1  }
0x15: {  	[smem:$0x3FB9] =	sst s0;
	s0 =	simm.s32 @!p2 $0x0  }
0x16: {  	s3 =	sld [smem:$0x3FDB];
	s0 =	simm.s32 @p2 $0x1  }
0x17: {  	s4 =	simm.s32 $0x1BF5;
	[smem:$0x3FBB] =	sst s0  }
0x18: {  	s0 =	sld [smem:$0x3F9E];
	_ =	swait.ge [sflag:s4], $0x0  }
0x19: {  	s7 =	sld [smem:$0x3F9F]  }
0x1a: {  	s8 =	sadd.s32 $0xFFFFE003, lr  }
0x1b: {  	s9 =	sadd.s32 $0xFFFFFEF7, lr;
	s5 =	simm.s32 $0xFFFFFFFF;
	p2 =	slt.u32 s8, $0xFFFFF086  }
0x1c: {  	p1 =	slt.u32 s9, $0xF7A;
	s5 =	simm.s32 @!p2 $0x0  }
0x1d: {  	s5 =	simm.s32 @p1 $0x1;
	p0 =	seq.s32 s7, s2  }
0x1e: {  	s7 =	smul.u32 @!p0 $0xF7A, s2;
	p2 =	seq.s32 @!p0 s5, $0x0  }
0x1f: {  	s9 =	smul.u32 $0xF7A, s1;
	s8 =	simm.s32 @!p0 $0x1BF5;
	p2 =	por !p2, p0  }
0x20: {  	[sflag:s8] =	ssyncset.s32 @!p0 $0xFFFFF086;
	s6 =	sadd.s32 @!p0 s3, s7;
	s7 =	simm.s32 @!p0 $0x108  }
0x21: {  	s3 =	sadd.s32 s3, s9;
	s6 =	sadd.s32 @!p0 $0x88, s6;
	s7 =	simm.s32 @p2 $0x1082  }
0x22: {  	[simem:s7], [sflag:s8] =	dma.local @!p0 [hbm:s6], $0xF7A  }
0x23: {  	s9 =	sor.u32 $0xD0000000, s2;
	s6 =	simm.s32 $0x108;
	_ =	swait.ge @!p0 [sflag:s8], $0x0  }
0x24: {  	s3 =	sadd.s32 $0x88, s3;
	s6 =	simm.s32 @!p1 $0x1082;
	[sflag:s4] =	ssyncset.s32 $0xFFFFF086  }
0x25: {  	[simem:s6], [sflag:s4] =	dma.local [hbm:s3], $0xF7A  }
0x26: {  	[smem:$0x3F9F] =	sst s1;
	(tag) =	ssettag s2;
	_ =	strace s9  }
0x27: {  	s1 =	sld [smem:$0x3FAF]  }
0x28: {  	s2 =	sld [smem:$0x3FB0]  }
0x29: {  	s4 =	sld [smem:$0x3FB2]  }
0x2a: {  	p0 =	seq.s32 s5, $0x0;
	s5 =	sld [smem:$0x3FB3]  }
0x2b: {  	s6 =	sld [smem:$0x3FB4]  }
0x2c: {  	s7 =	sld [smem:$0x3FB5]  }
0x2d: {  	s3 =	simm.s32 $0x108;
	s8 =	sld [smem:$0x3FB6]  }
0x2e: {  	s3 =	simm.s32 @!p0 $0x1082;
	s9 =	sld [smem:$0x3FB7]  }
0x2f: {  	lr =	sadd.s32 s0, s3;
	s0 =	sld [smem:$0x3FAE]  }
0x30: {  	s3 =	sld [smem:$0x3FB1]  }
0x31: {  	[smem:$0x3FBA] =	sst s10  }
0x32: {  	s10 =	sld [smem:$0x3FB8];
	_ =	sdelay $0x3  }
0x33: {  	p0 =	seq.s32 s10, $0x1;
	s10 =	sld [smem:$0x3FBA];
	_ =	sdelay $0x3  }
0x34: {  	[smem:$0x3FBA] =	sst s10  }
0x35: {  	s10 =	sld [smem:$0x3FB9];
	_ =	sdelay $0x3  }
0x36: {  	p1 =	seq.s32 s10, $0x1;
	s10 =	sld [smem:$0x3FBA];
	_ =	sdelay $0x3  }
0x37: {  	[smem:$0x3FBA] =	sst s10  }
0x38: {  	s10 =	sld [smem:$0x3FBB]  }
0x39: {  	_ = 	snop;
	(pc) =	sbr.ind lr, $3  }
0x3a: {  	_ = 	snop  }
0x3b: {  	_ = 	snop  }
0x3c: {  	p2 =	seq.s32 s10, $0x1;
	s10 =	sld [smem:$0x3FBA]  }
0x3d: {  	_ =	shalt  }
0x3e: {  	_ =	shalt  }
0x3f: {  	_ =	shalt  }
0x40: {  	_ =	shalt  }
0x41: {  	_ =	shalt  }
0x42: {  	_ =	shalt  }
0x43: {  	_ =	shalt  }
0x44: {  	_ =	shalt  }
0x45: {  	_ =	shalt  }
0x46: {  	_ =	shalt  }
0x47: {  	_ =	shalt  }
0x48: {  	_ =	shalt  }
0x49: {  	_ =	shalt  }
0x4a: {  	_ =	shalt  }
0x4b: {  	_ =	shalt  }
0x4c: {  	_ =	shalt  }
0x4d: {  	_ =	shalt  }
0x4e: {  	_ =	shalt  }
0x4f: {  	_ =	shalt  }
0x50: {  	_ =	shalt  }
0x51: {  	_ =	shalt  }
0x52: {  	_ =	shalt  }
0x53: {  	_ =	shalt  }
0x54: {  	_ =	shalt  }
0x55: {  	_ =	shalt  }
0x56: {  	_ =	shalt  }
0x57: {  	_ =	shalt  }
0x58: {  	_ =	shalt  }
0x59: {  	_ =	shalt  }
0x5a: {  	_ =	shalt  }
0x5b: {  	_ =	shalt  }
0x5c: {  	_ =	shalt  }
0x5d: {  	_ =	shalt  }
0x5e: {  	_ =	shalt  }
0x5f: {  	_ =	shalt  }
0x60: {  	_ =	shalt  }
0x61: {  	_ =	shalt  }
0x62: {  	_ =	shalt  }
0x63: {  	_ =	shalt  }
0x64: {  	_ =	shalt  }
0x65: {  	_ =	shalt  }
0x66: {  	_ =	shalt  }
0x67: {  	_ =	shalt  }
0x68: {  	_ =	shalt  }
0x69: {  	_ =	shalt  }
0x6a: {  	_ =	shalt  }
0x6b: {  	_ =	shalt  }
0x6c: {  	_ =	shalt  }
0x6d: {  	_ =	shalt  }
0x6e: {  	_ =	shalt  }
0x6f: {  	_ =	shalt  }
0x70: {  	_ =	shalt  }
0x71: {  	_ =	shalt  }
0x72: {  	_ =	shalt  }
0x73: {  	_ =	shalt  }
0x74: {  	_ =	shalt  }
0x75: {  	_ =	shalt  }
0x76: {  	_ =	shalt  }
0x77: {  	_ =	shalt  }
0x78: {  	_ =	shalt  }
0x79: {  	_ =	shalt  }
0x7a: {  	_ =	shalt  }
0x7b: {  	_ =	shalt  }
0x7c: {  	_ =	shalt  }
0x7d: {  	_ =	shalt  }
0x7e: {  	_ =	shalt  }
0x7f: {  	_ =	shalt  }
0x80: {  	_ =	shalt  }
0x81: {  	_ =	shalt  }
0x82: {  	_ =	shalt  }
0x83: {  	_ =	shalt  }
0x84: {  	_ =	shalt  }
0x85: {  	_ =	shalt  }
0x86: {  	_ =	shalt  }
0x87: {  	_ =	shalt  }
.Lfunc_end0:
.L_simem_size_0:
called_computation_lowered:
.L_overlay_start_0:
0x88: {  	s2 =	sld [smem:$0x3FD9]  }
0x89: {  	s3 =	sld [smem:$0x3FFE];
	_ =	sdelay $0x1  }
0x8a: {  	s1 =	srdreg.scid  }
0x8b: {  	s0 =	sand.u32 $0x1, s1  }
0x8c: {  	s17 =	sshll.u32 s0, $0xA;
	s2 =	sadd.s32 s3, s2  }
0x8d: {  	s2 =	sadd.s32 s2, s17  }
0x8e: {  	[smem:$0x3FC6] =	sst s2  }
0x8f: {  	_ = 	snop  }
0x90: {  	s2 =	sld [smem:$0x3FD0];
	(tm) =	ssettm $0x1  }
0x91: {  	s18 =	sld [smem:$0x3FFB];
	_ =	sdelay $0x3  }
0x92: {  	_ =	strace s18  }
0x93: {  	s3 =	sld [smem:$0x3FFC];
	_ =	sdelay $0x3  }
0x94: {  	_ =	strace s3  }
0x95: {  	s3 =	sld [smem:$0x3FFD];
	_ =	sdelay $0x3  }
0x96: {  	_ =	strace s3  }
0x97: {  	_ =	strace $0x8FFFFFFF  }
0x98: {  	s19 =	sld [smem:$0x3FDB];
	_ =	sdelay $0x1  }
0x99: {  	s4 =	simm.s32 $_scs_section_size  }
0x9a: {  	s5 =	simm.s32 $_size__tile_overlayer_lowered;
	s6 =	simm.s32 $_tile_overlayer_lowered  }
0x9b: {  	s22 =	simm.s32 $0x1BFF;
	s21 =	sshll.u32 s6, $0x1;
	s3 =	sadd.s32 s4, s19  }
0x9c: {  	s7 =	simm.s32 $0x0;
	s20 =	sshll.u32 s5, $0x1;
	s5 =	sadd.s32 s21, s3  }
0x9d: {  	[timem:s7], [sflag:s22] =	dma.local [hbm:s5], s20  }
0x9e: {  	_ =	swait.ge [sflag:s22], s20  }
0x9f: {  	s4 =	ssub.s32 $0x0, s20;
	[sflag:s22] =	ssyncset.done $0x0  }
0xa0: {  	[sflag:s22] =	ssyncadd.s32 s4;
	_ =	sdelay $0x1  }
0xa1: {  	s23 =	simm.s32 $0x1B8B  }
0xa2: {  	_ =	swait.ge [sflag:s23], $0x1  }
0xa3: {  	[sflag:s23] =	ssyncset.done $0x0  }
0xa4: {  	s25 =	simm.s32 $0x1B8E;
	s24 =	sld [smem:$0x3FFE];
	[sflag:s23] =	ssyncadd.s32 $0xFFFFFFFF  }
0xa5: {  	s26 =	simm.s32 $execute0_lowered;
	[smem:$0x3FD2] =	sst s25  }
0xa6: {  	s5 =	sshll.u32 s26, $0x1;
	_ =	strace $0x80000046;
	[dreg:$0x1] =	wrdreg $0xFFFFFFFF  }
0xa7: {  	s28 =	simm.s32 $_size_execute0_lowered;
	s3 =	sadd.s32 s3, s5;
	[dreg:$0x0] =	wrdreg $0x0  }
0xa8: {  	s5 =	sshll.u32 s28, $0x1;
	[dreg:$0x2] =	wrdreg s3  }
0xa9: {  	[dreg:$0x3] =	wrdreg s5  }
0xaa: {  	[dreg:$0x4] =	wrdreg $0xC0  }
0xab: {  	_ =	task [dreg:s7], $0x5FFFF  }
0xac: {  	[dreg:$0x1] =	wrdreg $0xFFFFFFFF  }
0xad: {  	[dreg:$0x0] =	wrdreg $0x60  }
0xae: {  	[dreg:$0x2] =	wrdreg s24  }
0xaf: {  	[dreg:$0x3] =	wrdreg s2  }
0xb0: {  	[dreg:$0x4] =	wrdreg $0x1B9000  }
0xb1: {  	[dreg:$0x5] =	wrdreg $0x9  }
0xb2: {  	_ =	task.clear_ibuf [dreg:s7], $0x6FFFF;
	_ =	strace $0x90000046  }
0xb3: {  	s29 =	simm.s32 $0x9;
	_ =	strace $0x80000048  }
0xb4: {  	_ =	swait.ge [sflag:s29], $0x1  }
0xb5: {  	[sflag:s29] =	ssyncadd.s32 $0xFFFFFFFF  }
0xb6: {  	_ =	strace $0x90000048  }
0xb7: {  	_ =	sfence  }
0xb8: {  	s30 =	sld [smem:$0x0];
	_ =	sdelay $0x2  }
0xb9: {  	s31 =	sshll.u32 s1, $0xD;
	s1 =	sshrl.u32 s1, $0x2  }
0xba: {  	s3 =	sand.u32 $0x4000, s31;
	s1 =	sadd.s32 s1, s30  }
0xbb: {  	s0 =	sor.u32 s3, s0;
	s1 =	sshll.u32 s1, $0x11  }
0xbc: {  	s0 =	sor.u32 s1, s0  }
0xbd: {  	s0 =	sadd.s32 $0x8F2B, s0  }
0xbe: {  	[sflag:s0] =	ssyncadd.remote.s32 $0x1  }
0xbf: {  	_ =	sfence.sel $0xFFFF  }
0xc0: {  	[dreg:$0x0] =	wrdreg $0xFFFFFFFF;
	(pc) =	sbr.abs _section_cstart, $3  }
0xc1: {  	[dreg:$0x1] =	wrdreg $0xFFFFFFFF  }
0xc2: {  	_ =	task.clear_ibuf [dreg:s7], $0x2FFFF;
	_ =	strace $0x9FFFFFFF  }
0xc3: {  	(tm) =	ssettm $0x7FFFFFFF  }
tec
execute0_lowered:
.L_overlay_start_1:
0x0: {  	(tag) =	ssettag $0x1  }
0x1: {  	s2 =	rddreg [dreg:$0x0]  }
0x2: {  	s0 =	rddreg [dreg:$0x1]  }
0x3: {  	s6 =	rddreg [dreg:$0x2];
	s3 =	simm.s32 $0x0  }
0x4: {  	[smem:$0x7FF] =	sst s3;
	s4 =	sadd.s32 $0x1800, s2  }
0x5: {  	s5 =	sadd.s32 $0x3000, s2;
	_ =	strace $0x80000047;
	[dreg:$0x8] =	wrdreg s4  }
0x6: {  	s25 =	sadd.s32 $0x1DDC, s2;
	[dreg:$0x9] =	wrdreg s5  }
0x7: {  	s26 =	sadd.s32 $0x5DC, s2;
	[dreg:$0xc] =	wrdreg s25  }
0x8: {  	s1 =	srdreg.scid;
	s14 =	sadd.s32 $0xB000, s2;
	[dreg:$0xd] =	wrdreg s26  }
0x9: {  	s10 =	stileid.u32;
	s30 =	sadd.s32 $0x13000, s2;
	[dreg:$0xe] =	wrdreg s14  }
0xa: {  	s1 =	sand.u32 $0x1, s1;
	s16 =	sadd.s32 $0x1B000, s2;
	[dreg:$0xf] =	wrdreg s30  }
0xb: {  	s7 =	sshll.u32 s10, $0xD;
	s18 =	sadd.s32 $0xBB8, s2;
	[dreg:$0x10] =	wrdreg s16  }
0xc: {  	s8 =	smul.u32 $0x1778, s10;
	s19 =	sadd.s32 $0x20000, s6;
	[dreg:$0x1a] =	wrdreg s18  }
0xd: {  	s9 =	sshll.u32 s10, $0x2;
	s20 =	sadd.s32 $0x20B000, s2;
	[dreg:$0x1b] =	wrdreg s19  }
0xe: {  	s10 =	sshll.u32 s10, $0x14;
	s21 =	sadd.s32 $0x213000, s2;
	[dreg:$0x1c] =	wrdreg s20  }
0xf: {  	s22 =	sadd.s32 $0x21B000, s2;
	s23 =	ssub.s32 $0x2, s1;
	[dreg:$0x1d] =	wrdreg s21  }
0x10: {  	s1 =	sshll.u32 s1, $0x11;
	s15 =	sadd.s32 s7, s6;
	[dreg:$0x1e] =	wrdreg s22  }
0x11: {  	s28 =	sor.u32 $0x40, s9;
	s16 =	sadd.s32 $0x23B8, s2;
	[dreg:$0xb] =	wrdreg s15  }
0x12: {  	s13 =	sor.u32 $0x80, s9;
	s25 =	sadd.s32 $0x40B000, s2;
	[dreg:$0x18] =	wrdreg s16  }
0x13: {  	s9 =	sor.u32 $0xC0, s9;
	s26 =	sadd.s32 $0x413000, s2;
	[smem:$0x7F8] =	sst s25  }
0x14: {  	s30 =	sadd.s32 $0x613000, s2;
	s24 =	sshrl.u32 s23, $0x1;
	[smem:$0x7F9] =	sst s26  }
0x15: {  	s8 =	sadd.s32 s0, s8;
	s12 =	smul.u32 $0x5DE, s28;
	[smem:$0x7FC] =	sst s30  }
0x16: {  	s4 =	ssub.s32 s23, s24;
	[dreg:$0xa] =	wrdreg s8;
	s23 =	sadd.s32 $0x2994, s2  }
0x17: {  	s29 =	smul.u32 $0x5DE, s13;
	s24 =	sadd.s32 $0x1194, s2;
	[dreg:$0x1f] =	wrdreg s23  }
0x18: {  	s31 =	smul.u32 $0x5DE, s9;
	s12 =	sadd.s32 s0, s12;
	[smem:$0x7F7] =	sst s24  }
0x19: {  	s11 =	sor.u32 s1, s10;
	s10 =	sadd.s32 s0, s29;
	[dreg:$0x11] =	wrdreg s12  }
0x1a: {  	s0 =	sadd.s32 s0, s31;
	[dreg:$0x12] =	wrdreg s10  }
0x1b: {  	s17 =	smax.u32 s4, $0x1;
	[dreg:$0x13] =	wrdreg s0  }
0x1c: {  	s29 =	sadd.s32 $0x60B000, s2;
	[dreg:$0x19] =	wrdreg s17  }
0x1d: {  	v0 =	vimm.s32 $0xFFEDCBA9;
	s5 =	sor.u32 s7, s1;
	s31 =	sadd.s32 $0x61B000, s2;
	[smem:$0x7FB] =	sst s29  }
0x1e: {  	v1 =	vimm.s32 $0x87654321;
	s14 =	sshll.u32 s9, $0x12;
	s10 =	sadd.s32 $0x20000, s15;
	[smem:$0x7FD] =	sst s31  }
0x1f: {  	v2 =	vunpack.c.l.s4.s8 v0;
	v1 =	vunpack.c.l.s4.s8 v1;
	s13 =	sshll.u32 s13, $0x12;
	s15 =	sor.u32 s1, s14;
	[dreg:$0x14] =	wrdreg s10  }
0x20: {  	s12 =	sshll.u32 s28, $0x12;
	s28 =	sadd.s32 $0x41B000, s2;
	[dreg:$0x17] =	wrdreg s15  }
0x21: {  	v3 =	vlaneseq.u32;
	v5 =	vunpack.c.0.s8.s32 v2;
	v6 =	vunpack.c.0.s8.s32 v1;
	s16 =	simm.s32 $0xAD00;
	s0 =	sor.u32 s1, s12;
	[smem:$0x7FA] =	sst s28  }
0x22: {  	v4 =	vimm.s32 $0x0;
	vm0 =	vcmask $0x3F3C;
	v2 =	vimm.s32 $0x2EE0;
	s8 =	sadd.s32 $0x2000, s5;
	[dreg:$0x15] =	wrdreg s0;
	s0 =	sor.u32 s1, s13  }
0x23: {  	v0 =	vmov s5;
	v1 =	vmov s8;
	v5 =	vcombine.low v6, v5;
	s17 =	simm.s32 $0x5E00;
	s2 =	simm.s32 $0x0;
	[dreg:$0x16] =	wrdreg s0  }
.LBB2_1:
0x24: {  	[smem:$0x7F6] =	sst s2  }
0x25: {  	s0 =	rddreg [dreg:$0x8];
	s1 =	simm.s32 $0x7  }
0x26: {  	[tilespmem:s3], [sflag:$0x7] =	stream.linear.gather [hbm4b:s0+s3], $0x2EE0, $0x38;
	[tilespmem:$0x1F900] =	vst v63  }
0x27: {  	_ =	swait.ge [sflag:s1], $0x2EE0  }
0x28: {  	[sflag:s1] =	ssyncset.done $0x0  }
0x29: {  	[sflag:s1] =	ssyncadd.s32 $0xFFFFD120  }
0x2a: {  	s30 =	simm.s32 $0x2F00;
	s29 =	rddreg [dreg:$0x0]  }
0x2b: {  	[tilespmem:s30], [sflag:$0x7] =	stream.linear.gather [hbm4b:s29+s3], $0x2EE0, $0x38;
	[tilespmem:$0x1F900] =	vst v63  }
0x2c: {  	_ =	swait.ge [sflag:s1], $0x2EE0  }
0x2d: {  	[sflag:s1] =	ssyncset.done $0x0  }
0x2e: {  	s0 =	simm.s32 $0x0;
	s31 =	rddreg [dreg:$0xa];
	[sflag:s1] =	ssyncadd.s32 $0xFFFFD120  }
0x2f: {  	[tilespmem:s16], [sflag:$0x5] =	stream.linear.gather [hbm4b:s31+s3], $0xBBC0, $0x38;
	[tilespmem:$0x1F900] =	vst v63  }
.LBB2_2:
0x30: {  	p0 =	sne.s32 s0, $0x7FC0  }
.Ltmp0:
0x31: {  	_ = 	snop;
	(pc) =	sbr.rel @p0 .LBB2_2-.Ltmp0, $3  }
0x32: {  	_ =	sdelay $0x1  }
0x33: {  	s1 =	sshra.s32 s0, $0x2  }
0x34: {  	s0 =	sadd.s32 $0x40, s0;
	[tilespmem:s1+$0x5E00] =	vst v2  }
0x35: {  	s0 =	simm.s32 $0x2F00  }
0x36: {  	s8 =	simm.s32 $0x0;
	v6 =	vld [tilespmem:s0+$0x0]  }
0x37: {  	v7 =	vld [tilespmem:s8+$0x0];
	_ =	sdelay $0x4  }
0x38: {  	v8 =	vor.u32 v7, v6;
	v7 =	vshll.u32 v7, $0x9  }
0x39: {  	vm1 =	vlt.u32 v8, $0x200;
	v6 =	vadd.s32 v6, v7  }
0x3a: {  	v6 =	vnsel vm1, $0xFFFFFFFF, v6  }
0x3b: {  	vm1 =	vge.s32 v6, v0;
	vm2 =	vlt.s32 v6, v1  }
0x3c: {  	vm1 =	vmand vm1, vm2  }
0x3d: {  	v7 =	vsel vm1, $0x1, v4  }
0x3e: {  	(xrf0) =	vadd.scan.msk.s32 $0xffff, v7;
	_ =	sdelay $0x2  }
0x3f: {  	v6 =	vshll.u32 v6, $0xE  }
0x40: {  	v6 =	vadd.s32 s8, v6  }
0x41: {  	v6 =	vadd.s32 v3, v6  }
0x42: {  	s12 =	simm.s32 $0x2F10;
	[tilespmem:s8+$0x7E00] =	vst.msk vm1, v6;
	v7, _, _ =	vpop (xrf0)  }
0x43: {  	s10 =	simm.s32 $0x10;
	v6 =	vld [tilespmem:s12+$0x0];
	(v2sf) =	vpush v7, $0xF  }
0x44: {  	s13 =	simm.s32 $0x20;
	s14 =	simm.s32 $0x10;
	v7 =	vld [tilespmem:s10+$0x0]  }
.LBB2_4:
0x45: {  	p0 =	sne.s32 s13, $0x2ED0;
	_ =	sdelay $0x3  }
0x46: {  	v8 =	vor.u32 v7, v6;
	v7 =	vshll.u32 v7, $0x9  }
0x47: {  	vm1 =	vlt.u32 v8, $0x200;
	v6 =	vadd.s32 v6, v7  }
0x48: {  	v6 =	vnsel vm1, $0xFFFFFFFF, v6  }
0x49: {  	vm1 =	vge.s32 v6, v0;
	vm2 =	vlt.s32 v6, v1;
	v6 =	vshll.u32 v6, $0xE  }
0x4a: {  	vm1 =	vmand vm1, vm2  }
0x4b: {  	v7 =	vsel vm1, $0x1, v4  }
0x4c: {  	(xrf0) =	vadd.scan.msk.s32 $0xffff, v7;
	_ =	sdelay $0x2  }
0x4d: {  	v6 =	vadd.s32 s10, v6;
	s10 =	smov.u32 s13;
	s0 =	spop (v2sf)  }
.Ltmp1:
0x4e: {  	v6 =	vadd.s32 v3, v6;
	s8 =	sadd.s32 s8, s0;
	(pc) =	sbr.rel @p0 .LBB2_4-.Ltmp1, $4  }
0x4f: {  	[tilespmem:s8+$0x7E00] =	vst.msk vm1, v6  }
0x50: {  	s12 =	sadd.s32 $0x10, s12;
	v7, _, _ =	vpop (xrf0)  }
0x51: {  	s14 =	sadd.s32 $0x10, s14;
	v6 =	vld [tilespmem:s12+$0x0];
	(v2sf) =	vpush v7, $0xF  }
0x52: {  	s13 =	sadd.s32 $0x10, s13;
	v7 =	vld [tilespmem:s14+$0x0]  }
0x53: {  	_ =	sdelay $0x3  }
0x54: {  	v8 =	vor.u32 v7, v6;
	v7 =	vshll.u32 v7, $0x9  }
0x55: {  	vm1 =	vlt.u32 v8, $0x200;
	v6 =	vadd.s32 v6, v7  }
0x56: {  	v6 =	vnsel vm1, $0xFFFFFFFF, v6  }
0x57: {  	vm1 =	vge.s32 v6, v0;
	vm2 =	vlt.s32 v6, v1  }
0x58: {  	vm1 =	vmand vm1, vm2  }
0x59: {  	v7 =	vsel vm1, $0x1, v4  }
0x5a: {  	(xrf0) =	vadd.scan.msk.s32 $0xffff, v7;
	_ =	sdelay $0x5  }
0x5b: {  	v7, _, _ =	vpop (xrf0)  }
0x5c: {  	(v2sf) =	vpush v7, $0xF;
	_ =	sdelay $0xd  }
0x5d: {  	s0 =	spop (v2sf)  }
0x5e: {  	s4 =	sadd.s32 s8, s0;
	s31 =	spop (v2sf)  }
0x5f: {  	s0 =	sadd.s32 s4, s31  }
0x60: {  	s1 =	sadd.s32 $0xF, s0  }
0x61: {  	s1 =	sshra.s32 s1, $0x4  }
0x62: {  	p0 =	slt.s32 s1, $0x1  }
.Ltmp2:
0x63: {  	_ = 	snop;
	(pc) =	sbr.rel @p0 .LBB2_12-.Ltmp2, $4  }
0x64: {  	v6 =	vshll.u32 v6, $0xE  }
0x65: {  	v6 =	vadd.s32 s10, v6  }
0x66: {  	v6 =	vadd.s32 v3, v6  }
0x67: {  	[tilespmem:s4+$0x7E00] =	vst.msk vm1, v6  }
0x68: {  	p1 =	sne.s32 s1, $0x1  }
.Ltmp3:
0x69: {  	_ = 	snop;
	(pc) =	sbr.rel @!p1 .LBB2_7-.Ltmp3, $3  }
0x6a: {  	_ =	sdelay $0x1  }
0x6b: {  	s4 =	simm.s32 $0x7E00  }
0x6c: {  	v6 =	vmov s0;
	s8 =	simm.s32 $0x0;
	s0 =	sadd.s32 $0xFFFFFFFF, s1;
	p0 =	por $0x0, $0x0;
	v7 =	vld [tilespmem:s4+$0x0]  }
0x6d: {  	_ =	sdelay $0x1  }
0x6e: {  	v8 =	vor.u32 s8, v3  }
0x6f: {  	vm1 =	vlt.s32 v8, v6  }
0x70: {  	(xrf1) =	vsort.ascd.msk.u32 vm1, v7, v7;
	_ =	sdelay $0xd  }
0x71: {  	v7, v8, vm1 =	vpop (xrf1)  }
0x72: {  	v7 =	vshrl.u32 v7, $0xE  }
0x73: {  	v7 =	vnsel vm1, $0xFFFFFFF9, v7  }
0x74: {  	v9 =	vperm.xlane v7, v5;
	_ =	sdelay $0x1  }
0x75: {  	vm2 =	vne.s32 v7, v9  }
0x76: {  	v63 =	vsub.s32 v7, v0;
	vm2 =	vmor vm2, vm0  }
0x77: {  	v9 =	vand.u32 $0xFFFFFF80, v63;
	v7 =	vand.u32 $0x7F, v7;
	vm1 =	vmand vm1, vm2  }
0x78: {  	v7 =	vor.u32 v7, v9  }
0x79: {  	p1 =	sne.s32 s0, $0x1  }
.Ltmp4:
0x7a: {  	_ = 	snop;
	(pc) =	sbr.rel @!p1 .LBB2_9-.Ltmp4, $4  }
0x7b: {  	_ = 	snop  }
0x7c: {  	v8 =	vand.u32 $0x3FFF, v8  }
0x7d: {  	s12 =	simm.s32 $0x7E10;
	[tilespmem:v7+s17+$0x0] =	vst.idx.msk vm1, v8  }
0x7e: {  	s13 =	sadd.s32 $0xFFFFFFFF, s0;
	p0 =	por $0x1, $0x1;
	s10 =	simm.s32 $0x0;
	v7 =	vld [tilespmem:s12+$0x0]  }
.LBB2_10:
0x7f: {  	p1 =	sne.s32 s13, $0x1  }
0x80: {  	s10 =	sadd.s32 $0x10, s10  }
0x81: {  	v8 =	vor.u32 s10, v3  }
0x82: {  	vm1 =	vlt.s32 v8, v6  }
0x83: {  	(xrf1) =	vsort.ascd.msk.u32 vm1, v7, v7;
	_ =	sdelay $0xd  }
0x84: {  	v7, v8, vm1 =	vpop (xrf1)  }
0x85: {  	v7 =	vshrl.u32 v7, $0xE  }
0x86: {  	v7 =	vnsel vm1, $0xFFFFFFF9, v7  }
0x87: {  	v9 =	vperm.xlane v7, v5;
	_ =	sdelay $0x1  }
0x88: {  	vm2 =	vne.s32 v7, v9  }
0x89: {  	v9 =	vsub.s32 v7, v0;
	vm2 =	vmor vm2, vm0  }
0x8a: {  	v7 =	vand.u32 $0x7F, v7;
	v9 =	vand.u32 $0xFFFFFF80, v9;
	vm1 =	vmand vm1, vm2  }
0x8b: {  	v7 =	vor.u32 v7, v9;
	_ =	sdelay $0x1  }
.Ltmp5:
0x8c: {  	(pc) =	sbr.rel @p1 .LBB2_10-.Ltmp5, $4  }
0x8d: {  	_ = 	snop  }
0x8e: {  	v8 =	vand.u32 $0x3FFF, v8  }
0x8f: {  	s12 =	sadd.s32 $0x10, s12;
	[tilespmem:v7+s17+$0x0] =	vst.idx.msk vm1, v8  }
0x90: {  	s13 =	sadd.s32 $0xFFFFFFFF, s13;
	v7 =	vld [tilespmem:s12+$0x0]  }
.LBB2_11:
0x91: {  	s0 =	sadd.s32 @p0 $0x10, s10  }
0x92: {  	s8 =	smov.u32 @p0 s0  }
0x93: {  	v8 =	vor.u32 s8, v3  }
0x94: {  	vm1 =	vlt.s32 v8, v6  }
0x95: {  	(xrf1) =	vsort.ascd.msk.u32 vm1, v7, v7;
	_ =	sdelay $0xd  }
0x96: {  	v6, v7, vm1 =	vpop (xrf1)  }
0x97: {  	v6 =	vshrl.u32 v6, $0xE  }
0x98: {  	v6 =	vnsel vm1, $0xFFFFFFF9, v6  }
0x99: {  	v62 =	vperm.xlane v6, v5;
	_ =	sdelay $0x1  }
0x9a: {  	vm2 =	vne.s32 v6, v62  }
0x9b: {  	v63 =	vsub.s32 v6, v0;
	vm2 =	vmor vm2, vm0  }
0x9c: {  	v8 =	vand.u32 $0xFFFFFF80, v63;
	v6 =	vand.u32 $0x7F, v6;
	vm1 =	vmand vm1, vm2  }
0x9d: {  	v6 =	vor.u32 v6, v8;
	_ =	sdelay $0x3  }
0x9e: {  	v7 =	vand.u32 $0x3FFF, v7  }
0x9f: {  	[tilespmem:v6+s17+$0x0] =	vst.idx.msk vm1, v7  }
.LBB2_12:
0xa0: {  	s0 =	rddreg [dreg:$0xb];
	s26 =	simm.s32 $0x7  }
0xa1: {  	[spmem:s0] =	stream.linear.scatter [tilespmem:s17], [sflag:$0x7], $0x2000, $0x38;
	[tilespmem:$0x1F900] =	vst v63  }
0xa2: {  	_ =	swait.ge [sflag:s26], $0x2000  }
0xa3: {  	[sflag:s26] =	ssyncset.done $0x0  }
0xa4: {  	[sflag:s26] =	ssyncadd.s32 $0xFFFFE000  }
0xa5: {  	[bflag:$0x0] =	sbarrier.arrive $0xFFFF  }
0xa6: {  	s25 =	simm.s32 $0x0;
	s28 =	rddreg [dreg:$0xc]  }
0xa7: {  	[tilespmem:s25], [sflag:$0x6] =	stream.linear.gather [hbm4b:s28+s25], $0x2EE0, $0x38;
	[tilespmem:$0x1F900] =	vst v63  }
0xa8: {  	s1 =	simm.s32 $0x2F00;
	s30 =	simm.s32 $0x5;
	s29 =	rddreg [dreg:$0xd]  }
0xa9: {  	[tilespmem:s1], [sflag:$0x6] =	stream.linear.gather [hbm4b:s29+s25], $0x2EE0, $0x38;
	[tilespmem:$0x1F900] =	vst v63  }
0xaa: {  	_ =	swait.ge [sflag:s30], $0xBBC0  }
0xab: {  	[sflag:s30] =	ssyncset.done $0x0  }
0xac: {  	[sflag:s30] =	ssyncadd.s32 $0xFFFF4440  }
0xad: {  	s31 =	simm.s32 $0x16900;
	s15 =	simm.s32 $0x0;
	s0 =	rddreg [dreg:$0x2]  }
0xae: {  	[tilespmem:s31], [sflag:$0x1] =	stream.linear.gather [spmem:s0], $0x800, $0x38;
	[tilespmem:$0x1F900] =	vst v63  }
.LBB2_13:
0xaf: {  	p0 =	seq.s32 s15, $0x3F  }
0xb0: {  	s23 =	sand.u32 $0x1, s15;
	s0 =	sadd.s32 @!p0 $0x1, s15  }
0xb1: {  	s2 =	rddreg [dreg:$0x2];
	s1 =	sand.u32 @!p0 $0x1, s0;
	s0 =	sshll.u32 @!p0 s0, $0xB  }
0xb2: {  	s22 =	sadd.s32 $0x1, s23;
	s4 =	sshll.u32 @!p0 s1, $0xB;
	s0 =	sand.u32 @!p0 $0x3FFFF800, s0  }
0xb3: {  	s1 =	sadd.s32 @!p0 $0x1, s1;
	s4 =	sadd.s32 @!p0 $0x16900, s4;
	s0 =	sadd.s32 @!p0 s0, s2  }
0xb4: {  	[tilespmem:s4], [sflag:s1] =	stream.linear.gather @!p0 [spmem:s0], $0x800, $0x38;
	[tilespmem:$0x1F900] =	vst v63  }
0xb5: {  	s19 =	sshll.u32 s23, $0xD;
	_ =	swait.ge [sflag:s22], $0x800  }
0xb6: {  	s24 =	sshrl.u32 s19, $0x2;
	p0 =	slt.u32 s15, $0x2;
	[sflag:s22] =	ssyncset.done $0x0  }
0xb7: {  	s1 =	sadd.s32 $0x16900, s24;
	s0 =	sadd.s32 @!p0 $0x3, s23;
	[sflag:s22] =	ssyncadd.s32 $0xFFFFF800  }
0xb8: {  	_ =	swait.ge @!p0 [sflag:s0], $0x2000;
	[dreg:$0x4] =	wrdreg s1  }
0xb9: {  	s29 =	sand.u32 $0x780, s25;
	s20 =	sand.u32 $0x40, s25;
	s1 =	rddreg [dreg:$0x4]  }
0xba: {  	s28 =	sor.u32 $0x30, s20;
	[sflag:s0] =	ssyncset.done @!p0 $0x0;
	s1 =	sadd.s32 s29, s1  }
0xbb: {  	[sflag:s0] =	ssyncadd.s32 @!p0 $0xFFFFE000;
	s26 =	sadd.s32 s28, s1  }
0xbc: {  	s13 =	sor.u32 $0x10, s20;
	s2 =	sadd.s32 s20, s1;
	v7 =	vld [tilespmem:s26+$0x0]  }
0xbd: {  	s14 =	sor.u32 $0x20, s20;
	s5 =	sadd.s32 s13, s1;
	v8 =	vld [tilespmem:s2+$0x0]  }
0xbe: {  	s1 =	sadd.s32 s14, s1;
	v9 =	vld [tilespmem:s5+$0x0]  }
0xbf: {  	v10 =	vld [tilespmem:s1+$0x0];
	_ =	sdelay $0x4  }
0xc0: {  	s21 =	simm.s32 $0x40;
	v6 =	vld.idx.msk [tilespmem:v7+s16+$0x0], $0xffff  }
0xc1: {  	s30 =	sand.u32 $0x780, s21;
	s10 =	rddreg [dreg:$0x4];
	v12 =	vadd.s32 $0x2EF0, v7;
	v11 =	vld.idx.msk [tilespmem:v8+s16+$0x0], $0xffff  }
0xc2: {  	s8 =	sadd.s32 $0x17900, s19;
	s24 =	sand.u32 $0x40, s21;
	s1 =	sadd.s32 s30, s10;
	v13 =	vadd.s32 $0x2EF0, v8;
	v14 =	vld.idx.msk [tilespmem:v9+s16+$0x0], $0xffff  }
0xc3: {  	s6 =	sadd.s32 s29, s8;
	s18 =	sor.u32 $0x30, s24;
	s26 =	sadd.s32 s24, s1;
	v15 =	vadd.s32 $0x2EF0, v9;
	v16 =	vld.idx.msk [tilespmem:v10+s16+$0x0], $0xffff  }
0xc4: {  	s7 =	sadd.s32 s28, s6;
	s12 =	sadd.s32 s18, s1;
	v18 =	vld [tilespmem:s26+$0x0];
	v17 =	vadd.s32 $0x2EF0, v10  }
0xc5: {  	s9 =	sadd.s32 s20, s6;
	[tilespmem:s7+$0x0] =	vst v6;
	v6 =	vld [tilespmem:s12+$0x0]  }
0xc6: {  	s5 =	sadd.s32 s13, s6;
	[tilespmem:s9+$0x0] =	vst v11;
	v12 =	vld.idx.msk [tilespmem:v12+s16+$0x0], $0xffff  }
0xc7: {  	s0 =	sadd.s32 s14, s6;
	[tilespmem:s5+$0x0] =	vst v14;
	v11 =	vld.idx.msk [tilespmem:v13+s16+$0x0], $0xffff  }
0xc8: {  	[tilespmem:s0+$0x0] =	vst v16;
	s12 =	sor.u32 $0x10, s24;
	v13 =	vadd.s32 $0x5DE0, v7;
	v14 =	vld.idx.msk [tilespmem:v15+s16+$0x0], $0xffff  }
0xc9: {  	s31 =	sor.u32 $0x20, s24;
	s22 =	sor.u32 $0x18100, s19;
	v16 =	vadd.s32 $0x5DE0, v8;
	v15 =	vld.idx.msk [tilespmem:v17+s16+$0x0], $0xffff;
	s6 =	sadd.s32 s12, s1  }
0xca: {  	s4 =	sadd.s32 s29, s22;
	v17 =	vadd.s32 $0x5DE0, v9;
	s1 =	sadd.s32 s31, s1;
	v19 =	vld [tilespmem:s6+$0x0]  }
0xcb: {  	s2 =	sadd.s32 s28, s4;
	v23 =	vld [tilespmem:s1+$0x0]  }
0xcc: {  	v22 =	vld.idx.msk [tilespmem:v18+s16+$0x0], $0xffff;
	s7 =	sadd.s32 s20, s4;
	[tilespmem:s2+$0x0] =	vst v12;
	v12 =	vadd.s32 $0x5DE0, v10  }
0xcd: {  	s9 =	sadd.s32 s13, s4;
	[tilespmem:s7+$0x0] =	vst v11;
	v13 =	vld.idx.msk [tilespmem:v13+s16+$0x0], $0xffff  }
0xce: {  	[tilespmem:s9+$0x0] =	vst v14;
	v11 =	vld.idx.msk [tilespmem:v16+s16+$0x0], $0xffff  }
0xcf: {  	s10 =	sor.u32 $0x18900, s19;
	s26 =	sadd.s32 s14, s4;
	v7 =	vadd.s32 $0x8CD0, v7;
	v14 =	vld.idx.msk [tilespmem:v17+s16+$0x0], $0xffff  }
0xd0: {  	[tilespmem:s26+$0x0] =	vst v15;
	s2 =	sadd.s32 s29, s10;
	v17 =	vadd.s32 $0x8CD0, v8;
	v24 =	vld.idx.msk [tilespmem:v6+s16+$0x0], $0xffff  }
0xd1: {  	v25 =	vadd.s32 $0x8CD0, v9;
	s4 =	sadd.s32 s28, s2;
	v12 =	vld.idx.msk [tilespmem:v12+s16+$0x0], $0xffff  }
0xd2: {  	s5 =	sadd.s32 s20, s2;
	v20 =	vld.idx.msk [tilespmem:v19+s16+$0x0], $0xffff;
	[tilespmem:s4+$0x0] =	vst v13  }
0xd3: {  	s7 =	sadd.s32 s30, s8;
	s6 =	sadd.s32 s13, s2;
	v8 =	vadd.s32 $0x8CD0, v18;
	v16 =	vadd.s32 $0x2EF0, v19;
	v21 =	vld.idx.msk [tilespmem:v23+s16+$0x0], $0xffff;
	[tilespmem:s5+$0x0] =	vst v11  }
0xd4: {  	s19 =	sor.u32 $0x19100, s19;
	s26 =	simm.s32 $0x4;
	v9 =	vadd.s32 $0x8CD0, v19;
	s9 =	sadd.s32 s18, s7;
	v13 =	vadd.s32 $0x2EF0, v18;
	[tilespmem:s6+$0x0] =	vst v14;
	v11 =	vadd.s32 $0x5DE0, v19;
	v15 =	vld.idx.msk [tilespmem:v7+s16+$0x0], $0xffff  }
0xd5: {  	s29 =	sadd.s32 s29, s19;
	s0 =	sadd.s32 s14, s2;
	s1 =	sadd.s32 s12, s7;
	v14 =	vadd.s32 $0x8CD0, v23;
	v7 =	vadd.s32 $0x8CD0, v10;
	v10 =	vadd.s32 $0x5DE0, v18;
	v19 =	vld.idx.msk [tilespmem:v17+s16+$0x0], $0xffff;
	[tilespmem:s9+$0x0] =	vst v24  }
0xd6: {  	s28 =	sadd.s32 s28, s29;
	s4 =	sadd.s32 s24, s7;
	v18 =	vadd.s32 $0x2EF0, v23;
	v17 =	vld.idx.msk [tilespmem:v25+s16+$0x0], $0xffff;
	[tilespmem:s0+$0x0] =	vst v12;
	v12 =	vadd.s32 $0x5DE0, v23;
	v23 =	vadd.s32 $0x2EF0, v6;
	s0 =	sadd.s32 s31, s7  }
.LBB2_14:
0xd7: {  	_ =	sdelay $0x3  }
0xd8: {  	v23 =	vld.idx.msk [tilespmem:v23+s16+$0x0], $0xffff;
	[tilespmem:s4+$0x0] =	vst v22  }
0xd9: {  	s21 =	sadd.s32 $0x40, s21;
	v13 =	vld.idx.msk [tilespmem:v13+s16+$0x0], $0xffff;
	[tilespmem:s1+$0x0] =	vst v20  }
0xda: {  	s5 =	rddreg [dreg:$0x4];
	s4 =	sadd.s32 s13, s29;
	s13 =	sand.u32 $0x780, s21;
	[tilespmem:s28+$0x0] =	vst v15;
	v15 =	vld.idx.msk [tilespmem:v7+s16+$0x0], $0xffff  }
0xdb: {  	s20 =	sadd.s32 s20, s29;
	s5 =	sadd.s32 s13, s5;
	v7 =	vmov v14;
	s28 =	sand.u32 $0x40, s21;
	v14 =	vadd.s32 $0x5DE0, v6;
	v16 =	vld.idx.msk [tilespmem:v16+s16+$0x0], $0xffff;
	[tilespmem:s0+$0x0] =	vst v21  }
0xdc: {  	s1 =	sadd.s32 s14, s29;
	[tilespmem:s20+$0x0] =	vst v19;
	s29 =	sor.u32 $0x30, s28;
	v18 =	vld.idx.msk [tilespmem:v18+s16+$0x0], $0xffff;
	s6 =	sadd.s32 s28, s5  }
0xdd: {  	s9 =	sadd.s32 s30, s22;
	[tilespmem:s4+$0x0] =	vst v17;
	s14 =	sor.u32 $0x10, s28;
	s7 =	sadd.s32 s29, s5;
	v17 =	vld [tilespmem:s6+$0x0]  }
0xde: {  	s2 =	sadd.s32 s14, s5;
	v19 =	vld [tilespmem:s7+$0x0];
	s7 =	sadd.s32 s18, s9  }
0xdf: {  	s20 =	sadd.s32 s24, s9;
	v20 =	vld [tilespmem:s2+$0x0];
	[tilespmem:s7+$0x0] =	vst v23  }
0xe0: {  	s0 =	sor.u32 $0x20, s28;
	[tilespmem:s20+$0x0] =	vst v13;
	v14 =	vld.idx.msk [tilespmem:v14+s16+$0x0], $0xffff  }
0xe1: {  	s4 =	sadd.s32 s0, s5;
	s6 =	sadd.s32 s12, s9;
	[tilespmem:s1+$0x0] =	vst v15;
	v24 =	vld.idx.msk [tilespmem:v10+s16+$0x0], $0xffff  }
0xe2: {  	s9 =	sadd.s32 s31, s9;
	[tilespmem:s6+$0x0] =	vst v16;
	v21 =	vld [tilespmem:s4+$0x0]  }
0xe3: {  	s26 =	sadd.s32 $0x4, s26;
	[tilespmem:s9+$0x0] =	vst v18;
	v26 =	vld.idx.msk [tilespmem:v11+s16+$0x0], $0xffff  }
0xe4: {  	p0 =	slt.u32 s26, $0x7C;
	s2 =	smov.u32 s18;
	s1 =	smov.u32 s30;
	v15 =	vadd.s32 $0x8CD0, v6;
	v27 =	vld.idx.msk [tilespmem:v12+s16+$0x0], $0xffff  }
0xe5: {  	s18 =	smov.u32 s29;
	s20 =	smov.u32 s24;
	s6 =	sadd.s32 s1, s10;
	v22 =	vld.idx.msk [tilespmem:v17+s16+$0x0], $0xffff  }
0xe6: {  	s30 =	smov.u32 s13;
	s13 =	smov.u32 s12;
	s7 =	sadd.s32 s20, s6;
	v29 =	vld.idx.msk [tilespmem:v19+s16+$0x0], $0xffff  }
.Ltmp6:
0xe7: {  	s12 =	smov.u32 s14;
	s9 =	sadd.s32 s2, s6;
	v16 =	vadd.s32 $0x2EF0, v20;
	v11 =	vadd.s32 $0x5DE0, v20;
	v28 =	vadd.s32 $0x8CD0, v20;
	[tilespmem:s7+$0x0] =	vst v24;
	v20 =	vld.idx.msk [tilespmem:v20+s16+$0x0], $0xffff;
	(pc) =	sbr.rel @p0 .LBB2_14-.Ltmp6, $4  }
0xe8: {  	s14 =	smov.u32 s31;
	s31 =	smov.u32 s0;
	s5 =	sadd.s32 s13, s6;
	v6 =	vmov v19;
	[tilespmem:s9+$0x0] =	vst v14;
	v19 =	vld.idx.msk [tilespmem:v8+s16+$0x0], $0xffff  }
0xe9: {  	s29 =	sadd.s32 s1, s19;
	v25 =	vadd.s32 $0x8CD0, v17;
	s0 =	sadd.s32 s14, s6;
	s7 =	sadd.s32 s30, s8;
	[tilespmem:s5+$0x0] =	vst v26;
	v15 =	vld.idx.msk [tilespmem:v15+s16+$0x0], $0xffff  }
0xea: {  	s24 =	smov.u32 s28;
	s28 =	sadd.s32 s2, s29;
	v18 =	vadd.s32 $0x2EF0, v21;
	v12 =	vadd.s32 $0x5DE0, v21;
	v14 =	vadd.s32 $0x8CD0, v21;
	s9 =	sadd.s32 s18, s7;
	v21 =	vld.idx.msk [tilespmem:v21+s16+$0x0], $0xffff;
	[tilespmem:s0+$0x0] =	vst v27  }
0xeb: {  	v13 =	vadd.s32 $0x2EF0, v17;
	v10 =	vadd.s32 $0x5DE0, v17;
	v23 =	vadd.s32 $0x2EF0, v6;
	s4 =	sadd.s32 s24, s7;
	v8 =	vmovc v25;
	s1 =	sadd.s32 s12, s7;
	v17 =	vld.idx.msk [tilespmem:v9+s16+$0x0], $0xffff;
	v9 =	vmovc v28;
	s0 =	sadd.s32 s31, s7;
	[tilespmem:s9+$0x0] =	vst v29  }
0xec: {  	_ =	sdelay $0x3  }
0xed: {  	v23 =	vld.idx.msk [tilespmem:v23+s16+$0x0], $0xffff;
	[tilespmem:s4+$0x0] =	vst v22  }
0xee: {  	[tilespmem:s1+$0x0] =	vst v20;
	v62 =	vadd.s32 $0x5DE0, v6;
	v13 =	vld.idx.msk [tilespmem:v13+s16+$0x0], $0xffff  }
0xef: {  	v16 =	vld.idx.msk [tilespmem:v16+s16+$0x0], $0xffff;
	[tilespmem:s0+$0x0] =	vst v21  }
0xf0: {  	s9 =	sadd.s32 s30, s22;
	v18 =	vld.idx.msk [tilespmem:v18+s16+$0x0], $0xffff  }
0xf1: {  	s21 =	sadd.s32 s18, s9  }
0xf2: {  	s2 =	sadd.s32 s24, s9;
	[tilespmem:s21+$0x0] =	vst v23  }
0xf3: {  	s26 =	sadd.s32 s12, s9;
	v20 =	vld.idx.msk [tilespmem:v62+s16+$0x0], $0xffff;
	[tilespmem:s2+$0x0] =	vst v13  }
0xf4: {  	v6 =	vadd.s32 $0x8CD0, v6;
	s0 =	sadd.s32 s31, s9;
	[tilespmem:s26+$0x0] =	vst v16;
	v10 =	vld.idx.msk [tilespmem:v10+s16+$0x0], $0xffff  }
0xf5: {  	v11 =	vld.idx.msk [tilespmem:v11+s16+$0x0], $0xffff;
	[tilespmem:s0+$0x0] =	vst v18  }
0xf6: {  	s4 =	sadd.s32 s30, s10;
	[tilespmem:s28+$0x0] =	vst v15;
	s9 =	sadd.s32 s13, s29;
	v12 =	vld.idx.msk [tilespmem:v12+s16+$0x0], $0xffff  }
0xf7: {  	v7 =	vld.idx.msk [tilespmem:v7+s16+$0x0], $0xffff;
	s5 =	sadd.s32 s18, s4;
	[tilespmem:s9+$0x0] =	vst v17  }
0xf8: {  	s6 =	sadd.s32 s24, s4;
	[tilespmem:s5+$0x0] =	vst v20  }
0xf9: {  	s7 =	sadd.s32 s12, s4;
	v6 =	vld.idx.msk [tilespmem:v6+s16+$0x0], $0xffff;
	[tilespmem:s6+$0x0] =	vst v10  }
0xfa: {  	s1 =	sadd.s32 s31, s4;
	[tilespmem:s7+$0x0] =	vst v11;
	v8 =	vld.idx.msk [tilespmem:v8+s16+$0x0], $0xffff  }
0xfb: {  	s13 =	sadd.s32 s14, s29;
	v9 =	vld.idx.msk [tilespmem:v9+s16+$0x0], $0xffff;
	[tilespmem:s1+$0x0] =	vst v12  }
0xfc: {  	s14 =	sadd.s32 s30, s19;
	[tilespmem:s13+$0x0] =	vst v7;
	s2 =	sadd.s32 s20, s29;
	v63 =	vld.idx.msk [tilespmem:v14+s16+$0x0], $0xffff  }
0xfd: {  	s20 =	sadd.s32 s18, s14;
	[tilespmem:s2+$0x0] =	vst v19  }
0xfe: {  	s21 =	sadd.s32 s24, s14;
	[tilespmem:s20+$0x0] =	vst v6  }
0xff: {  	s26 =	sadd.s32 s12, s14;
	[tilespmem:s21+$0x0] =	vst v8  }
0x100: {  	s24 =	sshll.u32 s15, $0xB;
	s0 =	sadd.s32 s31, s14;
	[tilespmem:s26+$0x0] =	vst v9  }
0x101: {  	s1 =	sadd.s32 s11, s24;
	[tilespmem:s0+$0x0] =	vst v63  }
0x102: {  	s28 =	sadd.s32 $0x3, s23;
	s1 =	sshrl.u32 s1, $0x3;
	s2 =	rddreg [dreg:$0x9]  }
0x103: {  	s15 =	sadd.s32 $0x1, s15;
	s29 =	rddreg [dreg:$0xe];
	s2 =	sadd.s32 s2, s1  }
0x104: {  	[hbm4b:s2+s3] =	stream.linear.scatter [tilespmem:s8], [sflag:s28], $0x800, $0x38;
	[tilespmem:$0x1F900] =	vst v63  }
0x105: {  	p0 =	sne.s32 s15, $0x40;
	s2 =	sadd.s32 s1, s29  }
0x106: {  	[hbm4b:s2+s3] =	stream.linear.scatter [tilespmem:s22], [sflag:s28], $0x800, $0x38;
	[tilespmem:$0x1F900] =	vst v63  }
.Ltmp7:
0x107: {  	s30 =	rddreg [dreg:$0xf];
	(pc) =	sbr.rel @p0 .LBB2_13-.Ltmp7, $4  }
0x108: {  	s31 =	rddreg [dreg:$0x10];
	s2 =	sadd.s32 s1, s30  }
0x109: {  	[hbm4b:s2+s3] =	stream.linear.scatter [tilespmem:s10], [sflag:s28], $0x800, $0x38;
	[tilespmem:$0x1F900] =	vst v63  }
0x10a: {  	s1 =	sadd.s32 s1, s31  }
0x10b: {  	[hbm4b:s1+s3] =	stream.linear.scatter [tilespmem:s19], [sflag:s28], $0x800, $0x38;
	[tilespmem:$0x1F900] =	vst v63  }
0x10c: {  	s0 =	simm.s32 $0x3  }
0x10d: {  	_ =	swait.ge [sflag:s0], $0x2000  }
0x10e: {  	[sflag:s0] =	ssyncset.done $0x0  }
0x10f: {  	s29 =	simm.s32 $0x4;
	[sflag:s0] =	ssyncadd.s32 $0xFFFFE000  }
0x110: {  	_ =	swait.ge [sflag:s29], $0x2000  }
0x111: {  	[sflag:s29] =	ssyncset.done $0x0  }
0x112: {  	s30 =	simm.s32 $0x6;
	[sflag:s29] =	ssyncadd.s32 $0xFFFFE000  }
0x113: {  	_ =	swait.ge [sflag:s30], $0x2EE0  }
0x114: {  	[sflag:s30] =	ssyncset.done $0x0  }
0x115: {  	[sflag:s30] =	ssyncadd.s32 $0xFFFFD120  }
0x116: {  	_ =	swait.ge [sflag:s30], $0x2EE0  }
0x117: {  	s8 =	simm.s32 $0x0;
	[sflag:s30] =	ssyncset.done $0x0  }
0x118: {  	s0 =	simm.s32 $0x0;
	s31 =	rddreg [dreg:$0x11];
	[sflag:s30] =	ssyncadd.s32 $0xFFFFD120  }
0x119: {  	[tilespmem:s16], [sflag:$0x5] =	stream.linear.gather [hbm4b:s31+s8], $0xBBC0, $0x38;
	[tilespmem:$0x1F900] =	vst v63  }
.LBB2_17:
0x11a: {  	p0 =	sne.s32 s0, $0x7FC0  }
.Ltmp8:
0x11b: {  	_ = 	snop;
	(pc) =	sbr.rel @p0 .LBB2_17-.Ltmp8, $3  }
0x11c: {  	_ =	sdelay $0x1  }
0x11d: {  	s1 =	sshra.s32 s0, $0x2  }
0x11e: {  	s0 =	sadd.s32 $0x40, s0;
	[tilespmem:s1+$0x5E00] =	vst v2  }
0x11f: {  	s0 =	simm.s32 $0x2F00;
	v7 =	vld [tilespmem:s8+$0x0]  }
0x120: {  	v6 =	vld [tilespmem:s0+$0x0];
	_ =	sdelay $0x4  }
0x121: {  	v8 =	vor.u32 v7, v6;
	v7 =	vshll.u32 v7, $0x9  }
0x122: {  	vm1 =	vlt.u32 v8, $0x200;
	v6 =	vadd.s32 v6, v7  }
0x123: {  	v6 =	vnsel vm1, $0xFFFFFFFF, v6  }
0x124: {  	vm1 =	vge.s32 v6, v0;
	vm2 =	vlt.s32 v6, v1  }
0x125: {  	vm1 =	vmand vm1, vm2  }
0x126: {  	v7 =	vsel vm1, $0x1, v4  }
0x127: {  	(xrf0) =	vadd.scan.msk.s32 $0xffff, v7;
	_ =	sdelay $0x2  }
0x128: {  	v6 =	vshll.u32 v6, $0xE  }
0x129: {  	v6 =	vadd.s32 s8, v6  }
0x12a: {  	v6 =	vadd.s32 v3, v6  }
0x12b: {  	s12 =	simm.s32 $0x2F10;
	[tilespmem:s8+$0x7E00] =	vst.msk vm1, v6;
	v7, _, _ =	vpop (xrf0)  }
0x12c: {  	s10 =	simm.s32 $0x10;
	v6 =	vld [tilespmem:s12+$0x0];
	(v2sf) =	vpush v7, $0xF  }
0x12d: {  	s13 =	simm.s32 $0x20;
	s14 =	simm.s32 $0x10;
	v7 =	vld [tilespmem:s10+$0x0]  }
.LBB2_19:
0x12e: {  	p0 =	sne.s32 s13, $0x2ED0;
	_ =	sdelay $0x3  }
0x12f: {  	v8 =	vor.u32 v7, v6;
	v7 =	vshll.u32 v7, $0x9  }
0x130: {  	vm1 =	vlt.u32 v8, $0x200;
	v6 =	vadd.s32 v6, v7  }
0x131: {  	v6 =	vnsel vm1, $0xFFFFFFFF, v6  }
0x132: {  	vm1 =	vge.s32 v6, v0;
	vm2 =	vlt.s32 v6, v1;
	v6 =	vshll.u32 v6, $0xE  }
0x133: {  	vm1 =	vmand vm1, vm2  }
0x134: {  	v7 =	vsel vm1, $0x1, v4  }
0x135: {  	(xrf0) =	vadd.scan.msk.s32 $0xffff, v7;
	_ =	sdelay $0x2  }
0x136: {  	v6 =	vadd.s32 s10, v6;
	s10 =	smov.u32 s13;
	s0 =	spop (v2sf)  }
.Ltmp9:
0x137: {  	v6 =	vadd.s32 v3, v6;
	s8 =	sadd.s32 s8, s0;
	(pc) =	sbr.rel @p0 .LBB2_19-.Ltmp9, $4  }
0x138: {  	[tilespmem:s8+$0x7E00] =	vst.msk vm1, v6  }
0x139: {  	s12 =	sadd.s32 $0x10, s12;
	v7, _, _ =	vpop (xrf0)  }
0x13a: {  	s14 =	sadd.s32 $0x10, s14;
	v6 =	vld [tilespmem:s12+$0x0];
	(v2sf) =	vpush v7, $0xF  }
0x13b: {  	s13 =	sadd.s32 $0x10, s13;
	v7 =	vld [tilespmem:s14+$0x0]  }
0x13c: {  	_ =	sdelay $0x3  }
0x13d: {  	v8 =	vor.u32 v7, v6;
	v7 =	vshll.u32 v7, $0x9  }
0x13e: {  	vm1 =	vlt.u32 v8, $0x200;
	v6 =	vadd.s32 v6, v7  }
0x13f: {  	v6 =	vnsel vm1, $0xFFFFFFFF, v6  }
0x140: {  	vm1 =	vge.s32 v6, v0;
	vm2 =	vlt.s32 v6, v1  }
0x141: {  	vm1 =	vmand vm1, vm2  }
0x142: {  	v7 =	vsel vm1, $0x1, v4  }
0x143: {  	(xrf0) =	vadd.scan.msk.s32 $0xffff, v7;
	_ =	sdelay $0x5  }
0x144: {  	v7, _, _ =	vpop (xrf0)  }
0x145: {  	(v2sf) =	vpush v7, $0xF;
	_ =	sdelay $0xd  }
0x146: {  	s0 =	spop (v2sf)  }
0x147: {  	s2 =	sadd.s32 s8, s0;
	s31 =	spop (v2sf)  }
0x148: {  	s0 =	sadd.s32 s2, s31  }
0x149: {  	s1 =	sadd.s32 $0xF, s0  }
0x14a: {  	s1 =	sshra.s32 s1, $0x4  }
0x14b: {  	p0 =	slt.s32 s1, $0x1  }
.Ltmp10:
0x14c: {  	_ = 	snop;
	(pc) =	sbr.rel @p0 .LBB2_27-.Ltmp10, $4  }
0x14d: {  	v6 =	vshll.u32 v6, $0xE  }
0x14e: {  	v6 =	vadd.s32 s10, v6  }
0x14f: {  	v6 =	vadd.s32 v3, v6  }
0x150: {  	[tilespmem:s2+$0x7E00] =	vst.msk vm1, v6  }
0x151: {  	p1 =	sne.s32 s1, $0x1  }
.Ltmp11:
0x152: {  	_ = 	snop;
	(pc) =	sbr.rel @!p1 .LBB2_22-.Ltmp11, $3  }
0x153: {  	_ =	sdelay $0x1  }
0x154: {  	s2 =	simm.s32 $0x7E00  }
0x155: {  	v6 =	vmov s0;
	s8 =	simm.s32 $0x0;
	s0 =	sadd.s32 $0xFFFFFFFF, s1;
	p0 =	por $0x0, $0x0;
	v7 =	vld [tilespmem:s2+$0x0]  }
0x156: {  	_ =	sdelay $0x1  }
0x157: {  	v8 =	vor.u32 s8, v3  }
0x158: {  	vm1 =	vlt.s32 v8, v6  }
0x159: {  	(xrf1) =	vsort.ascd.msk.u32 vm1, v7, v7;
	_ =	sdelay $0xd  }
0x15a: {  	v7, v8, vm1 =	vpop (xrf1)  }
0x15b: {  	v7 =	vshrl.u32 v7, $0xE  }
0x15c: {  	v7 =	vnsel vm1, $0xFFFFFFF9, v7  }
0x15d: {  	v9 =	vperm.xlane v7, v5;
	_ =	sdelay $0x1  }
0x15e: {  	vm2 =	vne.s32 v7, v9  }
0x15f: {  	v63 =	vsub.s32 v7, v0;
	vm2 =	vmor vm2, vm0  }
0x160: {  	v9 =	vand.u32 $0xFFFFFF80, v63;
	v7 =	vand.u32 $0x7F, v7;
	vm1 =	vmand vm1, vm2  }
0x161: {  	v7 =	vor.u32 v7, v9  }
0x162: {  	p1 =	sne.s32 s0, $0x1  }
.Ltmp12:
0x163: {  	_ = 	snop;
	(pc) =	sbr.rel @!p1 .LBB2_24-.Ltmp12, $4  }
0x164: {  	_ = 	snop  }
0x165: {  	v8 =	vand.u32 $0x3FFF, v8  }
0x166: {  	s12 =	simm.s32 $0x7E10;
	[tilespmem:v7+s17+$0x0] =	vst.idx.msk vm1, v8  }
0x167: {  	s13 =	sadd.s32 $0xFFFFFFFF, s0;
	p0 =	por $0x1, $0x1;
	s10 =	simm.s32 $0x0;
	v7 =	vld [tilespmem:s12+$0x0]  }
.LBB2_25:
0x168: {  	p1 =	sne.s32 s13, $0x1  }
0x169: {  	s10 =	sadd.s32 $0x10, s10  }
0x16a: {  	v8 =	vor.u32 s10, v3  }
0x16b: {  	vm1 =	vlt.s32 v8, v6  }
0x16c: {  	(xrf1) =	vsort.ascd.msk.u32 vm1, v7, v7;
	_ =	sdelay $0xd  }
0x16d: {  	v7, v8, vm1 =	vpop (xrf1)  }
0x16e: {  	v7 =	vshrl.u32 v7, $0xE  }
0x16f: {  	v7 =	vnsel vm1, $0xFFFFFFF9, v7  }
0x170: {  	v9 =	vperm.xlane v7, v5;
	_ =	sdelay $0x1  }
0x171: {  	vm2 =	vne.s32 v7, v9  }
0x172: {  	v9 =	vsub.s32 v7, v0;
	vm2 =	vmor vm2, vm0  }
0x173: {  	v7 =	vand.u32 $0x7F, v7;
	v9 =	vand.u32 $0xFFFFFF80, v9;
	vm1 =	vmand vm1, vm2  }
0x174: {  	v7 =	vor.u32 v7, v9;
	_ =	sdelay $0x1  }
.Ltmp13:
0x175: {  	(pc) =	sbr.rel @p1 .LBB2_25-.Ltmp13, $4  }
0x176: {  	_ = 	snop  }
0x177: {  	v8 =	vand.u32 $0x3FFF, v8  }
0x178: {  	s12 =	sadd.s32 $0x10, s12;
	[tilespmem:v7+s17+$0x0] =	vst.idx.msk vm1, v8  }
0x179: {  	s13 =	sadd.s32 $0xFFFFFFFF, s13;
	v7 =	vld [tilespmem:s12+$0x0]  }
.LBB2_26:
0x17a: {  	s0 =	sadd.s32 @p0 $0x10, s10  }
0x17b: {  	s8 =	smov.u32 @p0 s0  }
0x17c: {  	v8 =	vor.u32 s8, v3  }
0x17d: {  	vm1 =	vlt.s32 v8, v6  }
0x17e: {  	(xrf1) =	vsort.ascd.msk.u32 vm1, v7, v7;
	_ =	sdelay $0xd  }
0x17f: {  	v6, v7, vm1 =	vpop (xrf1)  }
0x180: {  	v6 =	vshrl.u32 v6, $0xE  }
0x181: {  	v6 =	vnsel vm1, $0xFFFFFFF9, v6  }
0x182: {  	v62 =	vperm.xlane v6, v5;
	_ =	sdelay $0x1  }
0x183: {  	vm2 =	vne.s32 v6, v62  }
0x184: {  	v63 =	vsub.s32 v6, v0;
	vm2 =	vmor vm2, vm0  }
0x185: {  	v8 =	vand.u32 $0xFFFFFF80, v63;
	v6 =	vand.u32 $0x7F, v6;
	vm1 =	vmand vm1, vm2  }
0x186: {  	v6 =	vor.u32 v6, v8;
	_ =	sdelay $0x3  }
0x187: {  	v7 =	vand.u32 $0x3FFF, v7  }
0x188: {  	[tilespmem:v6+s17+$0x0] =	vst.idx.msk vm1, v7  }
.LBB2_27:
0x189: {  	s0 =	rddreg [dreg:$0x14];
	s25 =	simm.s32 $0x7  }
0x18a: {  	[spmem:s0] =	stream.linear.scatter [tilespmem:s17], [sflag:$0x7], $0x2000, $0x38;
	[tilespmem:$0x1F900] =	vst v63  }
0x18b: {  	_ =	swait.ge [sflag:s25], $0x2000  }
0x18c: {  	[sflag:s25] =	ssyncset.done $0x0  }
0x18d: {  	[sflag:s25] =	ssyncadd.s32 $0xFFFFE000  }
0x18e: {  	[bflag:$0x0] =	sbarrier.arrive $0xFFFF  }
0x18f: {  	s25 =	simm.s32 $0x0;
	s26 =	rddreg [dreg:$0x18]  }
0x190: {  	[tilespmem:s25], [sflag:$0x6] =	stream.linear.gather [hbm4b:s26+s25], $0x2EE0, $0x38;
	[tilespmem:$0x1F900] =	vst v63  }
0x191: {  	s1 =	simm.s32 $0x2F00;
	s29 =	simm.s32 $0x5;
	s28 =	rddreg [dreg:$0x1a]  }
0x192: {  	[tilespmem:s1], [sflag:$0x6] =	stream.linear.gather [hbm4b:s28+s25], $0x2EE0, $0x38;
	[tilespmem:$0x1F900] =	vst v63  }
0x193: {  	_ =	swait.ge [sflag:s29], $0xBBC0  }
0x194: {  	s31 =	simm.s32 $0x16900;
	[sflag:s29] =	ssyncset.done $0x0  }
0x195: {  	s15 =	simm.s32 $0x0;
	s30 =	rddreg [dreg:$0x1b];
	[sflag:s29] =	ssyncadd.s32 $0xFFFF4440  }
0x196: {  	[tilespmem:s31], [sflag:$0x1] =	stream.linear.gather [spmem:s30], $0x800, $0x38;
	[tilespmem:$0x1F900] =	vst v63  }
.LBB2_28:
0x197: {  	p0 =	seq.s32 s15, $0x3F  }
0x198: {  	s0 =	sadd.s32 @!p0 $0x1, s15  }
0x199: {  	s23 =	sand.u32 $0x1, s15;
	s1 =	sshll.u32 @!p0 s0, $0xB  }
0x19a: {  	s4 =	rddreg [dreg:$0x2];
	s0 =	sand.u32 @!p0 $0x1, s0;
	s1 =	sand.u32 @!p0 $0x3FFFF800, s1  }
0x19b: {  	s21 =	sadd.s32 $0x1, s23;
	s2 =	sshll.u32 @!p0 s0, $0xB;
	s1 =	sadd.s32 @!p0 s1, s4  }
0x19c: {  	s0 =	sadd.s32 @!p0 $0x1, s0;
	s2 =	sadd.s32 @!p0 $0x16900, s2;
	s1 =	sadd.s32 @!p0 $0x20000, s1  }
0x19d: {  	[tilespmem:s2], [sflag:s0] =	stream.linear.gather @!p0 [spmem:s1], $0x800, $0x38;
	[tilespmem:$0x1F900] =	vst v63  }
0x19e: {  	s14 =	sshll.u32 s23, $0xD;
	_ =	swait.ge [sflag:s21], $0x800  }
0x19f: {  	s22 =	sshrl.u32 s14, $0x2;
	p0 =	slt.u32 s15, $0x2;
	[sflag:s21] =	ssyncset.done $0x0  }
0x1a0: {  	s1 =	sadd.s32 $0x16900, s22;
	s0 =	sadd.s32 @!p0 $0x3, s23;
	[sflag:s21] =	ssyncadd.s32 $0xFFFFF800  }
0x1a1: {  	_ =	swait.ge @!p0 [sflag:s0], $0x2000;
	[dreg:$0x5] =	wrdreg s1  }
0x1a2: {  	s29 =	sand.u32 $0x780, s25;
	s20 =	sand.u32 $0x40, s25;
	s1 =	rddreg [dreg:$0x5]  }
0x1a3: {  	s28 =	sor.u32 $0x30, s20;
	[sflag:s0] =	ssyncset.done @!p0 $0x0;
	s1 =	sadd.s32 s29, s1  }
0x1a4: {  	[sflag:s0] =	ssyncadd.s32 @!p0 $0xFFFFE000;
	s24 =	sadd.s32 s28, s1  }
0x1a5: {  	s13 =	sor.u32 $0x10, s20;
	s26 =	sadd.s32 s20, s1;
	v7 =	vld [tilespmem:s24+$0x0]  }
0x1a6: {  	s19 =	sor.u32 $0x20, s20;
	s4 =	sadd.s32 s13, s1;
	v8 =	vld [tilespmem:s26+$0x0]  }
0x1a7: {  	s1 =	sadd.s32 s19, s1;
	v9 =	vld [tilespmem:s4+$0x0]  }
0x1a8: {  	v10 =	vld [tilespmem:s1+$0x0];
	_ =	sdelay $0x4  }
0x1a9: {  	s21 =	simm.s32 $0x40;
	v6 =	vld.idx.msk [tilespmem:v7+s16+$0x0], $0xffff  }
0x1aa: {  	s30 =	sand.u32 $0x780, s21;
	s9 =	rddreg [dreg:$0x5];
	v12 =	vadd.s32 $0x2EF0, v7;
	v11 =	vld.idx.msk [tilespmem:v8+s16+$0x0], $0xffff  }
0x1ab: {  	s8 =	sadd.s32 $0x17900, s14;
	s24 =	sand.u32 $0x40, s21;
	s1 =	sadd.s32 s30, s9;
	v13 =	vadd.s32 $0x2EF0, v8;
	v14 =	vld.idx.msk [tilespmem:v9+s16+$0x0], $0xffff  }
0x1ac: {  	s5 =	sadd.s32 s29, s8;
	s18 =	sor.u32 $0x30, s24;
	s26 =	sadd.s32 s24, s1;
	v15 =	vadd.s32 $0x2EF0, v9;
	v16 =	vld.idx.msk [tilespmem:v10+s16+$0x0], $0xffff  }
0x1ad: {  	s6 =	sadd.s32 s28, s5;
	s12 =	sadd.s32 s18, s1;
	v18 =	vld [tilespmem:s26+$0x0];
	v17 =	vadd.s32 $0x2EF0, v10  }
0x1ae: {  	s7 =	sadd.s32 s20, s5;
	[tilespmem:s6+$0x0] =	vst v6;
	v6 =	vld [tilespmem:s12+$0x0]  }
0x1af: {  	s10 =	sadd.s32 s13, s5;
	[tilespmem:s7+$0x0] =	vst v11;
	v12 =	vld.idx.msk [tilespmem:v12+s16+$0x0], $0xffff  }
0x1b0: {  	s0 =	sadd.s32 s19, s5;
	[tilespmem:s10+$0x0] =	vst v14;
	v11 =	vld.idx.msk [tilespmem:v13+s16+$0x0], $0xffff  }
0x1b1: {  	[tilespmem:s0+$0x0] =	vst v16;
	s12 =	sor.u32 $0x10, s24;
	v13 =	vadd.s32 $0x5DE0, v7;
	v14 =	vld.idx.msk [tilespmem:v15+s16+$0x0], $0xffff  }
0x1b2: {  	s22 =	sor.u32 $0x18100, s14;
	s31 =	sor.u32 $0x20, s24;
	v16 =	vadd.s32 $0x5DE0, v8;
	v15 =	vld.idx.msk [tilespmem:v17+s16+$0x0], $0xffff;
	s6 =	sadd.s32 s12, s1  }
0x1b3: {  	s2 =	sadd.s32 s29, s22;
	v17 =	vadd.s32 $0x5DE0, v9;
	s1 =	sadd.s32 s31, s1;
	v19 =	vld [tilespmem:s6+$0x0]  }
0x1b4: {  	s5 =	sadd.s32 s28, s2;
	v23 =	vld [tilespmem:s1+$0x0]  }
0x1b5: {  	v22 =	vld.idx.msk [tilespmem:v18+s16+$0x0], $0xffff;
	s7 =	sadd.s32 s20, s2;
	[tilespmem:s5+$0x0] =	vst v12;
	v12 =	vadd.s32 $0x5DE0, v10  }
0x1b6: {  	s9 =	sadd.s32 s13, s2;
	[tilespmem:s7+$0x0] =	vst v11;
	v13 =	vld.idx.msk [tilespmem:v13+s16+$0x0], $0xffff  }
0x1b7: {  	[tilespmem:s9+$0x0] =	vst v14;
	v11 =	vld.idx.msk [tilespmem:v16+s16+$0x0], $0xffff  }
0x1b8: {  	s26 =	sadd.s32 s19, s2;
	s10 =	sor.u32 $0x18900, s14;
	v7 =	vadd.s32 $0x8CD0, v7;
	v14 =	vld.idx.msk [tilespmem:v17+s16+$0x0], $0xffff  }
0x1b9: {  	s2 =	sadd.s32 s29, s10;
	[tilespmem:s26+$0x0] =	vst v15;
	v17 =	vadd.s32 $0x8CD0, v8;
	v24 =	vld.idx.msk [tilespmem:v6+s16+$0x0], $0xffff  }
0x1ba: {  	v25 =	vadd.s32 $0x8CD0, v9;
	s4 =	sadd.s32 s28, s2;
	v12 =	vld.idx.msk [tilespmem:v12+s16+$0x0], $0xffff  }
0x1bb: {  	s5 =	sadd.s32 s20, s2;
	v20 =	vld.idx.msk [tilespmem:v19+s16+$0x0], $0xffff;
	[tilespmem:s4+$0x0] =	vst v13  }
0x1bc: {  	s14 =	sor.u32 $0x19100, s14;
	s6 =	sadd.s32 s13, s2;
	s7 =	sadd.s32 s30, s8;
	v8 =	vadd.s32 $0x8CD0, v18;
	v16 =	vadd.s32 $0x2EF0, v19;
	v21 =	vld.idx.msk [tilespmem:v23+s16+$0x0], $0xffff;
	[tilespmem:s5+$0x0] =	vst v11  }
0x1bd: {  	s29 =	sadd.s32 s29, s14;
	v9 =	vadd.s32 $0x8CD0, v19;
	s9 =	sadd.s32 s18, s7;
	v13 =	vadd.s32 $0x2EF0, v18;
	[tilespmem:s6+$0x0] =	vst v14;
	v11 =	vadd.s32 $0x5DE0, v19;
	v15 =	vld.idx.msk [tilespmem:v7+s16+$0x0], $0xffff  }
0x1be: {  	s0 =	sadd.s32 s19, s2;
	s1 =	sadd.s32 s28, s29;
	s26 =	simm.s32 $0x4;
	v14 =	vadd.s32 $0x8CD0, v23;
	v7 =	vadd.s32 $0x8CD0, v10;
	v10 =	vadd.s32 $0x5DE0, v18;
	v19 =	vld.idx.msk [tilespmem:v17+s16+$0x0], $0xffff;
	[tilespmem:s9+$0x0] =	vst v24  }
0x1bf: {  	s4 =	sadd.s32 s24, s7;
	s5 =	sadd.s32 s12, s7;
	v18 =	vadd.s32 $0x2EF0, v23;
	v17 =	vld.idx.msk [tilespmem:v25+s16+$0x0], $0xffff;
	[tilespmem:s0+$0x0] =	vst v12;
	v12 =	vadd.s32 $0x5DE0, v23;
	v23 =	vadd.s32 $0x2EF0, v6;
	s0 =	sadd.s32 s31, s7  }
.LBB2_29:
0x1c0: {  	_ =	sdelay $0x3  }
0x1c1: {  	v23 =	vld.idx.msk [tilespmem:v23+s16+$0x0], $0xffff;
	[tilespmem:s4+$0x0] =	vst v22  }
0x1c2: {  	s21 =	sadd.s32 $0x40, s21;
	v13 =	vld.idx.msk [tilespmem:v13+s16+$0x0], $0xffff;
	[tilespmem:s5+$0x0] =	vst v20  }
0x1c3: {  	s2 =	rddreg [dreg:$0x5];
	s7 =	sand.u32 $0x40, s21;
	s4 =	sand.u32 $0x780, s21;
	[tilespmem:s1+$0x0] =	vst v15;
	v15 =	vld.idx.msk [tilespmem:v7+s16+$0x0], $0xffff  }
0x1c4: {  	s5 =	sadd.s32 s19, s29;
	s2 =	sadd.s32 s4, s2;
	s19 =	sor.u32 $0x30, s7;
	v7 =	vmov v14;
	v14 =	vadd.s32 $0x5DE0, v6;
	v16 =	vld.idx.msk [tilespmem:v16+s16+$0x0], $0xffff;
	[tilespmem:s0+$0x0] =	vst v21  }
0x1c5: {  	s6 =	sadd.s32 s20, s29;
	s1 =	sadd.s32 s13, s29;
	s13 =	sadd.s32 s19, s2;
	v18 =	vld.idx.msk [tilespmem:v18+s16+$0x0], $0xffff  }
0x1c6: {  	s20 =	sadd.s32 s30, s22;
	s9 =	sor.u32 $0x10, s7;
	[tilespmem:s6+$0x0] =	vst v19;
	s6 =	sadd.s32 s7, s2;
	v19 =	vld [tilespmem:s13+$0x0]  }
0x1c7: {  	s0 =	sor.u32 $0x20, s7;
	s28 =	sadd.s32 s9, s2;
	s13 =	sadd.s32 s18, s20;
	[tilespmem:s1+$0x0] =	vst v17;
	v17 =	vld [tilespmem:s6+$0x0]  }
0x1c8: {  	s1 =	sadd.s32 s0, s2;
	s2 =	sadd.s32 s24, s20;
	[tilespmem:s13+$0x0] =	vst v23;
	v20 =	vld [tilespmem:s28+$0x0]  }
0x1c9: {  	[tilespmem:s2+$0x0] =	vst v13;
	v14 =	vld.idx.msk [tilespmem:v14+s16+$0x0], $0xffff  }
0x1ca: {  	s6 =	sadd.s32 s12, s20;
	[tilespmem:s5+$0x0] =	vst v15;
	v24 =	vld.idx.msk [tilespmem:v10+s16+$0x0], $0xffff  }
0x1cb: {  	s26 =	sadd.s32 $0x4, s26;
	s29 =	sadd.s32 s31, s20;
	[tilespmem:s6+$0x0] =	vst v16;
	v21 =	vld [tilespmem:s1+$0x0]  }
0x1cc: {  	p0 =	slt.u32 s26, $0x7C;
	v15 =	vadd.s32 $0x8CD0, v6;
	[tilespmem:s29+$0x0] =	vst v18;
	v26 =	vld.idx.msk [tilespmem:v11+s16+$0x0], $0xffff  }
0x1cd: {  	s20 =	smov.u32 s24;
	s24 =	smov.u32 s7;
	s5 =	smov.u32 s30;
	v27 =	vld.idx.msk [tilespmem:v12+s16+$0x0], $0xffff  }
0x1ce: {  	s13 =	smov.u32 s12;
	s1 =	smov.u32 s18;
	s6 =	sadd.s32 s5, s10;
	v29 =	vld.idx.msk [tilespmem:v19+s16+$0x0], $0xffff  }
0x1cf: {  	s12 =	smov.u32 s9;
	s30 =	smov.u32 s4;
	s7 =	sadd.s32 s1, s6;
	v22 =	vld.idx.msk [tilespmem:v17+s16+$0x0], $0xffff  }
.Ltmp14:
0x1d0: {  	s18 =	smov.u32 s19;
	s9 =	sadd.s32 s20, s6;
	v16 =	vadd.s32 $0x2EF0, v20;
	v11 =	vadd.s32 $0x5DE0, v20;
	v28 =	vadd.s32 $0x8CD0, v20;
	[tilespmem:s7+$0x0] =	vst v14;
	v20 =	vld.idx.msk [tilespmem:v20+s16+$0x0], $0xffff;
	(pc) =	sbr.rel @p0 .LBB2_29-.Ltmp14, $4  }
0x1d1: {  	s19 =	smov.u32 s31;
	s31 =	smov.u32 s0;
	s28 =	sadd.s32 s13, s6;
	[tilespmem:s9+$0x0] =	vst v24;
	v15 =	vld.idx.msk [tilespmem:v15+s16+$0x0], $0xffff  }
0x1d2: {  	v6 =	vmov v19;
	v25 =	vadd.s32 $0x8CD0, v17;
	s29 =	sadd.s32 s5, s14;
	s0 =	sadd.s32 s19, s6;
	s9 =	sadd.s32 s30, s8;
	[tilespmem:s28+$0x0] =	vst v26;
	v19 =	vld.idx.msk [tilespmem:v8+s16+$0x0], $0xffff  }
0x1d3: {  	s1 =	sadd.s32 s1, s29;
	v18 =	vadd.s32 $0x2EF0, v21;
	v12 =	vadd.s32 $0x5DE0, v21;
	v14 =	vadd.s32 $0x8CD0, v21;
	s28 =	sadd.s32 s18, s9;
	v21 =	vld.idx.msk [tilespmem:v21+s16+$0x0], $0xffff;
	[tilespmem:s0+$0x0] =	vst v27  }
0x1d4: {  	v13 =	vadd.s32 $0x2EF0, v17;
	v10 =	vadd.s32 $0x5DE0, v17;
	v23 =	vadd.s32 $0x2EF0, v6;
	s4 =	sadd.s32 s24, s9;
	v8 =	vmovc v25;
	s5 =	sadd.s32 s12, s9;
	v17 =	vld.idx.msk [tilespmem:v9+s16+$0x0], $0xffff;
	v9 =	vmovc v28;
	s0 =	sadd.s32 s31, s9;
	[tilespmem:s28+$0x0] =	vst v29  }
0x1d5: {  	_ =	sdelay $0x3  }
0x1d6: {  	[tilespmem:s4+$0x0] =	vst v22;
	v60 =	vld.idx.msk [tilespmem:v23+s16+$0x0], $0xffff  }
0x1d7: {  	[tilespmem:s5+$0x0] =	vst v20;
	v61 =	vadd.s32 $0x5DE0, v6;
	v13 =	vld.idx.msk [tilespmem:v13+s16+$0x0], $0xffff  }
0x1d8: {  	v16 =	vld.idx.msk [tilespmem:v16+s16+$0x0], $0xffff;
	[tilespmem:s0+$0x0] =	vst v21  }
0x1d9: {  	s9 =	sadd.s32 s30, s22;
	v18 =	vld.idx.msk [tilespmem:v18+s16+$0x0], $0xffff  }
0x1da: {  	s2 =	sadd.s32 s18, s9  }
0x1db: {  	s21 =	sadd.s32 s24, s9;
	[tilespmem:s2+$0x0] =	vst v60  }
0x1dc: {  	s26 =	sadd.s32 s12, s9;
	[tilespmem:s21+$0x0] =	vst v13;
	v62 =	vld.idx.msk [tilespmem:v61+s16+$0x0], $0xffff  }
0x1dd: {  	v6 =	vadd.s32 $0x8CD0, v6;
	s0 =	sadd.s32 s31, s9;
	[tilespmem:s26+$0x0] =	vst v16;
	v10 =	vld.idx.msk [tilespmem:v10+s16+$0x0], $0xffff  }
0x1de: {  	v11 =	vld.idx.msk [tilespmem:v11+s16+$0x0], $0xffff;
	[tilespmem:s0+$0x0] =	vst v18  }
0x1df: {  	s28 =	sadd.s32 s20, s29;
	[tilespmem:s1+$0x0] =	vst v15;
	s2 =	sadd.s32 s30, s10;
	v12 =	vld.idx.msk [tilespmem:v12+s16+$0x0], $0xffff  }
0x1e0: {  	[tilespmem:s28+$0x0] =	vst v19;
	s4 =	sadd.s32 s18, s2  }
0x1e1: {  	v7 =	vld.idx.msk [tilespmem:v7+s16+$0x0], $0xffff;
	s5 =	sadd.s32 s24, s2;
	[tilespmem:s4+$0x0] =	vst v62  }
0x1e2: {  	s6 =	sadd.s32 s12, s2;
	[tilespmem:s5+$0x0] =	vst v10;
	v6 =	vld.idx.msk [tilespmem:v6+s16+$0x0], $0xffff  }
0x1e3: {  	s7 =	sadd.s32 s31, s2;
	[tilespmem:s6+$0x0] =	vst v11;
	v8 =	vld.idx.msk [tilespmem:v8+s16+$0x0], $0xffff  }
0x1e4: {  	s9 =	sadd.s32 s13, s29;
	v9 =	vld.idx.msk [tilespmem:v9+s16+$0x0], $0xffff;
	[tilespmem:s7+$0x0] =	vst v12  }
0x1e5: {  	s13 =	sadd.s32 s19, s29;
	s19 =	sadd.s32 s30, s14;
	[tilespmem:s9+$0x0] =	vst v17;
	v63 =	vld.idx.msk [tilespmem:v14+s16+$0x0], $0xffff  }
0x1e6: {  	s20 =	sadd.s32 s18, s19;
	[tilespmem:s13+$0x0] =	vst v7  }
0x1e7: {  	s21 =	sadd.s32 s24, s19;
	[tilespmem:s20+$0x0] =	vst v6  }
0x1e8: {  	s26 =	sadd.s32 s12, s19;
	[tilespmem:s21+$0x0] =	vst v8  }
0x1e9: {  	s24 =	sshll.u32 s15, $0xB;
	s0 =	sadd.s32 s31, s19;
	s2 =	rddreg [dreg:$0x15];
	[tilespmem:s26+$0x0] =	vst v9  }
0x1ea: {  	s28 =	sadd.s32 $0x3, s23;
	s15 =	sadd.s32 $0x1, s15;
	s2 =	sadd.s32 s2, s24;
	[tilespmem:s0+$0x0] =	vst v63  }
0x1eb: {  	s1 =	sadd.s32 s11, s24;
	s2 =	sshrl.u32 s2, $0x3;
	s4 =	rddreg [dreg:$0x9]  }
0x1ec: {  	s1 =	sshrl.u32 s1, $0x3;
	s29 =	rddreg [dreg:$0x1c];
	s2 =	sadd.s32 s4, s2  }
0x1ed: {  	[hbm4b:s2+s3] =	stream.linear.scatter [tilespmem:s8], [sflag:s28], $0x800, $0x38;
	[tilespmem:$0x1F900] =	vst v63  }
0x1ee: {  	p0 =	sne.s32 s15, $0x40;
	s2 =	sadd.s32 s1, s29  }
0x1ef: {  	[hbm4b:s2+s3] =	stream.linear.scatter [tilespmem:s22], [sflag:s28], $0x800, $0x38;
	[tilespmem:$0x1F900] =	vst v63  }
.Ltmp15:
0x1f0: {  	s30 =	rddreg [dreg:$0x1d];
	(pc) =	sbr.rel @p0 .LBB2_28-.Ltmp15, $4  }
0x1f1: {  	s31 =	rddreg [dreg:$0x1e];
	s2 =	sadd.s32 s1, s30  }
0x1f2: {  	[hbm4b:s2+s3] =	stream.linear.scatter [tilespmem:s10], [sflag:s28], $0x800, $0x38;
	[tilespmem:$0x1F900] =	vst v63  }
0x1f3: {  	s1 =	sadd.s32 s1, s31  }
0x1f4: {  	[hbm4b:s1+s3] =	stream.linear.scatter [tilespmem:s14], [sflag:s28], $0x800, $0x38;
	[tilespmem:$0x1F900] =	vst v63  }
0x1f5: {  	s0 =	simm.s32 $0x3  }
0x1f6: {  	_ =	swait.ge [sflag:s0], $0x2000  }
0x1f7: {  	[sflag:s0] =	ssyncset.done $0x0  }
0x1f8: {  	s29 =	simm.s32 $0x4;
	[sflag:s0] =	ssyncadd.s32 $0xFFFFE000  }
0x1f9: {  	_ =	swait.ge [sflag:s29], $0x2000  }
0x1fa: {  	[sflag:s29] =	ssyncset.done $0x0  }
0x1fb: {  	s30 =	simm.s32 $0x6;
	[sflag:s29] =	ssyncadd.s32 $0xFFFFE000  }
0x1fc: {  	_ =	swait.ge [sflag:s30], $0x2EE0  }
0x1fd: {  	[sflag:s30] =	ssyncset.done $0x0  }
0x1fe: {  	[sflag:s30] =	ssyncadd.s32 $0xFFFFD120  }
0x1ff: {  	_ =	swait.ge [sflag:s30], $0x2EE0  }
0x200: {  	s8 =	simm.s32 $0x0;
	[sflag:s30] =	ssyncset.done $0x0  }
0x201: {  	s0 =	simm.s32 $0x0;
	s31 =	rddreg [dreg:$0x12];
	[sflag:s30] =	ssyncadd.s32 $0xFFFFD120  }
0x202: {  	[tilespmem:s16], [sflag:$0x5] =	stream.linear.gather [hbm4b:s31+s8], $0xBBC0, $0x38;
	[tilespmem:$0x1F900] =	vst v63  }
.LBB2_32:
0x203: {  	p0 =	sne.s32 s0, $0x7FC0  }
.Ltmp16:
0x204: {  	_ = 	snop;
	(pc) =	sbr.rel @p0 .LBB2_32-.Ltmp16, $3  }
0x205: {  	_ =	sdelay $0x1  }
0x206: {  	s1 =	sshra.s32 s0, $0x2  }
0x207: {  	s0 =	sadd.s32 $0x40, s0;
	[tilespmem:s1+$0x5E00] =	vst v2  }
0x208: {  	s0 =	simm.s32 $0x2F00;
	v7 =	vld [tilespmem:s8+$0x0]  }
0x209: {  	v6 =	vld [tilespmem:s0+$0x0];
	_ =	sdelay $0x4  }
0x20a: {  	v8 =	vor.u32 v7, v6;
	v7 =	vshll.u32 v7, $0x9  }
0x20b: {  	vm1 =	vlt.u32 v8, $0x200;
	v6 =	vadd.s32 v6, v7  }
0x20c: {  	v6 =	vnsel vm1, $0xFFFFFFFF, v6  }
0x20d: {  	vm1 =	vge.s32 v6, v0;
	vm2 =	vlt.s32 v6, v1  }
0x20e: {  	vm1 =	vmand vm1, vm2  }
0x20f: {  	v7 =	vsel vm1, $0x1, v4  }
0x210: {  	(xrf0) =	vadd.scan.msk.s32 $0xffff, v7;
	_ =	sdelay $0x2  }
0x211: {  	v6 =	vshll.u32 v6, $0xE  }
0x212: {  	v6 =	vadd.s32 s8, v6  }
0x213: {  	v6 =	vadd.s32 v3, v6  }
0x214: {  	s12 =	simm.s32 $0x2F10;
	[tilespmem:s8+$0x7E00] =	vst.msk vm1, v6;
	v7, _, _ =	vpop (xrf0)  }
0x215: {  	s10 =	simm.s32 $0x10;
	v6 =	vld [tilespmem:s12+$0x0];
	(v2sf) =	vpush v7, $0xF  }
0x216: {  	s13 =	simm.s32 $0x20;
	s14 =	simm.s32 $0x10;
	v7 =	vld [tilespmem:s10+$0x0]  }
.LBB2_34:
0x217: {  	p0 =	sne.s32 s13, $0x2ED0;
	_ =	sdelay $0x3  }
0x218: {  	v8 =	vor.u32 v7, v6;
	v7 =	vshll.u32 v7, $0x9  }
0x219: {  	vm1 =	vlt.u32 v8, $0x200;
	v6 =	vadd.s32 v6, v7  }
0x21a: {  	v6 =	vnsel vm1, $0xFFFFFFFF, v6  }
0x21b: {  	vm1 =	vge.s32 v6, v0;
	vm2 =	vlt.s32 v6, v1;
	v6 =	vshll.u32 v6, $0xE  }
0x21c: {  	vm1 =	vmand vm1, vm2  }
0x21d: {  	v7 =	vsel vm1, $0x1, v4  }
0x21e: {  	(xrf0) =	vadd.scan.msk.s32 $0xffff, v7;
	_ =	sdelay $0x2  }
0x21f: {  	v6 =	vadd.s32 s10, v6;
	s10 =	smov.u32 s13;
	s0 =	spop (v2sf)  }
.Ltmp17:
0x220: {  	v6 =	vadd.s32 v3, v6;
	s8 =	sadd.s32 s8, s0;
	(pc) =	sbr.rel @p0 .LBB2_34-.Ltmp17, $4  }
0x221: {  	[tilespmem:s8+$0x7E00] =	vst.msk vm1, v6  }
0x222: {  	s12 =	sadd.s32 $0x10, s12;
	v7, _, _ =	vpop (xrf0)  }
0x223: {  	s14 =	sadd.s32 $0x10, s14;
	v6 =	vld [tilespmem:s12+$0x0];
	(v2sf) =	vpush v7, $0xF  }
0x224: {  	s13 =	sadd.s32 $0x10, s13;
	v7 =	vld [tilespmem:s14+$0x0]  }
0x225: {  	_ =	sdelay $0x3  }
0x226: {  	v8 =	vor.u32 v7, v6;
	v7 =	vshll.u32 v7, $0x9  }
0x227: {  	vm1 =	vlt.u32 v8, $0x200;
	v6 =	vadd.s32 v6, v7  }
0x228: {  	v6 =	vnsel vm1, $0xFFFFFFFF, v6  }
0x229: {  	vm1 =	vge.s32 v6, v0;
	vm2 =	vlt.s32 v6, v1  }
0x22a: {  	vm1 =	vmand vm1, vm2  }
0x22b: {  	v7 =	vsel vm1, $0x1, v4  }
0x22c: {  	(xrf0) =	vadd.scan.msk.s32 $0xffff, v7;
	_ =	sdelay $0x5  }
0x22d: {  	v7, _, _ =	vpop (xrf0)  }
0x22e: {  	(v2sf) =	vpush v7, $0xF;
	_ =	sdelay $0xd  }
0x22f: {  	s0 =	spop (v2sf)  }
0x230: {  	s2 =	sadd.s32 s8, s0;
	s31 =	spop (v2sf)  }
0x231: {  	s0 =	sadd.s32 s2, s31  }
0x232: {  	s1 =	sadd.s32 $0xF, s0  }
0x233: {  	s1 =	sshra.s32 s1, $0x4  }
0x234: {  	p0 =	slt.s32 s1, $0x1  }
.Ltmp18:
0x235: {  	_ = 	snop;
	(pc) =	sbr.rel @p0 .LBB2_42-.Ltmp18, $4  }
0x236: {  	v6 =	vshll.u32 v6, $0xE  }
0x237: {  	v6 =	vadd.s32 s10, v6  }
0x238: {  	v6 =	vadd.s32 v3, v6  }
0x239: {  	[tilespmem:s2+$0x7E00] =	vst.msk vm1, v6  }
0x23a: {  	p1 =	sne.s32 s1, $0x1  }
.Ltmp19:
0x23b: {  	_ = 	snop;
	(pc) =	sbr.rel @!p1 .LBB2_37-.Ltmp19, $3  }
0x23c: {  	_ =	sdelay $0x1  }
0x23d: {  	s2 =	simm.s32 $0x7E00  }
0x23e: {  	v6 =	vmov s0;
	s8 =	simm.s32 $0x0;
	s0 =	sadd.s32 $0xFFFFFFFF, s1;
	p0 =	por $0x0, $0x0;
	v7 =	vld [tilespmem:s2+$0x0]  }
0x23f: {  	_ =	sdelay $0x1  }
0x240: {  	v8 =	vor.u32 s8, v3  }
0x241: {  	vm1 =	vlt.s32 v8, v6  }
0x242: {  	(xrf1) =	vsort.ascd.msk.u32 vm1, v7, v7;
	_ =	sdelay $0xd  }
0x243: {  	v7, v8, vm1 =	vpop (xrf1)  }
0x244: {  	v7 =	vshrl.u32 v7, $0xE  }
0x245: {  	v7 =	vnsel vm1, $0xFFFFFFF9, v7  }
0x246: {  	v9 =	vperm.xlane v7, v5;
	_ =	sdelay $0x1  }
0x247: {  	vm2 =	vne.s32 v7, v9  }
0x248: {  	v63 =	vsub.s32 v7, v0;
	vm2 =	vmor vm2, vm0  }
0x249: {  	v9 =	vand.u32 $0xFFFFFF80, v63;
	v7 =	vand.u32 $0x7F, v7;
	vm1 =	vmand vm1, vm2  }
0x24a: {  	v7 =	vor.u32 v7, v9  }
0x24b: {  	p1 =	sne.s32 s0, $0x1  }
.Ltmp20:
0x24c: {  	_ = 	snop;
	(pc) =	sbr.rel @!p1 .LBB2_39-.Ltmp20, $4  }
0x24d: {  	_ = 	snop  }
0x24e: {  	v8 =	vand.u32 $0x3FFF, v8  }
0x24f: {  	s12 =	simm.s32 $0x7E10;
	[tilespmem:v7+s17+$0x0] =	vst.idx.msk vm1, v8  }
0x250: {  	s13 =	sadd.s32 $0xFFFFFFFF, s0;
	p0 =	por $0x1, $0x1;
	s10 =	simm.s32 $0x0;
	v7 =	vld [tilespmem:s12+$0x0]  }
.LBB2_40:
0x251: {  	p1 =	sne.s32 s13, $0x1  }
0x252: {  	s10 =	sadd.s32 $0x10, s10  }
0x253: {  	v8 =	vor.u32 s10, v3  }
0x254: {  	vm1 =	vlt.s32 v8, v6  }
0x255: {  	(xrf1) =	vsort.ascd.msk.u32 vm1, v7, v7;
	_ =	sdelay $0xd  }
0x256: {  	v7, v8, vm1 =	vpop (xrf1)  }
0x257: {  	v7 =	vshrl.u32 v7, $0xE  }
0x258: {  	v7 =	vnsel vm1, $0xFFFFFFF9, v7  }
0x259: {  	v9 =	vperm.xlane v7, v5;
	_ =	sdelay $0x1  }
0x25a: {  	vm2 =	vne.s32 v7, v9  }
0x25b: {  	v9 =	vsub.s32 v7, v0;
	vm2 =	vmor vm2, vm0  }
0x25c: {  	v7 =	vand.u32 $0x7F, v7;
	v9 =	vand.u32 $0xFFFFFF80, v9;
	vm1 =	vmand vm1, vm2  }
0x25d: {  	v7 =	vor.u32 v7, v9;
	_ =	sdelay $0x1  }
.Ltmp21:
0x25e: {  	(pc) =	sbr.rel @p1 .LBB2_40-.Ltmp21, $4  }
0x25f: {  	_ = 	snop  }
0x260: {  	v8 =	vand.u32 $0x3FFF, v8  }
0x261: {  	s12 =	sadd.s32 $0x10, s12;
	[tilespmem:v7+s17+$0x0] =	vst.idx.msk vm1, v8  }
0x262: {  	s13 =	sadd.s32 $0xFFFFFFFF, s13;
	v7 =	vld [tilespmem:s12+$0x0]  }
.LBB2_41:
0x263: {  	s0 =	sadd.s32 @p0 $0x10, s10  }
0x264: {  	s8 =	smov.u32 @p0 s0  }
0x265: {  	v8 =	vor.u32 s8, v3  }
0x266: {  	vm1 =	vlt.s32 v8, v6  }
0x267: {  	(xrf1) =	vsort.ascd.msk.u32 vm1, v7, v7;
	_ =	sdelay $0xd  }
0x268: {  	v6, v7, vm1 =	vpop (xrf1)  }
0x269: {  	v6 =	vshrl.u32 v6, $0xE  }
0x26a: {  	v6 =	vnsel vm1, $0xFFFFFFF9, v6  }
0x26b: {  	v62 =	vperm.xlane v6, v5;
	_ =	sdelay $0x1  }
0x26c: {  	vm2 =	vne.s32 v6, v62  }
0x26d: {  	v63 =	vsub.s32 v6, v0;
	vm2 =	vmor vm2, vm0  }
0x26e: {  	v8 =	vand.u32 $0xFFFFFF80, v63;
	v6 =	vand.u32 $0x7F, v6;
	vm1 =	vmand vm1, vm2  }
0x26f: {  	v6 =	vor.u32 v6, v8;
	_ =	sdelay $0x3  }
0x270: {  	v7 =	vand.u32 $0x3FFF, v7  }
0x271: {  	[tilespmem:v6+s17+$0x0] =	vst.idx.msk vm1, v7  }
.LBB2_42:
0x272: {  	s0 =	rddreg [dreg:$0xb];
	s26 =	simm.s32 $0x7  }
0x273: {  	[spmem:s0] =	stream.linear.scatter [tilespmem:s17], [sflag:$0x7], $0x2000, $0x38;
	[tilespmem:$0x1F900] =	vst v63  }
0x274: {  	_ =	swait.ge [sflag:s26], $0x2000  }
0x275: {  	[sflag:s26] =	ssyncset.done $0x0  }
0x276: {  	[sflag:s26] =	ssyncadd.s32 $0xFFFFE000  }
0x277: {  	[bflag:$0x0] =	sbarrier.arrive $0xFFFF  }
0x278: {  	s28 =	rddreg [dreg:$0x1f]  }
0x279: {  	s25 =	simm.s32 $0x0;
	s29 =	sld [smem:$0x7F7]  }
0x27a: {  	[tilespmem:s25], [sflag:$0x6] =	stream.linear.gather [hbm4b:s28+s25], $0x2EE0, $0x38;
	[tilespmem:$0x1F900] =	vst v63  }
0x27b: {  	s1 =	simm.s32 $0x2F00;
	s30 =	simm.s32 $0x5  }
0x27c: {  	[tilespmem:s1], [sflag:$0x6] =	stream.linear.gather [hbm4b:s29+s25], $0x2EE0, $0x38;
	[tilespmem:$0x1F900] =	vst v63  }
0x27d: {  	_ =	swait.ge [sflag:s30], $0xBBC0  }
0x27e: {  	[sflag:s30] =	ssyncset.done $0x0  }
0x27f: {  	[sflag:s30] =	ssyncadd.s32 $0xFFFF4440  }
0x280: {  	s31 =	simm.s32 $0x16900;
	s15 =	simm.s32 $0x0;
	s0 =	rddreg [dreg:$0x2]  }
0x281: {  	[tilespmem:s31], [sflag:$0x1] =	stream.linear.gather [spmem:s0], $0x800, $0x38;
	[tilespmem:$0x1F900] =	vst v63  }
.LBB2_43:
0x282: {  	p0 =	seq.s32 s15, $0x3F  }
0x283: {  	s23 =	sand.u32 $0x1, s15;
	s0 =	sadd.s32 @!p0 $0x1, s15  }
0x284: {  	s4 =	rddreg [dreg:$0x2];
	s1 =	sand.u32 @!p0 $0x1, s0;
	s0 =	sshll.u32 @!p0 s0, $0xB  }
0x285: {  	s21 =	sadd.s32 $0x1, s23;
	s2 =	sshll.u32 @!p0 s1, $0xB;
	s0 =	sand.u32 @!p0 $0x3FFFF800, s0  }
0x286: {  	s1 =	sadd.s32 @!p0 $0x1, s1;
	s2 =	sadd.s32 @!p0 $0x16900, s2;
	s0 =	sadd.s32 @!p0 s0, s4  }
0x287: {  	[tilespmem:s2], [sflag:s1] =	stream.linear.gather @!p0 [spmem:s0], $0x800, $0x38;
	[tilespmem:$0x1F900] =	vst v63  }
0x288: {  	s14 =	sshll.u32 s23, $0xD;
	_ =	swait.ge [sflag:s21], $0x800  }
0x289: {  	s22 =	sshrl.u32 s14, $0x2;
	p0 =	slt.u32 s15, $0x2;
	[sflag:s21] =	ssyncset.done $0x0  }
0x28a: {  	s1 =	sadd.s32 $0x16900, s22;
	s0 =	sadd.s32 @!p0 $0x3, s23;
	[sflag:s21] =	ssyncadd.s32 $0xFFFFF800  }
0x28b: {  	_ =	swait.ge @!p0 [sflag:s0], $0x2000;
	[dreg:$0x6] =	wrdreg s1  }
0x28c: {  	s29 =	sand.u32 $0x780, s25;
	s20 =	sand.u32 $0x40, s25;
	s1 =	rddreg [dreg:$0x6]  }
0x28d: {  	s28 =	sor.u32 $0x30, s20;
	[sflag:s0] =	ssyncset.done @!p0 $0x0;
	s1 =	sadd.s32 s29, s1  }
0x28e: {  	[sflag:s0] =	ssyncadd.s32 @!p0 $0xFFFFE000;
	s24 =	sadd.s32 s28, s1  }
0x28f: {  	s13 =	sor.u32 $0x10, s20;
	s26 =	sadd.s32 s20, s1;
	v7 =	vld [tilespmem:s24+$0x0]  }
0x290: {  	s19 =	sor.u32 $0x20, s20;
	s4 =	sadd.s32 s13, s1;
	v8 =	vld [tilespmem:s26+$0x0]  }
0x291: {  	s1 =	sadd.s32 s19, s1;
	v9 =	vld [tilespmem:s4+$0x0]  }
0x292: {  	v10 =	vld [tilespmem:s1+$0x0];
	_ =	sdelay $0x4  }
0x293: {  	s21 =	simm.s32 $0x40;
	v6 =	vld.idx.msk [tilespmem:v7+s16+$0x0], $0xffff  }
0x294: {  	s30 =	sand.u32 $0x780, s21;
	s9 =	rddreg [dreg:$0x6];
	v12 =	vadd.s32 $0x2EF0, v7;
	v11 =	vld.idx.msk [tilespmem:v8+s16+$0x0], $0xffff  }
0x295: {  	s8 =	sadd.s32 $0x17900, s14;
	s24 =	sand.u32 $0x40, s21;
	s1 =	sadd.s32 s30, s9;
	v13 =	vadd.s32 $0x2EF0, v8;
	v14 =	vld.idx.msk [tilespmem:v9+s16+$0x0], $0xffff  }
0x296: {  	s5 =	sadd.s32 s29, s8;
	s18 =	sor.u32 $0x30, s24;
	s26 =	sadd.s32 s24, s1;
	v15 =	vadd.s32 $0x2EF0, v9;
	v16 =	vld.idx.msk [tilespmem:v10+s16+$0x0], $0xffff  }
0x297: {  	s6 =	sadd.s32 s28, s5;
	s12 =	sadd.s32 s18, s1;
	v18 =	vld [tilespmem:s26+$0x0];
	v17 =	vadd.s32 $0x2EF0, v10  }
0x298: {  	s7 =	sadd.s32 s20, s5;
	[tilespmem:s6+$0x0] =	vst v6;
	v6 =	vld [tilespmem:s12+$0x0]  }
0x299: {  	s10 =	sadd.s32 s13, s5;
	[tilespmem:s7+$0x0] =	vst v11;
	v12 =	vld.idx.msk [tilespmem:v12+s16+$0x0], $0xffff  }
0x29a: {  	s0 =	sadd.s32 s19, s5;
	[tilespmem:s10+$0x0] =	vst v14;
	v11 =	vld.idx.msk [tilespmem:v13+s16+$0x0], $0xffff  }
0x29b: {  	[tilespmem:s0+$0x0] =	vst v16;
	s12 =	sor.u32 $0x10, s24;
	v13 =	vadd.s32 $0x5DE0, v7;
	v14 =	vld.idx.msk [tilespmem:v15+s16+$0x0], $0xffff  }
0x29c: {  	s22 =	sor.u32 $0x18100, s14;
	s31 =	sor.u32 $0x20, s24;
	v16 =	vadd.s32 $0x5DE0, v8;
	v15 =	vld.idx.msk [tilespmem:v17+s16+$0x0], $0xffff;
	s6 =	sadd.s32 s12, s1  }
0x29d: {  	s2 =	sadd.s32 s29, s22;
	v17 =	vadd.s32 $0x5DE0, v9;
	s1 =	sadd.s32 s31, s1;
	v19 =	vld [tilespmem:s6+$0x0]  }
0x29e: {  	s5 =	sadd.s32 s28, s2;
	v23 =	vld [tilespmem:s1+$0x0]  }
0x29f: {  	v22 =	vld.idx.msk [tilespmem:v18+s16+$0x0], $0xffff;
	s7 =	sadd.s32 s20, s2;
	[tilespmem:s5+$0x0] =	vst v12;
	v12 =	vadd.s32 $0x5DE0, v10  }
0x2a0: {  	s9 =	sadd.s32 s13, s2;
	[tilespmem:s7+$0x0] =	vst v11;
	v13 =	vld.idx.msk [tilespmem:v13+s16+$0x0], $0xffff  }
0x2a1: {  	[tilespmem:s9+$0x0] =	vst v14;
	v11 =	vld.idx.msk [tilespmem:v16+s16+$0x0], $0xffff  }
0x2a2: {  	s26 =	sadd.s32 s19, s2;
	s10 =	sor.u32 $0x18900, s14;
	v7 =	vadd.s32 $0x8CD0, v7;
	v14 =	vld.idx.msk [tilespmem:v17+s16+$0x0], $0xffff  }
0x2a3: {  	s2 =	sadd.s32 s29, s10;
	[tilespmem:s26+$0x0] =	vst v15;
	v17 =	vadd.s32 $0x8CD0, v8;
	v24 =	vld.idx.msk [tilespmem:v6+s16+$0x0], $0xffff  }
0x2a4: {  	v25 =	vadd.s32 $0x8CD0, v9;
	s4 =	sadd.s32 s28, s2;
	v12 =	vld.idx.msk [tilespmem:v12+s16+$0x0], $0xffff  }
0x2a5: {  	s5 =	sadd.s32 s20, s2;
	v20 =	vld.idx.msk [tilespmem:v19+s16+$0x0], $0xffff;
	[tilespmem:s4+$0x0] =	vst v13  }
0x2a6: {  	s14 =	sor.u32 $0x19100, s14;
	s6 =	sadd.s32 s13, s2;
	s7 =	sadd.s32 s30, s8;
	v8 =	vadd.s32 $0x8CD0, v18;
	v16 =	vadd.s32 $0x2EF0, v19;
	v21 =	vld.idx.msk [tilespmem:v23+s16+$0x0], $0xffff;
	[tilespmem:s5+$0x0] =	vst v11  }
0x2a7: {  	s29 =	sadd.s32 s29, s14;
	v9 =	vadd.s32 $0x8CD0, v19;
	s9 =	sadd.s32 s18, s7;
	v13 =	vadd.s32 $0x2EF0, v18;
	[tilespmem:s6+$0x0] =	vst v14;
	v11 =	vadd.s32 $0x5DE0, v19;
	v15 =	vld.idx.msk [tilespmem:v7+s16+$0x0], $0xffff  }
0x2a8: {  	s0 =	sadd.s32 s19, s2;
	s1 =	sadd.s32 s28, s29;
	s26 =	simm.s32 $0x4;
	v14 =	vadd.s32 $0x8CD0, v23;
	v7 =	vadd.s32 $0x8CD0, v10;
	v10 =	vadd.s32 $0x5DE0, v18;
	v19 =	vld.idx.msk [tilespmem:v17+s16+$0x0], $0xffff;
	[tilespmem:s9+$0x0] =	vst v24  }
0x2a9: {  	s4 =	sadd.s32 s24, s7;
	s5 =	sadd.s32 s12, s7;
	v18 =	vadd.s32 $0x2EF0, v23;
	v17 =	vld.idx.msk [tilespmem:v25+s16+$0x0], $0xffff;
	[tilespmem:s0+$0x0] =	vst v12;
	v12 =	vadd.s32 $0x5DE0, v23;
	v23 =	vadd.s32 $0x2EF0, v6;
	s0 =	sadd.s32 s31, s7  }
.LBB2_44:
0x2aa: {  	_ =	sdelay $0x3  }
0x2ab: {  	v23 =	vld.idx.msk [tilespmem:v23+s16+$0x0], $0xffff;
	[tilespmem:s4+$0x0] =	vst v22  }
0x2ac: {  	s21 =	sadd.s32 $0x40, s21;
	v13 =	vld.idx.msk [tilespmem:v13+s16+$0x0], $0xffff;
	[tilespmem:s5+$0x0] =	vst v20  }
0x2ad: {  	s2 =	rddreg [dreg:$0x6];
	s7 =	sand.u32 $0x40, s21;
	s4 =	sand.u32 $0x780, s21;
	[tilespmem:s1+$0x0] =	vst v15;
	v15 =	vld.idx.msk [tilespmem:v7+s16+$0x0], $0xffff  }
0x2ae: {  	s5 =	sadd.s32 s19, s29;
	s2 =	sadd.s32 s4, s2;
	s19 =	sor.u32 $0x30, s7;
	v7 =	vmov v14;
	v14 =	vadd.s32 $0x5DE0, v6;
	v16 =	vld.idx.msk [tilespmem:v16+s16+$0x0], $0xffff;
	[tilespmem:s0+$0x0] =	vst v21  }
0x2af: {  	s6 =	sadd.s32 s20, s29;
	s1 =	sadd.s32 s13, s29;
	s13 =	sadd.s32 s19, s2;
	v18 =	vld.idx.msk [tilespmem:v18+s16+$0x0], $0xffff  }
0x2b0: {  	s20 =	sadd.s32 s30, s22;
	s9 =	sor.u32 $0x10, s7;
	[tilespmem:s6+$0x0] =	vst v19;
	s6 =	sadd.s32 s7, s2;
	v19 =	vld [tilespmem:s13+$0x0]  }
0x2b1: {  	s0 =	sor.u32 $0x20, s7;
	s28 =	sadd.s32 s9, s2;
	s13 =	sadd.s32 s18, s20;
	[tilespmem:s1+$0x0] =	vst v17;
	v17 =	vld [tilespmem:s6+$0x0]  }
0x2b2: {  	s1 =	sadd.s32 s0, s2;
	s2 =	sadd.s32 s24, s20;
	[tilespmem:s13+$0x0] =	vst v23;
	v20 =	vld [tilespmem:s28+$0x0]  }
0x2b3: {  	[tilespmem:s2+$0x0] =	vst v13;
	v14 =	vld.idx.msk [tilespmem:v14+s16+$0x0], $0xffff  }
0x2b4: {  	s6 =	sadd.s32 s12, s20;
	[tilespmem:s5+$0x0] =	vst v15;
	v24 =	vld.idx.msk [tilespmem:v10+s16+$0x0], $0xffff  }
0x2b5: {  	s26 =	sadd.s32 $0x4, s26;
	s29 =	sadd.s32 s31, s20;
	[tilespmem:s6+$0x0] =	vst v16;
	v21 =	vld [tilespmem:s1+$0x0]  }
0x2b6: {  	p0 =	slt.u32 s26, $0x7C;
	v15 =	vadd.s32 $0x8CD0, v6;
	[tilespmem:s29+$0x0] =	vst v18;
	v26 =	vld.idx.msk [tilespmem:v11+s16+$0x0], $0xffff  }
0x2b7: {  	s20 =	smov.u32 s24;
	s24 =	smov.u32 s7;
	s5 =	smov.u32 s30;
	v27 =	vld.idx.msk [tilespmem:v12+s16+$0x0], $0xffff  }
0x2b8: {  	s13 =	smov.u32 s12;
	s1 =	smov.u32 s18;
	s6 =	sadd.s32 s5, s10;
	v29 =	vld.idx.msk [tilespmem:v19+s16+$0x0], $0xffff  }
0x2b9: {  	s12 =	smov.u32 s9;
	s30 =	smov.u32 s4;
	s7 =	sadd.s32 s1, s6;
	v22 =	vld.idx.msk [tilespmem:v17+s16+$0x0], $0xffff  }
.Ltmp22:
0x2ba: {  	s18 =	smov.u32 s19;
	s9 =	sadd.s32 s20, s6;
	v16 =	vadd.s32 $0x2EF0, v20;
	v11 =	vadd.s32 $0x5DE0, v20;
	v28 =	vadd.s32 $0x8CD0, v20;
	[tilespmem:s7+$0x0] =	vst v14;
	v20 =	vld.idx.msk [tilespmem:v20+s16+$0x0], $0xffff;
	(pc) =	sbr.rel @p0 .LBB2_44-.Ltmp22, $4  }
0x2bb: {  	s19 =	smov.u32 s31;
	s31 =	smov.u32 s0;
	s28 =	sadd.s32 s13, s6;
	[tilespmem:s9+$0x0] =	vst v24;
	v15 =	vld.idx.msk [tilespmem:v15+s16+$0x0], $0xffff  }
0x2bc: {  	v6 =	vmov v19;
	v25 =	vadd.s32 $0x8CD0, v17;
	s29 =	sadd.s32 s5, s14;
	s0 =	sadd.s32 s19, s6;
	s9 =	sadd.s32 s30, s8;
	[tilespmem:s28+$0x0] =	vst v26;
	v19 =	vld.idx.msk [tilespmem:v8+s16+$0x0], $0xffff  }
0x2bd: {  	s1 =	sadd.s32 s1, s29;
	v18 =	vadd.s32 $0x2EF0, v21;
	v12 =	vadd.s32 $0x5DE0, v21;
	v14 =	vadd.s32 $0x8CD0, v21;
	s28 =	sadd.s32 s18, s9;
	v21 =	vld.idx.msk [tilespmem:v21+s16+$0x0], $0xffff;
	[tilespmem:s0+$0x0] =	vst v27  }
0x2be: {  	v13 =	vadd.s32 $0x2EF0, v17;
	v10 =	vadd.s32 $0x5DE0, v17;
	v23 =	vadd.s32 $0x2EF0, v6;
	s4 =	sadd.s32 s24, s9;
	v8 =	vmovc v25;
	s5 =	sadd.s32 s12, s9;
	v17 =	vld.idx.msk [tilespmem:v9+s16+$0x0], $0xffff;
	v9 =	vmovc v28;
	s0 =	sadd.s32 s31, s9;
	[tilespmem:s28+$0x0] =	vst v29  }
0x2bf: {  	_ =	sdelay $0x3  }
0x2c0: {  	[tilespmem:s4+$0x0] =	vst v22;
	v60 =	vld.idx.msk [tilespmem:v23+s16+$0x0], $0xffff  }
0x2c1: {  	[tilespmem:s5+$0x0] =	vst v20;
	v61 =	vadd.s32 $0x5DE0, v6;
	v13 =	vld.idx.msk [tilespmem:v13+s16+$0x0], $0xffff  }
0x2c2: {  	v16 =	vld.idx.msk [tilespmem:v16+s16+$0x0], $0xffff;
	[tilespmem:s0+$0x0] =	vst v21  }
0x2c3: {  	s9 =	sadd.s32 s30, s22;
	v18 =	vld.idx.msk [tilespmem:v18+s16+$0x0], $0xffff  }
0x2c4: {  	s2 =	sadd.s32 s18, s9  }
0x2c5: {  	s21 =	sadd.s32 s24, s9;
	[tilespmem:s2+$0x0] =	vst v60  }
0x2c6: {  	s26 =	sadd.s32 s12, s9;
	[tilespmem:s21+$0x0] =	vst v13;
	v62 =	vld.idx.msk [tilespmem:v61+s16+$0x0], $0xffff  }
0x2c7: {  	v6 =	vadd.s32 $0x8CD0, v6;
	s0 =	sadd.s32 s31, s9;
	[tilespmem:s26+$0x0] =	vst v16;
	v10 =	vld.idx.msk [tilespmem:v10+s16+$0x0], $0xffff  }
0x2c8: {  	v11 =	vld.idx.msk [tilespmem:v11+s16+$0x0], $0xffff;
	[tilespmem:s0+$0x0] =	vst v18  }
0x2c9: {  	s28 =	sadd.s32 s20, s29;
	[tilespmem:s1+$0x0] =	vst v15;
	s2 =	sadd.s32 s30, s10;
	v12 =	vld.idx.msk [tilespmem:v12+s16+$0x0], $0xffff  }
0x2ca: {  	[tilespmem:s28+$0x0] =	vst v19;
	s4 =	sadd.s32 s18, s2  }
0x2cb: {  	v7 =	vld.idx.msk [tilespmem:v7+s16+$0x0], $0xffff;
	s5 =	sadd.s32 s24, s2;
	[tilespmem:s4+$0x0] =	vst v62  }
0x2cc: {  	s6 =	sadd.s32 s12, s2;
	[tilespmem:s5+$0x0] =	vst v10;
	v6 =	vld.idx.msk [tilespmem:v6+s16+$0x0], $0xffff  }
0x2cd: {  	s7 =	sadd.s32 s31, s2;
	[tilespmem:s6+$0x0] =	vst v11;
	v8 =	vld.idx.msk [tilespmem:v8+s16+$0x0], $0xffff  }
0x2ce: {  	s9 =	sadd.s32 s13, s29;
	v9 =	vld.idx.msk [tilespmem:v9+s16+$0x0], $0xffff;
	[tilespmem:s7+$0x0] =	vst v12  }
0x2cf: {  	s13 =	sadd.s32 s19, s29;
	s19 =	sadd.s32 s30, s14;
	[tilespmem:s9+$0x0] =	vst v17;
	v63 =	vld.idx.msk [tilespmem:v14+s16+$0x0], $0xffff  }
0x2d0: {  	s20 =	sadd.s32 s18, s19;
	[tilespmem:s13+$0x0] =	vst v7  }
0x2d1: {  	s21 =	sadd.s32 s24, s19;
	[tilespmem:s20+$0x0] =	vst v6  }
0x2d2: {  	s26 =	sadd.s32 s12, s19;
	[tilespmem:s21+$0x0] =	vst v8  }
0x2d3: {  	s0 =	sadd.s32 s31, s19;
	s2 =	rddreg [dreg:$0x16];
	[tilespmem:s26+$0x0] =	vst v9  }
0x2d4: {  	s24 =	sshll.u32 s15, $0xB;
	[tilespmem:s0+$0x0] =	vst v63  }
0x2d5: {  	s28 =	sadd.s32 $0x3, s23;
	s2 =	sadd.s32 s2, s24;
	s4 =	rddreg [dreg:$0x9]  }
0x2d6: {  	s1 =	sadd.s32 s11, s24;
	s2 =	sshrl.u32 s2, $0x3;
	s29 =	sld [smem:$0x7F8]  }
0x2d7: {  	s15 =	sadd.s32 $0x1, s15;
	s1 =	sshrl.u32 s1, $0x3;
	s2 =	sadd.s32 s4, s2  }
0x2d8: {  	[hbm4b:s2+s3] =	stream.linear.scatter [tilespmem:s8], [sflag:s28], $0x800, $0x38;
	[tilespmem:$0x1F900] =	vst v63  }
0x2d9: {  	p0 =	sne.s32 s15, $0x40;
	s30 =	sld [smem:$0x7F9];
	s2 =	sadd.s32 s1, s29  }
0x2da: {  	[hbm4b:s2+s3] =	stream.linear.scatter [tilespmem:s22], [sflag:s28], $0x800, $0x38;
	[tilespmem:$0x1F900] =	vst v63  }
.Ltmp23:
0x2db: {  	s31 =	sld [smem:$0x7FA];
	(pc) =	sbr.rel @p0 .LBB2_43-.Ltmp23, $4  }
0x2dc: {  	s2 =	sadd.s32 s1, s30  }
0x2dd: {  	[hbm4b:s2+s3] =	stream.linear.scatter [tilespmem:s10], [sflag:s28], $0x800, $0x38;
	[tilespmem:$0x1F900] =	vst v63  }
0x2de: {  	s1 =	sadd.s32 s1, s31  }
0x2df: {  	[hbm4b:s1+s3] =	stream.linear.scatter [tilespmem:s14], [sflag:s28], $0x800, $0x38;
	[tilespmem:$0x1F900] =	vst v63  }
0x2e0: {  	s0 =	simm.s32 $0x3  }
0x2e1: {  	_ =	swait.ge [sflag:s0], $0x2000  }
0x2e2: {  	[sflag:s0] =	ssyncset.done $0x0  }
0x2e3: {  	s29 =	simm.s32 $0x4;
	[sflag:s0] =	ssyncadd.s32 $0xFFFFE000  }
0x2e4: {  	_ =	swait.ge [sflag:s29], $0x2000  }
0x2e5: {  	[sflag:s29] =	ssyncset.done $0x0  }
0x2e6: {  	s30 =	simm.s32 $0x6;
	[sflag:s29] =	ssyncadd.s32 $0xFFFFE000  }
0x2e7: {  	_ =	swait.ge [sflag:s30], $0x2EE0  }
0x2e8: {  	[sflag:s30] =	ssyncset.done $0x0  }
0x2e9: {  	[sflag:s30] =	ssyncadd.s32 $0xFFFFD120  }
0x2ea: {  	_ =	swait.ge [sflag:s30], $0x2EE0  }
0x2eb: {  	s8 =	simm.s32 $0x0;
	[sflag:s30] =	ssyncset.done $0x0  }
0x2ec: {  	s0 =	simm.s32 $0x0;
	s31 =	rddreg [dreg:$0x13];
	[sflag:s30] =	ssyncadd.s32 $0xFFFFD120  }
0x2ed: {  	[tilespmem:s16], [sflag:$0x5] =	stream.linear.gather [hbm4b:s31+s8], $0xBBC0, $0x38;
	[tilespmem:$0x1F900] =	vst v63  }
.LBB2_47:
0x2ee: {  	p0 =	sne.s32 s0, $0x7FC0  }
.Ltmp24:
0x2ef: {  	_ = 	snop;
	(pc) =	sbr.rel @p0 .LBB2_47-.Ltmp24, $3  }
0x2f0: {  	_ =	sdelay $0x1  }
0x2f1: {  	s1 =	sshra.s32 s0, $0x2  }
0x2f2: {  	s0 =	sadd.s32 $0x40, s0;
	[tilespmem:s1+$0x5E00] =	vst v2  }
0x2f3: {  	s0 =	simm.s32 $0x2F00;
	v7 =	vld [tilespmem:s8+$0x0]  }
0x2f4: {  	v6 =	vld [tilespmem:s0+$0x0];
	_ =	sdelay $0x4  }
0x2f5: {  	v8 =	vor.u32 v7, v6;
	v7 =	vshll.u32 v7, $0x9  }
0x2f6: {  	vm1 =	vlt.u32 v8, $0x200;
	v6 =	vadd.s32 v6, v7  }
0x2f7: {  	v6 =	vnsel vm1, $0xFFFFFFFF, v6  }
0x2f8: {  	vm1 =	vge.s32 v6, v0;
	vm2 =	vlt.s32 v6, v1  }
0x2f9: {  	vm1 =	vmand vm1, vm2  }
0x2fa: {  	v7 =	vsel vm1, $0x1, v4  }
0x2fb: {  	(xrf0) =	vadd.scan.msk.s32 $0xffff, v7;
	_ =	sdelay $0x2  }
0x2fc: {  	v6 =	vshll.u32 v6, $0xE  }
0x2fd: {  	v6 =	vadd.s32 s8, v6  }
0x2fe: {  	v6 =	vadd.s32 v3, v6  }
0x2ff: {  	s12 =	simm.s32 $0x2F10;
	[tilespmem:s8+$0x7E00] =	vst.msk vm1, v6;
	v7, _, _ =	vpop (xrf0)  }
0x300: {  	s10 =	simm.s32 $0x10;
	v6 =	vld [tilespmem:s12+$0x0];
	(v2sf) =	vpush v7, $0xF  }
0x301: {  	s13 =	simm.s32 $0x20;
	s14 =	simm.s32 $0x10;
	v7 =	vld [tilespmem:s10+$0x0]  }
.LBB2_49:
0x302: {  	p0 =	sne.s32 s13, $0x2ED0;
	_ =	sdelay $0x3  }
0x303: {  	v8 =	vor.u32 v7, v6;
	v7 =	vshll.u32 v7, $0x9  }
0x304: {  	vm1 =	vlt.u32 v8, $0x200;
	v6 =	vadd.s32 v6, v7  }
0x305: {  	v6 =	vnsel vm1, $0xFFFFFFFF, v6  }
0x306: {  	vm1 =	vge.s32 v6, v0;
	vm2 =	vlt.s32 v6, v1;
	v6 =	vshll.u32 v6, $0xE  }
0x307: {  	vm1 =	vmand vm1, vm2  }
0x308: {  	v7 =	vsel vm1, $0x1, v4  }
0x309: {  	(xrf0) =	vadd.scan.msk.s32 $0xffff, v7;
	_ =	sdelay $0x2  }
0x30a: {  	v6 =	vadd.s32 s10, v6;
	s10 =	smov.u32 s13;
	s0 =	spop (v2sf)  }
.Ltmp25:
0x30b: {  	v6 =	vadd.s32 v3, v6;
	s8 =	sadd.s32 s8, s0;
	(pc) =	sbr.rel @p0 .LBB2_49-.Ltmp25, $4  }
0x30c: {  	[tilespmem:s8+$0x7E00] =	vst.msk vm1, v6  }
0x30d: {  	s12 =	sadd.s32 $0x10, s12;
	v7, _, _ =	vpop (xrf0)  }
0x30e: {  	s14 =	sadd.s32 $0x10, s14;
	v6 =	vld [tilespmem:s12+$0x0];
	(v2sf) =	vpush v7, $0xF  }
0x30f: {  	s13 =	sadd.s32 $0x10, s13;
	v7 =	vld [tilespmem:s14+$0x0]  }
0x310: {  	_ =	sdelay $0x3  }
0x311: {  	v8 =	vor.u32 v7, v6;
	v7 =	vshll.u32 v7, $0x9  }
0x312: {  	vm1 =	vlt.u32 v8, $0x200;
	v6 =	vadd.s32 v6, v7  }
0x313: {  	v6 =	vnsel vm1, $0xFFFFFFFF, v6  }
0x314: {  	vm1 =	vge.s32 v6, v0;
	vm2 =	vlt.s32 v6, v1  }
0x315: {  	vm1 =	vmand vm1, vm2  }
0x316: {  	v7 =	vsel vm1, $0x1, v4  }
0x317: {  	(xrf0) =	vadd.scan.msk.s32 $0xffff, v7;
	_ =	sdelay $0x5  }
0x318: {  	v7, _, _ =	vpop (xrf0)  }
0x319: {  	(v2sf) =	vpush v7, $0xF;
	_ =	sdelay $0xd  }
0x31a: {  	s0 =	spop (v2sf)  }
0x31b: {  	s2 =	sadd.s32 s8, s0;
	s31 =	spop (v2sf)  }
0x31c: {  	s0 =	sadd.s32 s2, s31  }
0x31d: {  	s1 =	sadd.s32 $0xF, s0  }
0x31e: {  	s1 =	sshra.s32 s1, $0x4  }
0x31f: {  	p0 =	slt.s32 s1, $0x1  }
.Ltmp26:
0x320: {  	_ = 	snop;
	(pc) =	sbr.rel @p0 .LBB2_57-.Ltmp26, $4  }
0x321: {  	v6 =	vshll.u32 v6, $0xE  }
0x322: {  	v6 =	vadd.s32 s10, v6  }
0x323: {  	v6 =	vadd.s32 v3, v6  }
0x324: {  	[tilespmem:s2+$0x7E00] =	vst.msk vm1, v6  }
0x325: {  	p1 =	sne.s32 s1, $0x1  }
.Ltmp27:
0x326: {  	_ = 	snop;
	(pc) =	sbr.rel @!p1 .LBB2_52-.Ltmp27, $3  }
0x327: {  	_ =	sdelay $0x1  }
0x328: {  	s2 =	simm.s32 $0x7E00  }
0x329: {  	v6 =	vmov s0;
	s8 =	simm.s32 $0x0;
	s0 =	sadd.s32 $0xFFFFFFFF, s1;
	p0 =	por $0x0, $0x0;
	v7 =	vld [tilespmem:s2+$0x0]  }
0x32a: {  	_ =	sdelay $0x1  }
0x32b: {  	v8 =	vor.u32 s8, v3  }
0x32c: {  	vm1 =	vlt.s32 v8, v6  }
0x32d: {  	(xrf1) =	vsort.ascd.msk.u32 vm1, v7, v7;
	_ =	sdelay $0xd  }
0x32e: {  	v7, v8, vm1 =	vpop (xrf1)  }
0x32f: {  	v7 =	vshrl.u32 v7, $0xE  }
0x330: {  	v7 =	vnsel vm1, $0xFFFFFFF9, v7  }
0x331: {  	v9 =	vperm.xlane v7, v5;
	_ =	sdelay $0x1  }
0x332: {  	vm2 =	vne.s32 v7, v9  }
0x333: {  	v63 =	vsub.s32 v7, v0;
	vm2 =	vmor vm2, vm0  }
0x334: {  	v9 =	vand.u32 $0xFFFFFF80, v63;
	v7 =	vand.u32 $0x7F, v7;
	vm1 =	vmand vm1, vm2  }
0x335: {  	v7 =	vor.u32 v7, v9  }
0x336: {  	p1 =	sne.s32 s0, $0x1  }
.Ltmp28:
0x337: {  	_ = 	snop;
	(pc) =	sbr.rel @!p1 .LBB2_54-.Ltmp28, $4  }
0x338: {  	_ = 	snop  }
0x339: {  	v8 =	vand.u32 $0x3FFF, v8  }
0x33a: {  	s12 =	simm.s32 $0x7E10;
	[tilespmem:v7+s17+$0x0] =	vst.idx.msk vm1, v8  }
0x33b: {  	s13 =	sadd.s32 $0xFFFFFFFF, s0;
	p0 =	por $0x1, $0x1;
	s10 =	simm.s32 $0x0;
	v7 =	vld [tilespmem:s12+$0x0]  }
.LBB2_55:
0x33c: {  	p1 =	sne.s32 s13, $0x1  }
0x33d: {  	s10 =	sadd.s32 $0x10, s10  }
0x33e: {  	v8 =	vor.u32 s10, v3  }
0x33f: {  	vm1 =	vlt.s32 v8, v6  }
0x340: {  	(xrf1) =	vsort.ascd.msk.u32 vm1, v7, v7;
	_ =	sdelay $0xd  }
0x341: {  	v7, v8, vm1 =	vpop (xrf1)  }
0x342: {  	v7 =	vshrl.u32 v7, $0xE  }
0x343: {  	v7 =	vnsel vm1, $0xFFFFFFF9, v7  }
0x344: {  	v9 =	vperm.xlane v7, v5;
	_ =	sdelay $0x1  }
0x345: {  	vm2 =	vne.s32 v7, v9  }
0x346: {  	v9 =	vsub.s32 v7, v0;
	vm2 =	vmor vm2, vm0  }
0x347: {  	v7 =	vand.u32 $0x7F, v7;
	v9 =	vand.u32 $0xFFFFFF80, v9;
	vm1 =	vmand vm1, vm2  }
0x348: {  	v7 =	vor.u32 v7, v9;
	_ =	sdelay $0x1  }
.Ltmp29:
0x349: {  	(pc) =	sbr.rel @p1 .LBB2_55-.Ltmp29, $4  }
0x34a: {  	_ = 	snop  }
0x34b: {  	v8 =	vand.u32 $0x3FFF, v8  }
0x34c: {  	s12 =	sadd.s32 $0x10, s12;
	[tilespmem:v7+s17+$0x0] =	vst.idx.msk vm1, v8  }
0x34d: {  	s13 =	sadd.s32 $0xFFFFFFFF, s13;
	v7 =	vld [tilespmem:s12+$0x0]  }
.LBB2_56:
0x34e: {  	s0 =	sadd.s32 @p0 $0x10, s10  }
0x34f: {  	s8 =	smov.u32 @p0 s0  }
0x350: {  	v8 =	vor.u32 s8, v3  }
0x351: {  	vm1 =	vlt.s32 v8, v6  }
0x352: {  	(xrf1) =	vsort.ascd.msk.u32 vm1, v7, v7;
	_ =	sdelay $0xd  }
0x353: {  	v6, v7, vm1 =	vpop (xrf1)  }
0x354: {  	v6 =	vshrl.u32 v6, $0xE  }
0x355: {  	v6 =	vnsel vm1, $0xFFFFFFF9, v6  }
0x356: {  	v62 =	vperm.xlane v6, v5;
	_ =	sdelay $0x1  }
0x357: {  	vm2 =	vne.s32 v6, v62  }
0x358: {  	v63 =	vsub.s32 v6, v0;
	vm2 =	vmor vm2, vm0  }
0x359: {  	v8 =	vand.u32 $0xFFFFFF80, v63;
	v6 =	vand.u32 $0x7F, v6;
	vm1 =	vmand vm1, vm2  }
0x35a: {  	v6 =	vor.u32 v6, v8;
	_ =	sdelay $0x3  }
0x35b: {  	v7 =	vand.u32 $0x3FFF, v7  }
0x35c: {  	[tilespmem:v6+s17+$0x0] =	vst.idx.msk vm1, v7  }
.LBB2_57:
0x35d: {  	s0 =	rddreg [dreg:$0x14];
	s29 =	simm.s32 $0x7  }
0x35e: {  	[spmem:s0] =	stream.linear.scatter [tilespmem:s17], [sflag:$0x7], $0x2000, $0x38;
	[tilespmem:$0x1F900] =	vst v63  }
0x35f: {  	_ =	swait.ge [sflag:s29], $0x2000  }
0x360: {  	[sflag:s29] =	ssyncset.done $0x0  }
0x361: {  	[sflag:s29] =	ssyncadd.s32 $0xFFFFE000  }
0x362: {  	s30 =	simm.s32 $0x5;
	[bflag:$0x0] =	sbarrier.arrive $0xFFFF  }
0x363: {  	_ =	swait.ge [sflag:s30], $0xBBC0  }
0x364: {  	s1 =	simm.s32 $0x16900;
	s25 =	simm.s32 $0x0;
	[sflag:s30] =	ssyncset.done $0x0  }
0x365: {  	s15 =	simm.s32 $0x0;
	s31 =	rddreg [dreg:$0x1b];
	[sflag:s30] =	ssyncadd.s32 $0xFFFF4440  }
0x366: {  	[tilespmem:s1], [sflag:$0x1] =	stream.linear.gather [spmem:s31], $0x800, $0x38;
	[tilespmem:$0x1F900] =	vst v63  }
.LBB2_58:
0x367: {  	p0 =	seq.s32 s15, $0x3F  }
0x368: {  	s0 =	sadd.s32 @!p0 $0x1, s15  }
0x369: {  	s23 =	sand.u32 $0x1, s15;
	s1 =	sshll.u32 @!p0 s0, $0xB  }
0x36a: {  	s4 =	rddreg [dreg:$0x2];
	s0 =	sand.u32 @!p0 $0x1, s0;
	s1 =	sand.u32 @!p0 $0x3FFFF800, s1  }
0x36b: {  	s21 =	sadd.s32 $0x1, s23;
	s2 =	sshll.u32 @!p0 s0, $0xB;
	s1 =	sadd.s32 @!p0 s1, s4  }
0x36c: {  	s0 =	sadd.s32 @!p0 $0x1, s0;
	s2 =	sadd.s32 @!p0 $0x16900, s2;
	s1 =	sadd.s32 @!p0 $0x20000, s1  }
0x36d: {  	[tilespmem:s2], [sflag:s0] =	stream.linear.gather @!p0 [spmem:s1], $0x800, $0x38;
	[tilespmem:$0x1F900] =	vst v63  }
0x36e: {  	s14 =	sshll.u32 s23, $0xD;
	_ =	swait.ge [sflag:s21], $0x800  }
0x36f: {  	s22 =	sshrl.u32 s14, $0x2;
	p0 =	slt.u32 s15, $0x2;
	[sflag:s21] =	ssyncset.done $0x0  }
0x370: {  	s1 =	sadd.s32 $0x16900, s22;
	s0 =	sadd.s32 @!p0 $0x3, s23;
	[sflag:s21] =	ssyncadd.s32 $0xFFFFF800  }
0x371: {  	_ =	swait.ge @!p0 [sflag:s0], $0x2000;
	[dreg:$0x7] =	wrdreg s1  }
0x372: {  	s29 =	sand.u32 $0x780, s25;
	s20 =	sand.u32 $0x40, s25;
	s1 =	rddreg [dreg:$0x7]  }
0x373: {  	s28 =	sor.u32 $0x30, s20;
	[sflag:s0] =	ssyncset.done @!p0 $0x0;
	s1 =	sadd.s32 s29, s1  }
0x374: {  	[sflag:s0] =	ssyncadd.s32 @!p0 $0xFFFFE000;
	s24 =	sadd.s32 s28, s1  }
0x375: {  	s13 =	sor.u32 $0x10, s20;
	s26 =	sadd.s32 s20, s1;
	v7 =	vld [tilespmem:s24+$0x0]  }
0x376: {  	s19 =	sor.u32 $0x20, s20;
	s4 =	sadd.s32 s13, s1;
	v8 =	vld [tilespmem:s26+$0x0]  }
0x377: {  	s1 =	sadd.s32 s19, s1;
	v9 =	vld [tilespmem:s4+$0x0]  }
0x378: {  	v10 =	vld [tilespmem:s1+$0x0];
	_ =	sdelay $0x4  }
0x379: {  	s21 =	simm.s32 $0x40;
	v6 =	vld.idx.msk [tilespmem:v7+s16+$0x0], $0xffff  }
0x37a: {  	s30 =	sand.u32 $0x780, s21;
	s9 =	rddreg [dreg:$0x7];
	v12 =	vadd.s32 $0x2EF0, v7;
	v11 =	vld.idx.msk [tilespmem:v8+s16+$0x0], $0xffff  }
0x37b: {  	s8 =	sadd.s32 $0x17900, s14;
	s24 =	sand.u32 $0x40, s21;
	s1 =	sadd.s32 s30, s9;
	v13 =	vadd.s32 $0x2EF0, v8;
	v14 =	vld.idx.msk [tilespmem:v9+s16+$0x0], $0xffff  }
0x37c: {  	s5 =	sadd.s32 s29, s8;
	s18 =	sor.u32 $0x30, s24;
	s26 =	sadd.s32 s24, s1;
	v15 =	vadd.s32 $0x2EF0, v9;
	v16 =	vld.idx.msk [tilespmem:v10+s16+$0x0], $0xffff  }
0x37d: {  	s6 =	sadd.s32 s28, s5;
	s12 =	sadd.s32 s18, s1;
	v18 =	vld [tilespmem:s26+$0x0];
	v17 =	vadd.s32 $0x2EF0, v10  }
0x37e: {  	s7 =	sadd.s32 s20, s5;
	[tilespmem:s6+$0x0] =	vst v6;
	v6 =	vld [tilespmem:s12+$0x0]  }
0x37f: {  	s10 =	sadd.s32 s13, s5;
	[tilespmem:s7+$0x0] =	vst v11;
	v12 =	vld.idx.msk [tilespmem:v12+s16+$0x0], $0xffff  }
0x380: {  	s0 =	sadd.s32 s19, s5;
	[tilespmem:s10+$0x0] =	vst v14;
	v11 =	vld.idx.msk [tilespmem:v13+s16+$0x0], $0xffff  }
0x381: {  	[tilespmem:s0+$0x0] =	vst v16;
	s12 =	sor.u32 $0x10, s24;
	v13 =	vadd.s32 $0x5DE0, v7;
	v14 =	vld.idx.msk [tilespmem:v15+s16+$0x0], $0xffff  }
0x382: {  	s22 =	sor.u32 $0x18100, s14;
	s31 =	sor.u32 $0x20, s24;
	v16 =	vadd.s32 $0x5DE0, v8;
	v15 =	vld.idx.msk [tilespmem:v17+s16+$0x0], $0xffff;
	s6 =	sadd.s32 s12, s1  }
0x383: {  	s2 =	sadd.s32 s29, s22;
	v17 =	vadd.s32 $0x5DE0, v9;
	s1 =	sadd.s32 s31, s1;
	v19 =	vld [tilespmem:s6+$0x0]  }
0x384: {  	s5 =	sadd.s32 s28, s2;
	v23 =	vld [tilespmem:s1+$0x0]  }
0x385: {  	v22 =	vld.idx.msk [tilespmem:v18+s16+$0x0], $0xffff;
	s7 =	sadd.s32 s20, s2;
	[tilespmem:s5+$0x0] =	vst v12;
	v12 =	vadd.s32 $0x5DE0, v10  }
0x386: {  	s9 =	sadd.s32 s13, s2;
	[tilespmem:s7+$0x0] =	vst v11;
	v13 =	vld.idx.msk [tilespmem:v13+s16+$0x0], $0xffff  }
0x387: {  	[tilespmem:s9+$0x0] =	vst v14;
	v11 =	vld.idx.msk [tilespmem:v16+s16+$0x0], $0xffff  }
0x388: {  	s26 =	sadd.s32 s19, s2;
	s10 =	sor.u32 $0x18900, s14;
	v7 =	vadd.s32 $0x8CD0, v7;
	v14 =	vld.idx.msk [tilespmem:v17+s16+$0x0], $0xffff  }
0x389: {  	s2 =	sadd.s32 s29, s10;
	[tilespmem:s26+$0x0] =	vst v15;
	v17 =	vadd.s32 $0x8CD0, v8;
	v24 =	vld.idx.msk [tilespmem:v6+s16+$0x0], $0xffff  }
0x38a: {  	v25 =	vadd.s32 $0x8CD0, v9;
	s4 =	sadd.s32 s28, s2;
	v12 =	vld.idx.msk [tilespmem:v12+s16+$0x0], $0xffff  }
0x38b: {  	s5 =	sadd.s32 s20, s2;
	v20 =	vld.idx.msk [tilespmem:v19+s16+$0x0], $0xffff;
	[tilespmem:s4+$0x0] =	vst v13  }
0x38c: {  	s14 =	sor.u32 $0x19100, s14;
	s6 =	sadd.s32 s13, s2;
	s7 =	sadd.s32 s30, s8;
	v8 =	vadd.s32 $0x8CD0, v18;
	v16 =	vadd.s32 $0x2EF0, v19;
	v21 =	vld.idx.msk [tilespmem:v23+s16+$0x0], $0xffff;
	[tilespmem:s5+$0x0] =	vst v11  }
0x38d: {  	s29 =	sadd.s32 s29, s14;
	v9 =	vadd.s32 $0x8CD0, v19;
	s9 =	sadd.s32 s18, s7;
	v13 =	vadd.s32 $0x2EF0, v18;
	[tilespmem:s6+$0x0] =	vst v14;
	v11 =	vadd.s32 $0x5DE0, v19;
	v15 =	vld.idx.msk [tilespmem:v7+s16+$0x0], $0xffff  }
0x38e: {  	s0 =	sadd.s32 s19, s2;
	s1 =	sadd.s32 s28, s29;
	s26 =	simm.s32 $0x4;
	v14 =	vadd.s32 $0x8CD0, v23;
	v7 =	vadd.s32 $0x8CD0, v10;
	v10 =	vadd.s32 $0x5DE0, v18;
	v19 =	vld.idx.msk [tilespmem:v17+s16+$0x0], $0xffff;
	[tilespmem:s9+$0x0] =	vst v24  }
0x38f: {  	s4 =	sadd.s32 s24, s7;
	s5 =	sadd.s32 s12, s7;
	v18 =	vadd.s32 $0x2EF0, v23;
	v17 =	vld.idx.msk [tilespmem:v25+s16+$0x0], $0xffff;
	[tilespmem:s0+$0x0] =	vst v12;
	v12 =	vadd.s32 $0x5DE0, v23;
	v23 =	vadd.s32 $0x2EF0, v6;
	s0 =	sadd.s32 s31, s7  }
.LBB2_59:
0x390: {  	_ =	sdelay $0x3  }
0x391: {  	v23 =	vld.idx.msk [tilespmem:v23+s16+$0x0], $0xffff;
	[tilespmem:s4+$0x0] =	vst v22  }
0x392: {  	s21 =	sadd.s32 $0x40, s21;
	v13 =	vld.idx.msk [tilespmem:v13+s16+$0x0], $0xffff;
	[tilespmem:s5+$0x0] =	vst v20  }
0x393: {  	s2 =	rddreg [dreg:$0x7];
	s7 =	sand.u32 $0x40, s21;
	s4 =	sand.u32 $0x780, s21;
	[tilespmem:s1+$0x0] =	vst v15;
	v15 =	vld.idx.msk [tilespmem:v7+s16+$0x0], $0xffff  }
0x394: {  	s5 =	sadd.s32 s19, s29;
	s2 =	sadd.s32 s4, s2;
	s19 =	sor.u32 $0x30, s7;
	v7 =	vmov v14;
	v14 =	vadd.s32 $0x5DE0, v6;
	v16 =	vld.idx.msk [tilespmem:v16+s16+$0x0], $0xffff;
	[tilespmem:s0+$0x0] =	vst v21  }
0x395: {  	s6 =	sadd.s32 s20, s29;
	s1 =	sadd.s32 s13, s29;
	s13 =	sadd.s32 s19, s2;
	v18 =	vld.idx.msk [tilespmem:v18+s16+$0x0], $0xffff  }
0x396: {  	s20 =	sadd.s32 s30, s22;
	s9 =	sor.u32 $0x10, s7;
	[tilespmem:s6+$0x0] =	vst v19;
	s6 =	sadd.s32 s7, s2;
	v19 =	vld [tilespmem:s13+$0x0]  }
0x397: {  	s0 =	sor.u32 $0x20, s7;
	s28 =	sadd.s32 s9, s2;
	s13 =	sadd.s32 s18, s20;
	[tilespmem:s1+$0x0] =	vst v17;
	v17 =	vld [tilespmem:s6+$0x0]  }
0x398: {  	s1 =	sadd.s32 s0, s2;
	s2 =	sadd.s32 s24, s20;
	[tilespmem:s13+$0x0] =	vst v23;
	v20 =	vld [tilespmem:s28+$0x0]  }
0x399: {  	[tilespmem:s2+$0x0] =	vst v13;
	v14 =	vld.idx.msk [tilespmem:v14+s16+$0x0], $0xffff  }
0x39a: {  	s6 =	sadd.s32 s12, s20;
	[tilespmem:s5+$0x0] =	vst v15;
	v24 =	vld.idx.msk [tilespmem:v10+s16+$0x0], $0xffff  }
0x39b: {  	s26 =	sadd.s32 $0x4, s26;
	s29 =	sadd.s32 s31, s20;
	[tilespmem:s6+$0x0] =	vst v16;
	v21 =	vld [tilespmem:s1+$0x0]  }
0x39c: {  	p0 =	slt.u32 s26, $0x7C;
	v15 =	vadd.s32 $0x8CD0, v6;
	[tilespmem:s29+$0x0] =	vst v18;
	v26 =	vld.idx.msk [tilespmem:v11+s16+$0x0], $0xffff  }
0x39d: {  	s20 =	smov.u32 s24;
	s24 =	smov.u32 s7;
	s5 =	smov.u32 s30;
	v27 =	vld.idx.msk [tilespmem:v12+s16+$0x0], $0xffff  }
0x39e: {  	s13 =	smov.u32 s12;
	s1 =	smov.u32 s18;
	s6 =	sadd.s32 s5, s10;
	v29 =	vld.idx.msk [tilespmem:v19+s16+$0x0], $0xffff  }
0x39f: {  	s12 =	smov.u32 s9;
	s30 =	smov.u32 s4;
	s7 =	sadd.s32 s1, s6;
	v22 =	vld.idx.msk [tilespmem:v17+s16+$0x0], $0xffff  }
.Ltmp30:
0x3a0: {  	s18 =	smov.u32 s19;
	s9 =	sadd.s32 s20, s6;
	v16 =	vadd.s32 $0x2EF0, v20;
	v11 =	vadd.s32 $0x5DE0, v20;
	v28 =	vadd.s32 $0x8CD0, v20;
	[tilespmem:s7+$0x0] =	vst v14;
	v20 =	vld.idx.msk [tilespmem:v20+s16+$0x0], $0xffff;
	(pc) =	sbr.rel @p0 .LBB2_59-.Ltmp30, $4  }
0x3a1: {  	s19 =	smov.u32 s31;
	s31 =	smov.u32 s0;
	s28 =	sadd.s32 s13, s6;
	[tilespmem:s9+$0x0] =	vst v24;
	v15 =	vld.idx.msk [tilespmem:v15+s16+$0x0], $0xffff  }
0x3a2: {  	v6 =	vmov v19;
	v25 =	vadd.s32 $0x8CD0, v17;
	s29 =	sadd.s32 s5, s14;
	s0 =	sadd.s32 s19, s6;
	s9 =	sadd.s32 s30, s8;
	[tilespmem:s28+$0x0] =	vst v26;
	v19 =	vld.idx.msk [tilespmem:v8+s16+$0x0], $0xffff  }
0x3a3: {  	s1 =	sadd.s32 s1, s29;
	v18 =	vadd.s32 $0x2EF0, v21;
	v12 =	vadd.s32 $0x5DE0, v21;
	v14 =	vadd.s32 $0x8CD0, v21;
	s28 =	sadd.s32 s18, s9;
	v21 =	vld.idx.msk [tilespmem:v21+s16+$0x0], $0xffff;
	[tilespmem:s0+$0x0] =	vst v27  }
0x3a4: {  	v13 =	vadd.s32 $0x2EF0, v17;
	v10 =	vadd.s32 $0x5DE0, v17;
	v23 =	vadd.s32 $0x2EF0, v6;
	s4 =	sadd.s32 s24, s9;
	v8 =	vmovc v25;
	s5 =	sadd.s32 s12, s9;
	v17 =	vld.idx.msk [tilespmem:v9+s16+$0x0], $0xffff;
	v9 =	vmovc v28;
	s0 =	sadd.s32 s31, s9;
	[tilespmem:s28+$0x0] =	vst v29  }
0x3a5: {  	_ =	sdelay $0x3  }
0x3a6: {  	[tilespmem:s4+$0x0] =	vst v22;
	v60 =	vld.idx.msk [tilespmem:v23+s16+$0x0], $0xffff  }
0x3a7: {  	[tilespmem:s5+$0x0] =	vst v20;
	v61 =	vadd.s32 $0x5DE0, v6;
	v13 =	vld.idx.msk [tilespmem:v13+s16+$0x0], $0xffff  }
0x3a8: {  	v16 =	vld.idx.msk [tilespmem:v16+s16+$0x0], $0xffff;
	[tilespmem:s0+$0x0] =	vst v21  }
0x3a9: {  	s9 =	sadd.s32 s30, s22;
	v18 =	vld.idx.msk [tilespmem:v18+s16+$0x0], $0xffff  }
0x3aa: {  	s2 =	sadd.s32 s18, s9  }
0x3ab: {  	s21 =	sadd.s32 s24, s9;
	[tilespmem:s2+$0x0] =	vst v60  }
0x3ac: {  	s26 =	sadd.s32 s12, s9;
	[tilespmem:s21+$0x0] =	vst v13;
	v62 =	vld.idx.msk [tilespmem:v61+s16+$0x0], $0xffff  }
0x3ad: {  	v6 =	vadd.s32 $0x8CD0, v6;
	s0 =	sadd.s32 s31, s9;
	[tilespmem:s26+$0x0] =	vst v16;
	v10 =	vld.idx.msk [tilespmem:v10+s16+$0x0], $0xffff  }
0x3ae: {  	v11 =	vld.idx.msk [tilespmem:v11+s16+$0x0], $0xffff;
	[tilespmem:s0+$0x0] =	vst v18  }
0x3af: {  	s28 =	sadd.s32 s20, s29;
	[tilespmem:s1+$0x0] =	vst v15;
	s2 =	sadd.s32 s30, s10;
	v12 =	vld.idx.msk [tilespmem:v12+s16+$0x0], $0xffff  }
0x3b0: {  	[tilespmem:s28+$0x0] =	vst v19;
	s4 =	sadd.s32 s18, s2  }
0x3b1: {  	v7 =	vld.idx.msk [tilespmem:v7+s16+$0x0], $0xffff;
	s5 =	sadd.s32 s24, s2;
	[tilespmem:s4+$0x0] =	vst v62  }
0x3b2: {  	s6 =	sadd.s32 s12, s2;
	[tilespmem:s5+$0x0] =	vst v10;
	v6 =	vld.idx.msk [tilespmem:v6+s16+$0x0], $0xffff  }
0x3b3: {  	s7 =	sadd.s32 s31, s2;
	[tilespmem:s6+$0x0] =	vst v11;
	v8 =	vld.idx.msk [tilespmem:v8+s16+$0x0], $0xffff  }
0x3b4: {  	s9 =	sadd.s32 s13, s29;
	v9 =	vld.idx.msk [tilespmem:v9+s16+$0x0], $0xffff;
	[tilespmem:s7+$0x0] =	vst v12  }
0x3b5: {  	s13 =	sadd.s32 s19, s29;
	s19 =	sadd.s32 s30, s14;
	[tilespmem:s9+$0x0] =	vst v17;
	v63 =	vld.idx.msk [tilespmem:v14+s16+$0x0], $0xffff  }
0x3b6: {  	s20 =	sadd.s32 s18, s19;
	[tilespmem:s13+$0x0] =	vst v7  }
0x3b7: {  	s21 =	sadd.s32 s24, s19;
	[tilespmem:s20+$0x0] =	vst v6  }
0x3b8: {  	s26 =	sadd.s32 s12, s19;
	[tilespmem:s21+$0x0] =	vst v8  }
0x3b9: {  	s0 =	sadd.s32 s31, s19;
	s2 =	rddreg [dreg:$0x17];
	[tilespmem:s26+$0x0] =	vst v9  }
0x3ba: {  	s24 =	sshll.u32 s15, $0xB;
	[tilespmem:s0+$0x0] =	vst v63  }
0x3bb: {  	s28 =	sadd.s32 $0x3, s23;
	s2 =	sadd.s32 s2, s24;
	s4 =	rddreg [dreg:$0x9]  }
0x3bc: {  	s1 =	sadd.s32 s11, s24;
	s2 =	sshrl.u32 s2, $0x3;
	s29 =	sld [smem:$0x7FB]  }
0x3bd: {  	s15 =	sadd.s32 $0x1, s15;
	s1 =	sshrl.u32 s1, $0x3;
	s2 =	sadd.s32 s4, s2  }
0x3be: {  	[hbm4b:s2+s3] =	stream.linear.scatter [tilespmem:s8], [sflag:s28], $0x800, $0x38;
	[tilespmem:$0x1F900] =	vst v63  }
0x3bf: {  	p0 =	sne.s32 s15, $0x40;
	s30 =	sld [smem:$0x7FC];
	s2 =	sadd.s32 s1, s29  }
0x3c0: {  	[hbm4b:s2+s3] =	stream.linear.scatter [tilespmem:s22], [sflag:s28], $0x800, $0x38;
	[tilespmem:$0x1F900] =	vst v63  }
.Ltmp31:
0x3c1: {  	s31 =	sld [smem:$0x7FD];
	(pc) =	sbr.rel @p0 .LBB2_58-.Ltmp31, $4  }
0x3c2: {  	s2 =	sadd.s32 s1, s30  }
0x3c3: {  	[hbm4b:s2+s3] =	stream.linear.scatter [tilespmem:s10], [sflag:s28], $0x800, $0x38;
	[tilespmem:$0x1F900] =	vst v63  }
0x3c4: {  	s1 =	sadd.s32 s1, s31  }
0x3c5: {  	[hbm4b:s1+s3] =	stream.linear.scatter [tilespmem:s14], [sflag:s28], $0x800, $0x38;
	[tilespmem:$0x1F900] =	vst v63  }
0x3c6: {  	s0 =	simm.s32 $0x3  }
0x3c7: {  	_ =	swait.ge [sflag:s0], $0x2000  }
0x3c8: {  	[sflag:s0] =	ssyncset.done $0x0  }
0x3c9: {  	s1 =	simm.s32 $0x4;
	[sflag:s0] =	ssyncadd.s32 $0xFFFFE000  }
0x3ca: {  	_ =	swait.ge [sflag:s1], $0x2000  }
0x3cb: {  	s2 =	sld [smem:$0x7F6];
	_ =	sdelay $0x2  }
0x3cc: {  	s31 =	rddreg [dreg:$0x19];
	s2 =	sadd.s32 $0x1, s2  }
0x3cd: {  	p0 =	sne.s32 s2, s31  }
.Ltmp32:
0x3ce: {  	_ = 	snop;
	(pc) =	sbr.rel @p0 .LBB2_1-.Ltmp32, $4  }
.Ltmp33:
0x3cf: {  	_ = 	snop;
	(pc) =	sbr.rel @!p0 .LBB2_62-.Ltmp33, $4  }
0x3d0: {  	_ = 	snop  }
0x3d1: {  	[sflag:s1] =	ssyncset.done $0x0  }
0x3d2: {  	[sflag:s1] =	ssyncadd.s32 $0xFFFFE000  }
0x3d3: {  	_ = 	snop  }
.LBB2_7:
.Ltmp34:
0x3d4: {  	(pc) =	sbr.rel .LBB2_11-.Ltmp34, $2  }
0x3d5: {  	_ =	sdelay $0x2  }
0x3d6: {  	s10 =	simm.s32 $0x0  }
.LBB2_22:
.Ltmp35:
0x3d7: {  	(pc) =	sbr.rel .LBB2_26-.Ltmp35, $2  }
0x3d8: {  	_ =	sdelay $0x2  }
0x3d9: {  	s10 =	simm.s32 $0x0  }
.LBB2_37:
.Ltmp36:
0x3da: {  	(pc) =	sbr.rel .LBB2_41-.Ltmp36, $2  }
0x3db: {  	_ =	sdelay $0x2  }
0x3dc: {  	s10 =	simm.s32 $0x0  }
.LBB2_52:
.Ltmp37:
0x3dd: {  	(pc) =	sbr.rel .LBB2_56-.Ltmp37, $2  }
0x3de: {  	_ =	sdelay $0x2  }
0x3df: {  	s10 =	simm.s32 $0x0  }
.LBB2_9:
.Ltmp38:
0x3e0: {  	(pc) =	sbr.rel .LBB2_11-.Ltmp38, $2  }
0x3e1: {  	_ =	sdelay $0x2  }
0x3e2: {  	s10 =	simm.s32 $0x0  }
.LBB2_24:
.Ltmp39:
0x3e3: {  	(pc) =	sbr.rel .LBB2_26-.Ltmp39, $2  }
0x3e4: {  	_ =	sdelay $0x2  }
0x3e5: {  	s10 =	simm.s32 $0x0  }
.LBB2_39:
.Ltmp40:
0x3e6: {  	(pc) =	sbr.rel .LBB2_41-.Ltmp40, $2  }
0x3e7: {  	_ =	sdelay $0x2  }
0x3e8: {  	s10 =	simm.s32 $0x0  }
.LBB2_54:
.Ltmp41:
0x3e9: {  	(pc) =	sbr.rel .LBB2_56-.Ltmp41, $2  }
0x3ea: {  	_ =	sdelay $0x2  }
0x3eb: {  	s10 =	simm.s32 $0x0  }
.LBB2_62:
0x3ec: {  	_ =	sfence.sel $0x180000  }
0x3ed: {  	[bflag:$0x0] =	sbarrier.arrive $0xFFFF  }
0x3ee: {  	_ =	strace $0x90000047  }
0x3ef: {  	s0 =	stileid.u32;
	[bflag:$0x2] =	sbarrier.arrive $0xFFFF  }
0x3f0: {  	p0 =	sne.s32 s0, $0x0;
	s0 =	rddreg [dreg:$0x3]  }
0x3f1: {  	s0 =	sadd.s32 @!p0 $0x100000, s0  }
0x3f2: {  	[sflag:s0] =	ssyncadd.tile.s32 @!p0 $0x1;
	_ =	shalt  }
.Lfunc_end2:
_tile_overlayer_lowered:
.L_overlay_start_2:
0x3f3: {  	(tag) =	ssettag $0x2  }
0x3f4: {  	s0 =	rddreg [dreg:$0x0];
	s2 =	stileid.u32  }
0x3f5: {  	s1 =	rddreg [dreg:$0x1];
	p0 =	sne.s32 s2, $0x0  }
0x3f6: {  	s3 =	rddreg [dreg:$0x2];
	[bflag:$0x3] =	sbarrier.arrive $0xFFFF;
	s2 =	simm.s32 @!p0 $0x1C07  }
0x3f7: {  	[timem:s3], [sflag:s2] =	dma.local @!p0 [hbm:s0], s1  }
0x3f8: {  	s0 =	simm.s32 @!p0 $0x7  }
0x3f9: {  	_ =	swait.ge @!p0 [sflag:s0], s1  }
0x3fa: {  	s1 =	ssub.s32 @!p0 $0x0, s1;
	[sflag:s0] =	ssyncset.done @!p0 $0x0  }
0x3fb: {  	[sflag:s0] =	ssyncadd.s32 @!p0 s1  }
0x3fc: {  	[bflag:$0x3] =	sbarrier.arrive $0xFFFF  }
0x3fd: {  	_ =	shalt  }

</sc_bundles>
